<compile_context>
chip_gen: v7x
topology: tpu7x:2x2x1
jax: 0.10.2.dev20260603
libtpu: 0.0.44.dev20260713+nightly
codegen_flags: <defaults>
</compile_context>

<pallas_src>
import functools

import jax
import jax.numpy as jnp
from jax import lax
from jax.experimental import pallas as pl
from jax.experimental.pallas import tpu as pltpu
from jax.experimental.pallas import tpu_sc as plsc

NC = 2
NS = 16
NW = NC * NS
FPT = 4

_i32 = jnp.int32
_f32 = jnp.float32


def _iota16():
    return lax.iota(_i32, 16)



def _sc_hist_body(Npad, E, dst_hbm, hist_hbm, dbuf, hcnt):
    wid = lax.axis_index("s") * NC + lax.axis_index("c")
    per = E // NW
    base = wid * per

    @plsc.parallel_loop(0, Npad // 16)
    def _zero(i):
        hcnt[pl.ds(i * 16, 16)] = jnp.zeros((16,), _i32)

    pltpu.sync_copy(dst_hbm.at[pl.ds(base, per)], dbuf.at[pl.ds(0, per)])

    ones = jnp.ones((16,), _i32)
    iot = _iota16()

    @plsc.parallel_loop(0, per // 16, unroll=2)
    def _blk(b):
        ev = jnp.full((16,), b * 16, _i32) + iot
        dv = plsc.load_gather(dbuf, [ev])
        plsc.addupdate_scatter(hcnt, [dv], ones)

    pltpu.sync_copy(hcnt, hist_hbm.at[pl.ds(wid * Npad, Npad)])


def _sc_hist(dst, Npad):
    E = dst.shape[0]
    mesh = plsc.VectorSubcoreMesh(core_axis_name="c", subcore_axis_name="s",
                                  num_cores=NC, num_subcores=NS)
    body = functools.partial(_sc_hist_body, Npad, E)
    hist = pl.kernel(
        body,
        out_type=jax.ShapeDtypeStruct((NW * Npad,), _i32),
        mesh=mesh,
        compiler_params=pltpu.CompilerParams(needs_layout_passes=False),
        scratch_types=[
            pltpu.VMEM((((E // NW) + 127) // 128 * 128,), _i32),
            pltpu.VMEM((Npad,), _i32),
        ],
    )(dst)
    return hist.reshape(NW, Npad)



def _sc_scatter_body(Npad, E, CH, xws_hbm, pk_hbm, acc_hbm, xv, av, pbuf):
    wid = lax.axis_index("s") * NC + lax.axis_index("c")
    seg = Npad * FPT
    pltpu.sync_copy(xws_hbm.at[pl.ds(wid * seg, seg)], xv)

    @plsc.parallel_loop(0, seg // 16)
    def _zero(i):
        av[pl.ds(i * 16, 16)] = jnp.zeros((16,), _f32)

    iot = _iota16()
    fpat = iot % FPT
    grp = iot // FPT
    masks = [grp == j for j in range(FPT)]
    srcsel = jnp.full((16,), ((1 << 14) - 1) << 2, _i32)
    dstmask = jnp.full((16,), (1 << 14) - 1, _i32)

    def chunk(c, _):
        pltpu.sync_copy(pk_hbm.at[pl.ds(c * CH, CH)], pbuf)

        @plsc.parallel_loop(0, CH // 16, unroll=8)
        def _blk(b):
            pv16 = pbuf[pl.ds(b * 16, 16)]
            gib = lax.shift_right_logical(pv16, 12) & srcsel
            sib = lax.shift_left(pv16 & dstmask, 2)
            for g in range(4):
                patg = grp + 4 * g
                gi = jnp.take_along_axis(gib, patg, axis=0) | fpat
                si = jnp.take_along_axis(sib, patg, axis=0) | fpat
                v = plsc.load_gather(xv, [gi])
                plsc.addupdate_scatter(av, [si], v)

        return _

    lax.fori_loop(0, E // CH, chunk, 0)
    pltpu.sync_copy(av, acc_hbm.at[pl.ds(wid * seg, seg)])


def _sc_scatter(xws, pk, Npad):
    E = pk.shape[0]
    CH = 32000
    assert E % CH == 0 and CH % 16 == 0
    xws_gm = xws.reshape(Npad, NW, FPT).swapaxes(0, 1).reshape(-1)
    mesh = plsc.VectorSubcoreMesh(core_axis_name="c", subcore_axis_name="s",
                                  num_cores=NC, num_subcores=NS)
    body = functools.partial(_sc_scatter_body, Npad, E, CH)
    acc_gm = pl.kernel(
        body,
        out_type=jax.ShapeDtypeStruct((NW * Npad * FPT,), _f32),
        mesh=mesh,
        compiler_params=pltpu.CompilerParams(needs_layout_passes=False),
        scratch_types=[
            pltpu.VMEM((Npad * FPT,), _f32),
            pltpu.VMEM((Npad * FPT,), _f32),
            pltpu.VMEM((CH,), _i32),
        ],
    )(xws_gm, pk)
    return acc_gm.reshape(NW, Npad, FPT).swapaxes(0, 1).reshape(Npad, 128)



def _tc_a_body(x_ref, hist_ref, Wn_ref, bn_ref, Wg_ref, xws_ref, dinv_ref):
    deg = 1.0 + jnp.sum(hist_ref[...], axis=0).astype(_f32)
    dinv = lax.rsqrt(deg)
    h = jnp.dot(x_ref[...], Wn_ref[...], preferred_element_type=_f32)
    h = h + bn_ref[...].reshape(1, -1)
    xw = jnp.dot(h, Wg_ref[...], preferred_element_type=_f32)
    xws_ref[...] = xw * dinv[:, None]
    dinv_ref[...] = dinv


def _tc_a(xp, hist, W_node, b_node, W_g0, Npad):
    BN = 512
    grid = (Npad // BN,)
    return pl.pallas_call(
        _tc_a_body,
        grid=grid,
        in_specs=[
            pl.BlockSpec((BN, 128), lambda i: (i, 0)),
            pl.BlockSpec((NW, BN), lambda i: (0, i)),
            pl.BlockSpec((128, 128), lambda i: (0, 0)),
            pl.BlockSpec((128,), lambda i: (0,)),
            pl.BlockSpec((128, 128), lambda i: (0, 0)),
        ],
        out_specs=[
            pl.BlockSpec((BN, 128), lambda i: (i, 0)),
            pl.BlockSpec((BN,), lambda i: (i,)),
        ],
        out_shape=[
            jax.ShapeDtypeStruct((Npad, 128), _f32),
            jax.ShapeDtypeStruct((Npad,), _f32),
        ],
    )(xp, hist, W_node, b_node, W_g0)



def _tc_b_body(acc_ref, xws_ref, dinv_ref, b_ref, W_ref, out_ref):
    dinv = dinv_ref[...]
    h = jax.nn.relu(dinv[:, None] * (acc_ref[...] + xws_ref[...])
                    + b_ref[...].reshape(1, -1))
    xw = jnp.dot(h, W_ref[...], preferred_element_type=_f32)
    out_ref[...] = xw * dinv[:, None]


def _tc_b(acc, xws, dinv, b_prev, W_next, Npad):
    BN = 512
    grid = (Npad // BN,)
    return pl.pallas_call(
        _tc_b_body,
        grid=grid,
        in_specs=[
            pl.BlockSpec((BN, 128), lambda i: (i, 0)),
            pl.BlockSpec((BN, 128), lambda i: (i, 0)),
            pl.BlockSpec((BN,), lambda i: (i,)),
            pl.BlockSpec((128,), lambda i: (0,)),
            pl.BlockSpec((128, 128), lambda i: (0, 0)),
        ],
        out_specs=pl.BlockSpec((BN, 128), lambda i: (i, 0)),
        out_shape=jax.ShapeDtypeStruct((Npad, 128), _f32),
    )(acc, xws, dinv, b_prev, W_next)



def _tc_c_body(N, G, acc_ref, xws_ref, dinv_ref, b_ref, batch_ref,
               Wa0_ref, ba0_ref, Wa1_ref, ba1_ref,
               Wo1_ref, bo1_ref, Wo2_ref, bo2_ref, out_ref):
    Npad = acc_ref.shape[0]
    dinv = dinv_ref[...]
    h = jax.nn.relu(dinv[:, None] * (acc_ref[...] + xws_ref[...])
                    + b_ref[...].reshape(1, -1))

    rowmask = (lax.broadcasted_iota(_i32, (Npad, 1), 0) < N)
    neg = jnp.float32(-1e30)

    seg = batch_ref[...].reshape(Npad, 1)
    B = (seg == lax.broadcasted_iota(_i32, (Npad, G), 1)).astype(_f32)

    def gsoftmax(logits):
        lg = jnp.where(rowmask, logits, neg)
        m = jnp.max(lg, axis=0, keepdims=True)
        e = jnp.where(rowmask, jnp.exp(lg - m), 0.0)
        return e / jnp.sum(e, axis=0, keepdims=True)

    s0 = jnp.dot(h, Wa0_ref[...], preferred_element_type=_f32) \
        + ba0_ref[...].reshape(1, 1)
    a0 = gsoftmax(s0)

    ge = lax.dot_general(B, h * a0, (((0,), (0,)), ((), ())),
                         preferred_element_type=_f32)
    P = jnp.dot(B, ge, preferred_element_type=_f32)
    h2 = h + P
    attn = h + 2.0 * P

    s1 = jnp.dot(attn, Wa1_ref[...], preferred_element_type=_f32) \
        + ba1_ref[...].reshape(1, 1)
    a1 = gsoftmax(s1)
    ge2 = lax.dot_general(B, h2 * a1, (((0,), (0,)), ((), ())),
                          preferred_element_type=_f32)

    t = jax.nn.relu(jnp.dot(ge2, Wo1_ref[...], preferred_element_type=_f32)
                    + bo1_ref[...].reshape(1, -1))
    out_ref[...] = jnp.dot(t, Wo2_ref[...], preferred_element_type=_f32) \
        + bo2_ref[...].reshape(1, 1)


def _tc_c(acc, xws, dinv, b_g2, batchp, Wa0, ba0, Wa1, ba1,
          Wo1, bo1, Wo2, bo2, N, G, Npad):
    body = functools.partial(_tc_c_body, N, G)
    return pl.pallas_call(
        body,
        out_shape=jax.ShapeDtypeStruct((G, 1), _f32),
    )(acc, xws, dinv, b_g2, batchp, Wa0, ba0, Wa1, ba1, Wo1, bo1, Wo2, bo2)



def kernel(x, edge_index, edge_attr, batch, W_node, b_node, W_edge, b_edge,
           W_g0, b_g0, W_g1, b_g1, W_g2, b_g2,
           W_a0, b_a0, W_a1, b_a1, W_o1, b_o1, W_o2, b_o2):
    N = x.shape[0]
    G = 64
    Npad = ((N + 1023) // 1024) * 1024

    src = edge_index[0]
    dst = edge_index[1]
    pk = jnp.bitwise_or(jnp.left_shift(src, 14), dst)

    xp = jnp.pad(x, ((0, Npad - N), (0, 0)))
    batchp = jnp.pad(batch, (0, Npad - N), constant_values=G)

    hist = _sc_hist(dst, Npad)
    xws, dinv = _tc_a(xp, hist, W_node, b_node, W_g0, Npad)

    acc = _sc_scatter(xws, pk, Npad)
    xws = _tc_b(acc, xws, dinv, b_g0, W_g1, Npad)

    acc = _sc_scatter(xws, pk, Npad)
    xws = _tc_b(acc, xws, dinv, b_g1, W_g2, Npad)

    acc = _sc_scatter(xws, pk, Npad)
    return _tc_c(acc, xws, dinv, b_g2, batchp, W_a0, b_a0, W_a1, b_a1,
                 W_o1, b_o1, W_o2, b_o2, N, G, Npad)

# --- scband reference (transcript-rebuilt; emitter-appended) ---
"""Pipeline reference for scband-attentive-fp-6880537608867 (READ-ONLY COPY).

The authoritative reference and input builder live on the scoring server;
editing this copy changes nothing except your own understanding.
"""

import jax, jax.numpy as jnp
import numpy as np

N = 10000
E = 320000
F_IN = 128
F_EDGE = 16
H = 128
G = 64


def setup_inputs(seed: int = 0):
    key = jax.random.key(seed)
    ks = jax.random.split(key, 24)
    s = 0.05
    inp = {}
    inp["x"] = jax.random.normal(ks[0], (N, F_IN), jnp.float32)
    inp["edge_index"] = jax.random.randint(ks[1], (2, E), 0, N, dtype=jnp.int32)
    inp["edge_attr"] = jax.random.normal(ks[2], (E, F_EDGE), jnp.float32)
    inp["batch"] = jnp.sort(jax.random.randint(ks[3], (N,), 0, G, dtype=jnp.int32))
    inp["W_node"] = jax.random.normal(ks[4], (F_IN, H), jnp.float32) * s
    inp["b_node"] = jnp.zeros((H,), jnp.float32)
    inp["W_edge"] = jax.random.normal(ks[5], (F_EDGE, H), jnp.float32) * s
    inp["b_edge"] = jnp.zeros((H,), jnp.float32)
    inp["W_g0"] = jax.random.normal(ks[6], (H, H), jnp.float32) * s
    inp["b_g0"] = jnp.zeros((H,), jnp.float32)
    inp["W_g1"] = jax.random.normal(ks[7], (H, H), jnp.float32) * s
    inp["b_g1"] = jnp.zeros((H,), jnp.float32)
    inp["W_g2"] = jax.random.normal(ks[8], (H, H), jnp.float32) * s
    inp["b_g2"] = jnp.zeros((H,), jnp.float32)
    inp["W_a0"] = jax.random.normal(ks[9], (H, 1), jnp.float32) * s
    inp["b_a0"] = jnp.zeros((1,), jnp.float32)
    inp["W_a1"] = jax.random.normal(ks[10], (H, 1), jnp.float32) * s
    inp["b_a1"] = jnp.zeros((1,), jnp.float32)
    inp["W_o1"] = jax.random.normal(ks[11], (H, H // 2), jnp.float32) * s
    inp["b_o1"] = jnp.zeros((H // 2,), jnp.float32)
    inp["W_o2"] = jax.random.normal(ks[12], (H // 2, 1), jnp.float32) * s
    inp["b_o2"] = jnp.zeros((1,), jnp.float32)
    return inp


def _gcn(h, src, dst, W, b):
    # PyG-style GCNConv: add self-loops, symmetric degree normalization, scatter-add
    n = h.shape[0]
    loop = jnp.arange(n, dtype=src.dtype)
    s = jnp.concatenate([src, loop])
    d = jnp.concatenate([dst, loop])
    deg = jnp.zeros((n,), h.dtype).at[d].add(1.0)
    dinv = jax.lax.rsqrt(deg)
    norm = (dinv[s] * dinv[d])[:, None]
    xw = h @ W
    msg = xw[s] * norm
    out = jnp.zeros((n, W.shape[1]), h.dtype).at[d].add(msg)
    return out + b


def reference(x, edge_index, edge_attr, batch, W_node, b_node, W_edge, b_edge,
              W_g0, b_g0, W_g1, b_g1, W_g2, b_g2,
              W_a0, b_a0, W_a1, b_a1, W_o1, b_o1, W_o2, b_o2):
    src = edge_index[0]
    dst = edge_index[1]
    h = x @ W_node + b_node
    ea = edge_attr @ W_edge + b_edge  # embedded but unused downstream (faithful to torch source)
    for (W, b) in ((W_g0, b_g0), (W_g1, b_g1), (W_g2, b_g2)):
        h = jax.nn.relu(_gcn(h, src, dst, W, b))
        # dropout is identity in eval mode
    # attention timestep 0 (graph_emb is None -> attn_input = h)
    a0 = jax.nn.softmax(h @ W_a0 + b_a0, axis=0)
    ge = jax.ops.segment_sum(h * a0, batch, num_segments=G)
    h = h + ge[batch]
    # attention timestep 1
    attn_in = h + ge[batch]
    a1 = jax.nn.softmax(attn_in @ W_a1 + b_a1, axis=0)
    ge = jax.ops.segment_sum(h * a1, batch, num_segments=G)
    out = jax.nn.relu(ge @ W_o1 + b_o1) @ W_o2 + b_o2
    return out

if __name__ == "__main__":
    import jax
    _d = setup_inputs()
    print(jax.jit(kernel)(*tuple(_d.values())))

</pallas_src>

<mosaic_0001>
#map = affine_map<(d0, d1) -> (0)>
module attributes {stable_mosaic.version = 14 : i64} {
  func.func @_sc_scatter_body(%arg0: i32, %arg1: i32, %arg2: memref<1310720xf32, #tpu.memory_space<hbm>>, %arg3: memref<320000xi32, #tpu.memory_space<hbm>>, %arg4: memref<1310720xf32, #tpu.memory_space<hbm>>, %arg5: memref<40960xf32, #tpu.memory_space<vmem>>, %arg6: memref<40960xf32, #tpu.memory_space<vmem>>, %arg7: memref<32000xi32, #tpu.memory_space<vmem>>) attributes {dimension_semantics = [#tpu.dimension_semantics<core_parallel>, #tpu.dimension_semantics<subcore_parallel>], iteration_bounds = array<i64: 2, 16>, scalar_prefetch = 0 : i64, scratch_operands = 3 : i64, tpu.core_type = #tpu.core_type<sc_vector_subcore>, window_params = [{transform_indices = #map}, {transform_indices = #map}, {transform_indices = #map}]} {
    %mul3A = arith.constant 2 : i32
    %mul3A_0 = arith.muli %arg1, %mul3A : i32
    %add3A = arith.addi %mul3A_0, %arg0 : i32
    %mul3A_1 = arith.constant 40960 : i32
    %mul3A_2 = arith.muli %add3A, %mul3A_1 : i32
    "tpu.region"() ({
      %run_scoped3A = tpu.sem_alloc : memref<!tpu.dma_semaphore, #tpu.memory_space<semaphore_mem>>
      %dma_start3A = tpu.memref_slice %arg2[%mul3A_2] : memref<1310720xf32, #tpu.memory_space<hbm>> -> memref<40960xf32, #tpu.memory_space<hbm>>
      %dma_start3A_70 = tpu.memref_slice %arg2[%mul3A_2] : memref<1310720xf32, #tpu.memory_space<hbm>> -> memref<40960xf32, #tpu.memory_space<hbm>>
      tpu.enqueue_dma source(%dma_start3A_70 : memref<40960xf32, #tpu.memory_space<hbm>>) target(%arg5 : memref<40960xf32, #tpu.memory_space<vmem>>) target_semaphore(%run_scoped3A : memref<!tpu.dma_semaphore, #tpu.memory_space<semaphore_mem>>)
      %dma_wait3A = tpu.memref_slice %arg2[%mul3A_2] : memref<1310720xf32, #tpu.memory_space<hbm>> -> memref<40960xf32, #tpu.memory_space<hbm>>
      %dma_wait3A_71 = tpu.memref_slice %arg2[%mul3A_2] : memref<1310720xf32, #tpu.memory_space<hbm>> -> memref<40960xf32, #tpu.memory_space<hbm>>
      tpu.wait_dma2 semaphore(%run_scoped3A : memref<!tpu.dma_semaphore, #tpu.memory_space<semaphore_mem>>) src(%dma_wait3A_71 : memref<40960xf32, #tpu.memory_space<hbm>>) dst(%arg5 : memref<40960xf32, #tpu.memory_space<vmem>>)
      tpu.yield
    }) : () -> ()
    %parallel_loop3A = arith.constant 0 : i32
    %parallel_loop3A_3 = arith.constant 2560 : i32
    %parallel_loop3A_4 = arith.constant 1 : i32
    scf.for %parallel_loop3A_70 = %parallel_loop3A to %parallel_loop3A_3 step %parallel_loop3A_4  : i32 {
      %parallel_loop3A_71 = arith.constant 0.000000e+00 : f32
      %parallel_loop3A_72 = vector.broadcast %parallel_loop3A_71 : f32 to vector<16xf32>
      %parallel_loop3A_73 = arith.constant 16 : i32
      %parallel_loop3A_74 = arith.muli %parallel_loop3A_70, %parallel_loop3A_73 : i32
      %parallel_loop3A_75 = arith.index_cast %parallel_loop3A_74 : i32 to index
      %parallel_loop3A_76 = tpu.vector_load %arg6[%parallel_loop3A_75] {strides = array<i32>} : memref<40960xf32, #tpu.memory_space<vmem>>, vector<16xf32>,
      tpu.vector_store %arg6[%parallel_loop3A_75], %parallel_loop3A_72 {strides = array<i32>} : memref<40960xf32, #tpu.memory_space<vmem>>, vector<16xf32>,
    } {sc.loop_unroll_factor = 1 : i64, sc.parallel_access}
    %iota3A = tpu.iota {dimensions = array<i32: 0>} : vector<16xi32>
    %jit3A = arith.constant 4 : i32
    %eq3A = arith.constant 0 : i32
    %eq3A_5 = arith.cmpi eq, %jit3A, %eq3A : i32
    %jit3A_6 = arith.constant 1 : i32
    %select_n3A = arith.select %eq3A_5, %jit3A_6, %jit3A : i32
    %rem3A = vector.broadcast %select_n3A : i32 to vector<16xi32>
    %rem3A_7 = arith.remsi %iota3A, %rem3A : vector<16xi32>
    %ne3A = arith.constant 0 : i32
    %ne3A_8 = vector.broadcast %ne3A : i32 to vector<16xi32>
    %ne3A_9 = arith.cmpi ne, %rem3A_7, %ne3A_8 : vector<16xi32>
    %lt3A = arith.constant 0 : i32
    %lt3A_10 = vector.broadcast %lt3A : i32 to vector<16xi32>
    %lt3A_11 = arith.cmpi slt, %rem3A_7, %lt3A_10 : vector<16xi32>
    %lt3A_12 = arith.constant 0 : i32
    %lt3A_13 = arith.cmpi slt, %select_n3A, %lt3A_12 : i32
    %ne3A_14 = vector.broadcast %lt3A_13 : i1 to vector<16xi1>
    %ne3A_15 = vector.broadcast %ne3A_14 : vector<16xi1> to vector<16xi1>
    %ne3A_16 = arith.xori %lt3A_11, %ne3A_15 : vector<16xi1>
    %and3A = arith.andi %ne3A_16, %ne3A_9 : vector<16xi1>
    %add3A_17 = vector.broadcast %select_n3A : i32 to vector<16xi32>
    %add3A_18 = arith.addi %rem3A_7, %add3A_17 : vector<16xi32>
    %select_n3A_19 = arith.select %and3A, %add3A_18, %rem3A_7 : vector<16xi1>, vector<16xi32>
    %jit3A_20 = arith.constant 4 : i32
    %div3A = vector.broadcast %jit3A_20 : i32 to vector<16xi32>
    %div3A_21 = arith.divsi %iota3A, %div3A : vector<16xi32>
    %sign3A = arith.constant 0 : i32
    %sign3A_22 = vector.broadcast %sign3A : i32 to vector<16xi32>
    %sign3A_23 = arith.cmpi sgt, %iota3A, %sign3A_22 : vector<16xi32>
    %sign3A_24 = arith.extui %sign3A_23 : vector<16xi1> to vector<16xi32>
    %sign3A_25 = arith.constant 0 : i32
    %sign3A_26 = vector.broadcast %sign3A_25 : i32 to vector<16xi32>
    %sign3A_27 = arith.cmpi slt, %iota3A, %sign3A_26 : vector<16xi32>
    %sign3A_28 = arith.extui %sign3A_27 : vector<16xi1> to vector<16xi32>
    %sign3A_29 = arith.subi %sign3A_24, %sign3A_28 : vector<16xi32>
    %sign3A_30 = arith.constant 0 : i32
    %sign3A_31 = arith.cmpi sgt, %jit3A_20, %sign3A_30 : i32
    %sign3A_32 = arith.extui %sign3A_31 : i1 to i32
    %sign3A_33 = arith.constant 0 : i32
    %sign3A_34 = arith.cmpi slt, %jit3A_20, %sign3A_33 : i32
    %sign3A_35 = arith.extui %sign3A_34 : i1 to i32
    %sign3A_36 = arith.subi %sign3A_32, %sign3A_35 : i32
    %ne3A_37 = vector.broadcast %sign3A_36 : i32 to vector<16xi32>
    %ne3A_38 = arith.cmpi ne, %sign3A_29, %ne3A_37 : vector<16xi32>
    %rem3A_39 = vector.broadcast %jit3A_20 : i32 to vector<16xi32>
    %rem3A_40 = arith.remsi %iota3A, %rem3A_39 : vector<16xi32>
    %ne3A_41 = arith.constant 0 : i32
    %ne3A_42 = vector.broadcast %ne3A_41 : i32 to vector<16xi32>
    %ne3A_43 = arith.cmpi ne, %rem3A_40, %ne3A_42 : vector<16xi32>
    %and3A_44 = arith.andi %ne3A_38, %ne3A_43 : vector<16xi1>
    %sub3A = arith.constant 1 : i32
    %sub3A_45 = vector.broadcast %sub3A : i32 to vector<16xi32>
    %sub3A_46 = arith.subi %div3A_21, %sub3A_45 : vector<16xi32>
    %select_n3A_47 = arith.select %and3A_44, %sub3A_46, %div3A_21 : vector<16xi1>, vector<16xi32>
    %eq3A_48 = arith.constant 0 : i32
    %eq3A_49 = vector.broadcast %eq3A_48 : i32 to vector<16xi32>
    %eq3A_50 = arith.cmpi eq, %select_n3A_47, %eq3A_49 : vector<16xi32>
    %eq3A_51 = arith.constant 1 : i32
    %eq3A_52 = vector.broadcast %eq3A_51 : i32 to vector<16xi32>
    %eq3A_53 = arith.cmpi eq, %select_n3A_47, %eq3A_52 : vector<16xi32>
    %eq3A_54 = arith.constant 2 : i32
    %eq3A_55 = vector.broadcast %eq3A_54 : i32 to vector<16xi32>
    %eq3A_56 = arith.cmpi eq, %select_n3A_47, %eq3A_55 : vector<16xi32>
    %eq3A_57 = arith.constant 3 : i32
    %eq3A_58 = vector.broadcast %eq3A_57 : i32 to vector<16xi32>
    %eq3A_59 = arith.cmpi eq, %select_n3A_47, %eq3A_58 : vector<16xi32>
    %broadcast_in_dim3A = arith.constant 65532 : i32
    %broadcast_in_dim3A_60 = vector.broadcast %broadcast_in_dim3A : i32 to vector<16xi32>
    %broadcast_in_dim3A_61 = arith.constant 16383 : i32
    %broadcast_in_dim3A_62 = vector.broadcast %broadcast_in_dim3A_61 : i32 to vector<16xi32>
    %scan3A = arith.constant 0 : i32
    %scan3A_63 = arith.constant 0 : i32
    %scan3A_64 = arith.constant 10 : i32
    %scan3A_65 = arith.addi %scan3A_63, %scan3A_64 : i32
    %scan3A_66 = arith.constant 1 : i32
    scf.for %scan3A_70 = %scan3A_63 to %scan3A_65 step %scan3A_66  : i32 {
      %mul3A_71 = arith.constant 32000 : i32
      %mul3A_72 = arith.muli %scan3A_70, %mul3A_71 : i32
      "tpu.region"() ({
        %run_scoped3A = tpu.sem_alloc : memref<!tpu.dma_semaphore, #tpu.memory_space<semaphore_mem>>
        %dma_start3A = tpu.memref_slice %arg3[%mul3A_72] : memref<320000xi32, #tpu.memory_space<hbm>> -> memref<32000xi32, #tpu.memory_space<hbm>>
        %dma_start3A_76 = tpu.memref_slice %arg3[%mul3A_72] : memref<320000xi32, #tpu.memory_space<hbm>> -> memref<32000xi32, #tpu.memory_space<hbm>>
        tpu.enqueue_dma source(%dma_start3A_76 : memref<32000xi32, #tpu.memory_space<hbm>>) target(%arg7 : memref<32000xi32, #tpu.memory_space<vmem>>) target_semaphore(%run_scoped3A : memref<!tpu.dma_semaphore, #tpu.memory_space<semaphore_mem>>)
        %dma_wait3A = tpu.memref_slice %arg3[%mul3A_72] : memref<320000xi32, #tpu.memory_space<hbm>> -> memref<32000xi32, #tpu.memory_space<hbm>>
        %dma_wait3A_77 = tpu.memref_slice %arg3[%mul3A_72] : memref<320000xi32, #tpu.memory_space<hbm>> -> memref<32000xi32, #tpu.memory_space<hbm>>
        tpu.wait_dma2 semaphore(%run_scoped3A : memref<!tpu.dma_semaphore, #tpu.memory_space<semaphore_mem>>) src(%dma_wait3A_77 : memref<32000xi32, #tpu.memory_space<hbm>>) dst(%arg7 : memref<32000xi32, #tpu.memory_space<vmem>>)
        tpu.yield
      }) : () -> ()
      %parallel_loop3A_73 = arith.constant 0 : i32
      %parallel_loop3A_74 = arith.constant 2000 : i32
      %parallel_loop3A_75 = arith.constant 1 : i32
      scf.for %parallel_loop3A_76 = %parallel_loop3A_73 to %parallel_loop3A_74 step %parallel_loop3A_75  : i32 {
        %parallel_loop3A_77 = arith.constant 16 : i32
        %parallel_loop3A_78 = arith.muli %parallel_loop3A_76, %parallel_loop3A_77 : i32
        %parallel_loop3A_79 = arith.index_cast %parallel_loop3A_78 : i32 to index
        %parallel_loop3A_80 = tpu.vector_load %arg7[%parallel_loop3A_79] {strides = array<i32>} : memref<32000xi32, #tpu.memory_space<vmem>>, vector<16xi32>,
        %parallel_loop3A_81 = arith.constant 12 : i32
        %parallel_loop3A_82 = vector.broadcast %parallel_loop3A_81 : i32 to vector<16xi32>
        %parallel_loop3A_83 = arith.shrui %parallel_loop3A_80, %parallel_loop3A_82 : vector<16xi32>
        %parallel_loop3A_84 = arith.andi %parallel_loop3A_83, %broadcast_in_dim3A_60 : vector<16xi32>
        %parallel_loop3A_85 = arith.andi %parallel_loop3A_80, %broadcast_in_dim3A_62 : vector<16xi32>
        %parallel_loop3A_86 = arith.constant 2 : i32
        %parallel_loop3A_87 = vector.broadcast %parallel_loop3A_86 : i32 to vector<16xi32>
        %parallel_loop3A_88 = arith.shli %parallel_loop3A_85, %parallel_loop3A_87 : vector<16xi32>
        %parallel_loop3A_89 = arith.constant 0 : i32
        %parallel_loop3A_90 = vector.broadcast %parallel_loop3A_89 : i32 to vector<16xi32>
        %parallel_loop3A_91 = arith.addi %select_n3A_47, %parallel_loop3A_90 : vector<16xi32>
        %parallel_loop3A_92 = arith.constant 0 : i32
        %parallel_loop3A_93 = vector.broadcast %parallel_loop3A_92 : i32 to vector<16xi32>
        %parallel_loop3A_94 = arith.cmpi slt, %parallel_loop3A_91, %parallel_loop3A_93 : vector<16xi32>
        %parallel_loop3A_95 = arith.constant 16 : i32
        %parallel_loop3A_96 = vector.broadcast %parallel_loop3A_95 : i32 to vector<16xi32>
        %parallel_loop3A_97 = arith.addi %parallel_loop3A_91, %parallel_loop3A_96 : vector<16xi32>
        %parallel_loop3A_98 = arith.select %parallel_loop3A_94, %parallel_loop3A_97, %parallel_loop3A_91 : vector<16xi1>, vector<16xi32>
        %parallel_loop3A_99 = vector.shape_cast %parallel_loop3A_98 : vector<16xi32> to vector<16x1xi32>
        %parallel_loop3A_100 = vector.shape_cast %parallel_loop3A_99 : vector<16x1xi32> to vector<16xi32>
        %parallel_loop3A_101 = tpu.dynamic_gather %parallel_loop3A_84[%parallel_loop3A_100] in [0] : vector<16xi32>, vector<16xi32> -> vector<16xi32>
        %parallel_loop3A_102 = arith.ori %parallel_loop3A_101, %select_n3A_19 : vector<16xi32>
        %parallel_loop3A_103 = arith.constant 0 : i32
        %parallel_loop3A_104 = vector.broadcast %parallel_loop3A_103 : i32 to vector<16xi32>
        %parallel_loop3A_105 = arith.cmpi slt, %parallel_loop3A_91, %parallel_loop3A_104 : vector<16xi32>
        %parallel_loop3A_106 = arith.constant 16 : i32
        %parallel_loop3A_107 = vector.broadcast %parallel_loop3A_106 : i32 to vector<16xi32>
        %parallel_loop3A_108 = arith.addi %parallel_loop3A_91, %parallel_loop3A_107 : vector<16xi32>
        %parallel_loop3A_109 = arith.select %parallel_loop3A_105, %parallel_loop3A_108, %parallel_loop3A_91 : vector<16xi1>, vector<16xi32>
        %parallel_loop3A_110 = vector.shape_cast %parallel_loop3A_109 : vector<16xi32> to vector<16x1xi32>
        %parallel_loop3A_111 = vector.shape_cast %parallel_loop3A_110 : vector<16x1xi32> to vector<16xi32>
        %parallel_loop3A_112 = tpu.dynamic_gather %parallel_loop3A_88[%parallel_loop3A_111] in [0] : vector<16xi32>, vector<16xi32> -> vector<16xi32>
        %parallel_loop3A_113 = arith.ori %parallel_loop3A_112, %select_n3A_19 : vector<16xi32>
        %parallel_loop3A_114 = tpu.vector_load_idx %arg5[%parallel_loop3A_102] : memref<40960xf32, #tpu.memory_space<vmem>>[vector<16xi32>], vector<16xf32>,
        tpu.vector_store_idx %arg6[%parallel_loop3A_113], %parallel_loop3A_114 {add = true} : memref<40960xf32, #tpu.memory_space<vmem>>[vector<16xi32>], vector<16xf32>,
        %parallel_loop3A_115 = arith.constant 4 : i32
        %parallel_loop3A_116 = vector.broadcast %parallel_loop3A_115 : i32 to vector<16xi32>
        %parallel_loop3A_117 = arith.addi %select_n3A_47, %parallel_loop3A_116 : vector<16xi32>
        %parallel_loop3A_118 = arith.constant 0 : i32
        %parallel_loop3A_119 = vector.broadcast %parallel_loop3A_118 : i32 to vector<16xi32>
        %parallel_loop3A_120 = arith.cmpi slt, %parallel_loop3A_117, %parallel_loop3A_119 : vector<16xi32>
        %parallel_loop3A_121 = arith.constant 16 : i32
        %parallel_loop3A_122 = vector.broadcast %parallel_loop3A_121 : i32 to vector<16xi32>
        %parallel_loop3A_123 = arith.addi %parallel_loop3A_117, %parallel_loop3A_122 : vector<16xi32>
        %parallel_loop3A_124 = arith.select %parallel_loop3A_120, %parallel_loop3A_123, %parallel_loop3A_117 : vector<16xi1>, vector<16xi32>
        %parallel_loop3A_125 = vector.shape_cast %parallel_loop3A_124 : vector<16xi32> to vector<16x1xi32>
        %parallel_loop3A_126 = vector.shape_cast %parallel_loop3A_125 : vector<16x1xi32> to vector<16xi32>
        %parallel_loop3A_127 = tpu.dynamic_gather %parallel_loop3A_84[%parallel_loop3A_126] in [0] : vector<16xi32>, vector<16xi32> -> vector<16xi32>
        %parallel_loop3A_128 = arith.ori %parallel_loop3A_127, %select_n3A_19 : vector<16xi32>
        %parallel_loop3A_129 = arith.constant 0 : i32
        %parallel_loop3A_130 = vector.broadcast %parallel_loop3A_129 : i32 to vector<16xi32>
        %parallel_loop3A_131 = arith.cmpi slt, %parallel_loop3A_117, %parallel_loop3A_130 : vector<16xi32>
        %parallel_loop3A_132 = arith.constant 16 : i32
        %parallel_loop3A_133 = vector.broadcast %parallel_loop3A_132 : i32 to vector<16xi32>
        %parallel_loop3A_134 = arith.addi %parallel_loop3A_117, %parallel_loop3A_133 : vector<16xi32>
        %parallel_loop3A_135 = arith.select %parallel_loop3A_131, %parallel_loop3A_134, %parallel_loop3A_117 : vector<16xi1>, vector<16xi32>
        %parallel_loop3A_136 = vector.shape_cast %parallel_loop3A_135 : vector<16xi32> to vector<16x1xi32>
        %parallel_loop3A_137 = vector.shape_cast %parallel_loop3A_136 : vector<16x1xi32> to vector<16xi32>
        %parallel_loop3A_138 = tpu.dynamic_gather %parallel_loop3A_88[%parallel_loop3A_137] in [0] : vector<16xi32>, vector<16xi32> -> vector<16xi32>
        %parallel_loop3A_139 = arith.ori %parallel_loop3A_138, %select_n3A_19 : vector<16xi32>
        %parallel_loop3A_140 = tpu.vector_load_idx %arg5[%parallel_loop3A_128] : memref<40960xf32, #tpu.memory_space<vmem>>[vector<16xi32>], vector<16xf32>,
        tpu.vector_store_idx %arg6[%parallel_loop3A_139], %parallel_loop3A_140 {add = true} : memref<40960xf32, #tpu.memory_space<vmem>>[vector<16xi32>], vector<16xf32>,
        %parallel_loop3A_141 = arith.constant 8 : i32
        %parallel_loop3A_142 = vector.broadcast %parallel_loop3A_141 : i32 to vector<16xi32>
        %parallel_loop3A_143 = arith.addi %select_n3A_47, %parallel_loop3A_142 : vector<16xi32>
        %parallel_loop3A_144 = arith.constant 0 : i32
        %parallel_loop3A_145 = vector.broadcast %parallel_loop3A_144 : i32 to vector<16xi32>
        %parallel_loop3A_146 = arith.cmpi slt, %parallel_loop3A_143, %parallel_loop3A_145 : vector<16xi32>
        %parallel_loop3A_147 = arith.constant 16 : i32
        %parallel_loop3A_148 = vector.broadcast %parallel_loop3A_147 : i32 to vector<16xi32>
        %parallel_loop3A_149 = arith.addi %parallel_loop3A_143, %parallel_loop3A_148 : vector<16xi32>
        %parallel_loop3A_150 = arith.select %parallel_loop3A_146, %parallel_loop3A_149, %parallel_loop3A_143 : vector<16xi1>, vector<16xi32>
        %parallel_loop3A_151 = vector.shape_cast %parallel_loop3A_150 : vector<16xi32> to vector<16x1xi32>
        %parallel_loop3A_152 = vector.shape_cast %parallel_loop3A_151 : vector<16x1xi32> to vector<16xi32>
        %parallel_loop3A_153 = tpu.dynamic_gather %parallel_loop3A_84[%parallel_loop3A_152] in [0] : vector<16xi32>, vector<16xi32> -> vector<16xi32>
        %parallel_loop3A_154 = arith.ori %parallel_loop3A_153, %select_n3A_19 : vector<16xi32>
        %parallel_loop3A_155 = arith.constant 0 : i32
        %parallel_loop3A_156 = vector.broadcast %parallel_loop3A_155 : i32 to vector<16xi32>
        %parallel_loop3A_157 = arith.cmpi slt, %parallel_loop3A_143, %parallel_loop3A_156 : vector<16xi32>
        %parallel_loop3A_158 = arith.constant 16 : i32
        %parallel_loop3A_159 = vector.broadcast %parallel_loop3A_158 : i32 to vector<16xi32>
        %parallel_loop3A_160 = arith.addi %parallel_loop3A_143, %parallel_loop3A_159 : vector<16xi32>
        %parallel_loop3A_161 = arith.select %parallel_loop3A_157, %parallel_loop3A_160, %parallel_loop3A_143 : vector<16xi1>, vector<16xi32>
        %parallel_loop3A_162 = vector.shape_cast %parallel_loop3A_161 : vector<16xi32> to vector<16x1xi32>
        %parallel_loop3A_163 = vector.shape_cast %parallel_loop3A_162 : vector<16x1xi32> to vector<16xi32>
        %parallel_loop3A_164 = tpu.dynamic_gather %parallel_loop3A_88[%parallel_loop3A_163] in [0] : vector<16xi32>, vector<16xi32> -> vector<16xi32>
        %parallel_loop3A_165 = arith.ori %parallel_loop3A_164, %select_n3A_19 : vector<16xi32>
        %parallel_loop3A_166 = tpu.vector_load_idx %arg5[%parallel_loop3A_154] : memref<40960xf32, #tpu.memory_space<vmem>>[vector<16xi32>], vector<16xf32>,
        tpu.vector_store_idx %arg6[%parallel_loop3A_165], %parallel_loop3A_166 {add = true} : memref<40960xf32, #tpu.memory_space<vmem>>[vector<16xi32>], vector<16xf32>,
        %parallel_loop3A_167 = arith.constant 12 : i32
        %parallel_loop3A_168 = vector.broadcast %parallel_loop3A_167 : i32 to vector<16xi32>
        %parallel_loop3A_169 = arith.addi %select_n3A_47, %parallel_loop3A_168 : vector<16xi32>
        %parallel_loop3A_170 = arith.constant 0 : i32
        %parallel_loop3A_171 = vector.broadcast %parallel_loop3A_170 : i32 to vector<16xi32>
        %parallel_loop3A_172 = arith.cmpi slt, %parallel_loop3A_169, %parallel_loop3A_171 : vector<16xi32>
        %parallel_loop3A_173 = arith.constant 16 : i32
        %parallel_loop3A_174 = vector.broadcast %parallel_loop3A_173 : i32 to vector<16xi32>
        %parallel_loop3A_175 = arith.addi %parallel_loop3A_169, %parallel_loop3A_174 : vector<16xi32>
        %parallel_loop3A_176 = arith.select %parallel_loop3A_172, %parallel_loop3A_175, %parallel_loop3A_169 : vector<16xi1>, vector<16xi32>
        %parallel_loop3A_177 = vector.shape_cast %parallel_loop3A_176 : vector<16xi32> to vector<16x1xi32>
        %parallel_loop3A_178 = vector.shape_cast %parallel_loop3A_177 : vector<16x1xi32> to vector<16xi32>
        %parallel_loop3A_179 = tpu.dynamic_gather %parallel_loop3A_84[%parallel_loop3A_178] in [0] : vector<16xi32>, vector<16xi32> -> vector<16xi32>
        %parallel_loop3A_180 = arith.ori %parallel_loop3A_179, %select_n3A_19 : vector<16xi32>
        %parallel_loop3A_181 = arith.constant 0 : i32
        %parallel_loop3A_182 = vector.broadcast %parallel_loop3A_181 : i32 to vector<16xi32>
        %parallel_loop3A_183 = arith.cmpi slt, %parallel_loop3A_169, %parallel_loop3A_182 : vector<16xi32>
        %parallel_loop3A_184 = arith.constant 16 : i32
        %parallel_loop3A_185 = vector.broadcast %parallel_loop3A_184 : i32 to vector<16xi32>
        %parallel_loop3A_186 = arith.addi %parallel_loop3A_169, %parallel_loop3A_185 : vector<16xi32>
        %parallel_loop3A_187 = arith.select %parallel_loop3A_183, %parallel_loop3A_186, %parallel_loop3A_169 : vector<16xi1>, vector<16xi32>
        %parallel_loop3A_188 = vector.shape_cast %parallel_loop3A_187 : vector<16xi32> to vector<16x1xi32>
        %parallel_loop3A_189 = vector.shape_cast %parallel_loop3A_188 : vector<16x1xi32> to vector<16xi32>
        %parallel_loop3A_190 = tpu.dynamic_gather %parallel_loop3A_88[%parallel_loop3A_189] in [0] : vector<16xi32>, vector<16xi32> -> vector<16xi32>
        %parallel_loop3A_191 = arith.ori %parallel_loop3A_190, %select_n3A_19 : vector<16xi32>
        %parallel_loop3A_192 = tpu.vector_load_idx %arg5[%parallel_loop3A_180] : memref<40960xf32, #tpu.memory_space<vmem>>[vector<16xi32>], vector<16xf32>,
        tpu.vector_store_idx %arg6[%parallel_loop3A_191], %parallel_loop3A_192 {add = true} : memref<40960xf32, #tpu.memory_space<vmem>>[vector<16xi32>], vector<16xf32>,
      } {sc.loop_unroll_factor = 8 : i64, sc.parallel_access}
    }
    %scan3A_67 = arith.constant 10 : i32
    %mul3A_68 = arith.constant 40960 : i32
    %mul3A_69 = arith.muli %add3A, %mul3A_68 : i32
    "tpu.region"() ({
      %run_scoped3A = tpu.sem_alloc : memref<!tpu.dma_semaphore, #tpu.memory_space<semaphore_mem>>
      %dma_start3A = tpu.memref_slice %arg4[%mul3A_69] : memref<1310720xf32, #tpu.memory_space<hbm>> -> memref<40960xf32, #tpu.memory_space<hbm>>
      %dma_start3A_70 = tpu.memref_slice %arg4[%mul3A_69] : memref<1310720xf32, #tpu.memory_space<hbm>> -> memref<40960xf32, #tpu.memory_space<hbm>>
      tpu.enqueue_dma source(%arg6 : memref<40960xf32, #tpu.memory_space<vmem>>) target(%dma_start3A_70 : memref<40960xf32, #tpu.memory_space<hbm>>) target_semaphore(%run_scoped3A : memref<!tpu.dma_semaphore, #tpu.memory_space<semaphore_mem>>)
      %dma_wait3A = tpu.memref_slice %arg4[%mul3A_69] : memref<1310720xf32, #tpu.memory_space<hbm>> -> memref<40960xf32, #tpu.memory_space<hbm>>
      %dma_wait3A_71 = tpu.memref_slice %arg4[%mul3A_69] : memref<1310720xf32, #tpu.memory_space<hbm>> -> memref<40960xf32, #tpu.memory_space<hbm>>
      tpu.wait_dma2 semaphore(%run_scoped3A : memref<!tpu.dma_semaphore, #tpu.memory_space<semaphore_mem>>) src(%arg6 : memref<40960xf32, #tpu.memory_space<vmem>>) dst(%dma_wait3A_71 : memref<40960xf32, #tpu.memory_space<hbm>>)
      tpu.yield
    }) : () -> ()
    return
  }
}

#map = affine_map<(d0, d1) -> (0)>
module attributes {stable_mosaic.version = 14 : i64} {
  func.func @_sc_scatter_body(%arg0: i32, %arg1: i32, %arg2: memref<1310720xf32, #tpu.memory_space<hbm>>, %arg3: memref<320000xi32, #tpu.memory_space<hbm>>, %arg4: memref<1310720xf32, #tpu.memory_space<hbm>>, %arg5: memref<40960xf32, #tpu.memory_space<vmem>>, %arg6: memref<40960xf32, #tpu.memory_space<vmem>>, %arg7: memref<32000xi32, #tpu.memory_space<vmem>>) attributes {dimension_semantics = [#tpu.dimension_semantics<core_parallel>, #tpu.dimension_semantics<subcore_parallel>], iteration_bounds = array<i64: 2, 16>, scalar_prefetch = 0 : i64, scratch_operands = 3 : i64, tpu.core_type = #tpu.core_type<sc_vector_subcore>, window_params = [{transform_indices = #map}, {transform_indices = #map}, {transform_indices = #map}]} {
    %mul3A = arith.constant 2 : i32
    %mul3A_0 = arith.muli %arg1, %mul3A : i32
    %add3A = arith.addi %mul3A_0, %arg0 : i32
    %mul3A_1 = arith.constant 40960 : i32
    %mul3A_2 = arith.muli %add3A, %mul3A_1 : i32
    "tpu.region"() ({
      %run_scoped3A = tpu.sem_alloc : memref<!tpu.dma_semaphore, #tpu.memory_space<semaphore_mem>>
      %dma_start3A = tpu.memref_slice %arg2[%mul3A_2] : memref<1310720xf32, #tpu.memory_space<hbm>> -> memref<40960xf32, #tpu.memory_space<hbm>>
      %dma_start3A_70 = tpu.memref_slice %arg2[%mul3A_2] : memref<1310720xf32, #tpu.memory_space<hbm>> -> memref<40960xf32, #tpu.memory_space<hbm>>
      tpu.enqueue_dma source(%dma_start3A_70 : memref<40960xf32, #tpu.memory_space<hbm>>) target(%arg5 : memref<40960xf32, #tpu.memory_space<vmem>>) target_semaphore(%run_scoped3A : memref<!tpu.dma_semaphore, #tpu.memory_space<semaphore_mem>>)
      %dma_wait3A = tpu.memref_slice %arg2[%mul3A_2] : memref<1310720xf32, #tpu.memory_space<hbm>> -> memref<40960xf32, #tpu.memory_space<hbm>>
      %dma_wait3A_71 = tpu.memref_slice %arg2[%mul3A_2] : memref<1310720xf32, #tpu.memory_space<hbm>> -> memref<40960xf32, #tpu.memory_space<hbm>>
      tpu.wait_dma2 semaphore(%run_scoped3A : memref<!tpu.dma_semaphore, #tpu.memory_space<semaphore_mem>>) src(%dma_wait3A_71 : memref<40960xf32, #tpu.memory_space<hbm>>) dst(%arg5 : memref<40960xf32, #tpu.memory_space<vmem>>)
      tpu.yield
    }) : () -> ()
    %parallel_loop3A = arith.constant 0 : i32
    %parallel_loop3A_3 = arith.constant 2560 : i32
    %parallel_loop3A_4 = arith.constant 1 : i32
    scf.for %parallel_loop3A_70 = %parallel_loop3A to %parallel_loop3A_3 step %parallel_loop3A_4  : i32 {
      %parallel_loop3A_71 = arith.constant 0.000000e+00 : f32
      %parallel_loop3A_72 = vector.broadcast %parallel_loop3A_71 : f32 to vector<16xf32>
      %parallel_loop3A_73 = arith.constant 16 : i32
      %parallel_loop3A_74 = arith.muli %parallel_loop3A_70, %parallel_loop3A_73 : i32
      %parallel_loop3A_75 = arith.index_cast %parallel_loop3A_74 : i32 to index
      %parallel_loop3A_76 = tpu.vector_load %arg6[%parallel_loop3A_75] {strides = array<i32>} : memref<40960xf32, #tpu.memory_space<vmem>>, vector<16xf32>,
      tpu.vector_store %arg6[%parallel_loop3A_75], %parallel_loop3A_72 {strides = array<i32>} : memref<40960xf32, #tpu.memory_space<vmem>>, vector<16xf32>,
    } {sc.loop_unroll_factor = 1 : i64, sc.parallel_access}
    %iota3A = tpu.iota {dimensions = array<i32: 0>} : vector<16xi32>
    %jit3A = arith.constant 4 : i32
    %eq3A = arith.constant 0 : i32
    %eq3A_5 = arith.cmpi eq, %jit3A, %eq3A : i32
    %jit3A_6 = arith.constant 1 : i32
    %select_n3A = arith.select %eq3A_5, %jit3A_6, %jit3A : i32
    %rem3A = vector.broadcast %select_n3A : i32 to vector<16xi32>
    %rem3A_7 = arith.remsi %iota3A, %rem3A : vector<16xi32>
    %ne3A = arith.constant 0 : i32
    %ne3A_8 = vector.broadcast %ne3A : i32 to vector<16xi32>
    %ne3A_9 = arith.cmpi ne, %rem3A_7, %ne3A_8 : vector<16xi32>
    %lt3A = arith.constant 0 : i32
    %lt3A_10 = vector.broadcast %lt3A : i32 to vector<16xi32>
    %lt3A_11 = arith.cmpi slt, %rem3A_7, %lt3A_10 : vector<16xi32>
    %lt3A_12 = arith.constant 0 : i32
    %lt3A_13 = arith.cmpi slt, %select_n3A, %lt3A_12 : i32
    %ne3A_14 = vector.broadcast %lt3A_13 : i1 to vector<16xi1>
    %ne3A_15 = vector.broadcast %ne3A_14 : vector<16xi1> to vector<16xi1>
    %ne3A_16 = arith.xori %lt3A_11, %ne3A_15 : vector<16xi1>
    %and3A = arith.andi %ne3A_16, %ne3A_9 : vector<16xi1>
    %add3A_17 = vector.broadcast %select_n3A : i32 to vector<16xi32>
    %add3A_18 = arith.addi %rem3A_7, %add3A_17 : vector<16xi32>
    %select_n3A_19 = arith.select %and3A, %add3A_18, %rem3A_7 : vector<16xi1>, vector<16xi32>
    %jit3A_20 = arith.constant 4 : i32
    %div3A = vector.broadcast %jit3A_20 : i32 to vector<16xi32>
    %div3A_21 = arith.divsi %iota3A, %div3A : vector<16xi32>
    %sign3A = arith.constant 0 : i32
    %sign3A_22 = vector.broadcast %sign3A : i32 to vector<16xi32>
    %sign3A_23 = arith.cmpi sgt, %iota3A, %sign3A_22 : vector<16xi32>
    %sign3A_24 = arith.extui %sign3A_23 : vector<16xi1> to vector<16xi32>
    %sign3A_25 = arith.constant 0 : i32
    %sign3A_26 = vector.broadcast %sign3A_25 : i32 to vector<16xi32>
    %sign3A_27 = arith.cmpi slt, %iota3A, %sign3A_26 : vector<16xi32>
    %sign3A_28 = arith.extui %sign3A_27 : vector<16xi1> to vector<16xi32>
    %sign3A_29 = arith.subi %sign3A_24, %sign3A_28 : vector<16xi32>
    %sign3A_30 = arith.constant 0 : i32
    %sign3A_31 = arith.cmpi sgt, %jit3A_20, %sign3A_30 : i32
    %sign3A_32 = arith.extui %sign3A_31 : i1 to i32
    %sign3A_33 = arith.constant 0 : i32
    %sign3A_34 = arith.cmpi slt, %jit3A_20, %sign3A_33 : i32
    %sign3A_35 = arith.extui %sign3A_34 : i1 to i32
    %sign3A_36 = arith.subi %sign3A_32, %sign3A_35 : i32
    %ne3A_37 = vector.broadcast %sign3A_36 : i32 to vector<16xi32>
    %ne3A_38 = arith.cmpi ne, %sign3A_29, %ne3A_37 : vector<16xi32>
    %rem3A_39 = vector.broadcast %jit3A_20 : i32 to vector<16xi32>
    %rem3A_40 = arith.remsi %iota3A, %rem3A_39 : vector<16xi32>
    %ne3A_41 = arith.constant 0 : i32
    %ne3A_42 = vector.broadcast %ne3A_41 : i32 to vector<16xi32>
    %ne3A_43 = arith.cmpi ne, %rem3A_40, %ne3A_42 : vector<16xi32>
    %and3A_44 = arith.andi %ne3A_38, %ne3A_43 : vector<16xi1>
    %sub3A = arith.constant 1 : i32
    %sub3A_45 = vector.broadcast %sub3A : i32 to vector<16xi32>
    %sub3A_46 = arith.subi %div3A_21, %sub3A_45 : vector<16xi32>
    %select_n3A_47 = arith.select %and3A_44, %sub3A_46, %div3A_21 : vector<16xi1>, vector<16xi32>
    %eq3A_48 = arith.constant 0 : i32
    %eq3A_49 = vector.broadcast %eq3A_48 : i32 to vector<16xi32>
    %eq3A_50 = arith.cmpi eq, %select_n3A_47, %eq3A_49 : vector<16xi32>
    %eq3A_51 = arith.constant 1 : i32
    %eq3A_52 = vector.broadcast %eq3A_51 : i32 to vector<16xi32>
    %eq3A_53 = arith.cmpi eq, %select_n3A_47, %eq3A_52 : vector<16xi32>
    %eq3A_54 = arith.constant 2 : i32
    %eq3A_55 = vector.broadcast %eq3A_54 : i32 to vector<16xi32>
    %eq3A_56 = arith.cmpi eq, %select_n3A_47, %eq3A_55 : vector<16xi32>
    %eq3A_57 = arith.constant 3 : i32
    %eq3A_58 = vector.broadcast %eq3A_57 : i32 to vector<16xi32>
    %eq3A_59 = arith.cmpi eq, %select_n3A_47, %eq3A_58 : vector<16xi32>
    %broadcast_in_dim3A = arith.constant 65532 : i32
    %broadcast_in_dim3A_60 = vector.broadcast %broadcast_in_dim3A : i32 to vector<16xi32>
    %broadcast_in_dim3A_61 = arith.constant 16383 : i32
    %broadcast_in_dim3A_62 = vector.broadcast %broadcast_in_dim3A_61 : i32 to vector<16xi32>
    %scan3A = arith.constant 0 : i32
    %scan3A_63 = arith.constant 0 : i32
    %scan3A_64 = arith.constant 10 : i32
    %scan3A_65 = arith.addi %scan3A_63, %scan3A_64 : i32
    %scan3A_66 = arith.constant 1 : i32
    scf.for %scan3A_70 = %scan3A_63 to %scan3A_65 step %scan3A_66  : i32 {
      %mul3A_71 = arith.constant 32000 : i32
      %mul3A_72 = arith.muli %scan3A_70, %mul3A_71 : i32
      "tpu.region"() ({
        %run_scoped3A = tpu.sem_alloc : memref<!tpu.dma_semaphore, #tpu.memory_space<semaphore_mem>>
        %dma_start3A = tpu.memref_slice %arg3[%mul3A_72] : memref<320000xi32, #tpu.memory_space<hbm>> -> memref<32000xi32, #tpu.memory_space<hbm>>
        %dma_start3A_76 = tpu.memref_slice %arg3[%mul3A_72] : memref<320000xi32, #tpu.memory_space<hbm>> -> memref<32000xi32, #tpu.memory_space<hbm>>
        tpu.enqueue_dma source(%dma_start3A_76 : memref<32000xi32, #tpu.memory_space<hbm>>) target(%arg7 : memref<32000xi32, #tpu.memory_space<vmem>>) target_semaphore(%run_scoped3A : memref<!tpu.dma_semaphore, #tpu.memory_space<semaphore_mem>>)
        %dma_wait3A = tpu.memref_slice %arg3[%mul3A_72] : memref<320000xi32, #tpu.memory_space<hbm>> -> memref<32000xi32, #tpu.memory_space<hbm>>
        %dma_wait3A_77 = tpu.memref_slice %arg3[%mul3A_72] : memref<320000xi32, #tpu.memory_space<hbm>> -> memref<32000xi32, #tpu.memory_space<hbm>>
        tpu.wait_dma2 semaphore(%run_scoped3A : memref<!tpu.dma_semaphore, #tpu.memory_space<semaphore_mem>>) src(%dma_wait3A_77 : memref<32000xi32, #tpu.memory_space<hbm>>) dst(%arg7 : memref<32000xi32, #tpu.memory_space<vmem>>)
        tpu.yield
      }) : () -> ()
      %parallel_loop3A_73 = arith.constant 0 : i32
      %parallel_loop3A_74 = arith.constant 2000 : i32
      %parallel_loop3A_75 = arith.constant 1 : i32
      scf.for %parallel_loop3A_76 = %parallel_loop3A_73 to %parallel_loop3A_74 step %parallel_loop3A_75  : i32 {
        %parallel_loop3A_77 = arith.constant 16 : i32
        %parallel_loop3A_78 = arith.muli %parallel_loop3A_76, %parallel_loop3A_77 : i32
        %parallel_loop3A_79 = arith.index_cast %parallel_loop3A_78 : i32 to index
        %parallel_loop3A_80 = tpu.vector_load %arg7[%parallel_loop3A_79] {strides = array<i32>} : memref<32000xi32, #tpu.memory_space<vmem>>, vector<16xi32>,
        %parallel_loop3A_81 = arith.constant 12 : i32
        %parallel_loop3A_82 = vector.broadcast %parallel_loop3A_81 : i32 to vector<16xi32>
        %parallel_loop3A_83 = arith.shrui %parallel_loop3A_80, %parallel_loop3A_82 : vector<16xi32>
        %parallel_loop3A_84 = arith.andi %parallel_loop3A_83, %broadcast_in_dim3A_60 : vector<16xi32>
        %parallel_loop3A_85 = arith.andi %parallel_loop3A_80, %broadcast_in_dim3A_62 : vector<16xi32>
        %parallel_loop3A_86 = arith.constant 2 : i32
        %parallel_loop3A_87 = vector.broadcast %parallel_loop3A_86 : i32 to vector<16xi32>
        %parallel_loop3A_88 = arith.shli %parallel_loop3A_85, %parallel_loop3A_87 : vector<16xi32>
        %parallel_loop3A_89 = arith.constant 0 : i32
        %parallel_loop3A_90 = vector.broadcast %parallel_loop3A_89 : i32 to vector<16xi32>
        %parallel_loop3A_91 = arith.addi %select_n3A_47, %parallel_loop3A_90 : vector<16xi32>
        %parallel_loop3A_92 = arith.constant 0 : i32
        %parallel_loop3A_93 = vector.broadcast %parallel_loop3A_92 : i32 to vector<16xi32>
        %parallel_loop3A_94 = arith.cmpi slt, %parallel_loop3A_91, %parallel_loop3A_93 : vector<16xi32>
        %parallel_loop3A_95 = arith.constant 16 : i32
        %parallel_loop3A_96 = vector.broadcast %parallel_loop3A_95 : i32 to vector<16xi32>
        %parallel_loop3A_97 = arith.addi %parallel_loop3A_91, %parallel_loop3A_96 : vector<16xi32>
        %parallel_loop3A_98 = arith.select %parallel_loop3A_94, %parallel_loop3A_97, %parallel_loop3A_91 : vector<16xi1>, vector<16xi32>
        %parallel_loop3A_99 = vector.shape_cast %parallel_loop3A_98 : vector<16xi32> to vector<16x1xi32>
        %parallel_loop3A_100 = vector.shape_cast %parallel_loop3A_99 : vector<16x1xi32> to vector<16xi32>
        %parallel_loop3A_101 = tpu.dynamic_gather %parallel_loop3A_84[%parallel_loop3A_100] in [0] : vector<16xi32>, vector<16xi32> -> vector<16xi32>
        %parallel_loop3A_102 = arith.ori %parallel_loop3A_101, %select_n3A_19 : vector<16xi32>
        %parallel_loop3A_103 = arith.constant 0 : i32
        %parallel_loop3A_104 = vector.broadcast %parallel_loop3A_103 : i32 to vector<16xi32>
        %parallel_loop3A_105 = arith.cmpi slt, %parallel_loop3A_91, %parallel_loop3A_104 : vector<16xi32>
        %parallel_loop3A_106 = arith.constant 16 : i32
        %parallel_loop3A_107 = vector.broadcast %parallel_loop3A_106 : i32 to vector<16xi32>
        %parallel_loop3A_108 = arith.addi %parallel_loop3A_91, %parallel_loop3A_107 : vector<16xi32>
        %parallel_loop3A_109 = arith.select %parallel_loop3A_105, %parallel_loop3A_108, %parallel_loop3A_91 : vector<16xi1>, vector<16xi32>
        %parallel_loop3A_110 = vector.shape_cast %parallel_loop3A_109 : vector<16xi32> to vector<16x1xi32>
        %parallel_loop3A_111 = vector.shape_cast %parallel_loop3A_110 : vector<16x1xi32> to vector<16xi32>
        %parallel_loop3A_112 = tpu.dynamic_gather %parallel_loop3A_88[%parallel_loop3A_111] in [0] : vector<16xi32>, vector<16xi32> -> vector<16xi32>
        %parallel_loop3A_113 = arith.ori %parallel_loop3A_112, %select_n3A_19 : vector<16xi32>
        %parallel_loop3A_114 = tpu.vector_load_idx %arg5[%parallel_loop3A_102] : memref<40960xf32, #tpu.memory_space<vmem>>[vector<16xi32>], vector<16xf32>,
        tpu.vector_store_idx %arg6[%parallel_loop3A_113], %parallel_loop3A_114 {add = true} : memref<40960xf32, #tpu.memory_space<vmem>>[vector<16xi32>], vector<16xf32>,
        %parallel_loop3A_115 = arith.constant 4 : i32
        %parallel_loop3A_116 = vector.broadcast %parallel_loop3A_115 : i32 to vector<16xi32>
        %parallel_loop3A_117 = arith.addi %select_n3A_47, %parallel_loop3A_116 : vector<16xi32>
        %parallel_loop3A_118 = arith.constant 0 : i32
        %parallel_loop3A_119 = vector.broadcast %parallel_loop3A_118 : i32 to vector<16xi32>
        %parallel_loop3A_120 = arith.cmpi slt, %parallel_loop3A_117, %parallel_loop3A_119 : vector<16xi32>
        %parallel_loop3A_121 = arith.constant 16 : i32
        %parallel_loop3A_122 = vector.broadcast %parallel_loop3A_121 : i32 to vector<16xi32>
        %parallel_loop3A_123 = arith.addi %parallel_loop3A_117, %parallel_loop3A_122 : vector<16xi32>
        %parallel_loop3A_124 = arith.select %parallel_loop3A_120, %parallel_loop3A_123, %parallel_loop3A_117 : vector<16xi1>, vector<16xi32>
        %parallel_loop3A_125 = vector.shape_cast %parallel_loop3A_124 : vector<16xi32> to vector<16x1xi32>
        %parallel_loop3A_126 = vector.shape_cast %parallel_loop3A_125 : vector<16x1xi32> to vector<16xi32>
        %parallel_loop3A_127 = tpu.dynamic_gather %parallel_loop3A_84[%parallel_loop3A_126] in [0] : vector<16xi32>, vector<16xi32> -> vector<16xi32>
        %parallel_loop3A_128 = arith.ori %parallel_loop3A_127, %select_n3A_19 : vector<16xi32>
        %parallel_loop3A_129 = arith.constant 0 : i32
        %parallel_loop3A_130 = vector.broadcast %parallel_loop3A_129 : i32 to vector<16xi32>
        %parallel_loop3A_131 = arith.cmpi slt, %parallel_loop3A_117, %parallel_loop3A_130 : vector<16xi32>
        %parallel_loop3A_132 = arith.constant 16 : i32
        %parallel_loop3A_133 = vector.broadcast %parallel_loop3A_132 : i32 to vector<16xi32>
        %parallel_loop3A_134 = arith.addi %parallel_loop3A_117, %parallel_loop3A_133 : vector<16xi32>
        %parallel_loop3A_135 = arith.select %parallel_loop3A_131, %parallel_loop3A_134, %parallel_loop3A_117 : vector<16xi1>, vector<16xi32>
        %parallel_loop3A_136 = vector.shape_cast %parallel_loop3A_135 : vector<16xi32> to vector<16x1xi32>
        %parallel_loop3A_137 = vector.shape_cast %parallel_loop3A_136 : vector<16x1xi32> to vector<16xi32>
        %parallel_loop3A_138 = tpu.dynamic_gather %parallel_loop3A_88[%parallel_loop3A_137] in [0] : vector<16xi32>, vector<16xi32> -> vector<16xi32>
        %parallel_loop3A_139 = arith.ori %parallel_loop3A_138, %select_n3A_19 : vector<16xi32>
        %parallel_loop3A_140 = tpu.vector_load_idx %arg5[%parallel_loop3A_128] : memref<40960xf32, #tpu.memory_space<vmem>>[vector<16xi32>], vector<16xf32>,
        tpu.vector_store_idx %arg6[%parallel_loop3A_139], %parallel_loop3A_140 {add = true} : memref<40960xf32, #tpu.memory_space<vmem>>[vector<16xi32>], vector<16xf32>,
        %parallel_loop3A_141 = arith.constant 8 : i32
        %parallel_loop3A_142 = vector.broadcast %parallel_loop3A_141 : i32 to vector<16xi32>
        %parallel_loop3A_143 = arith.addi %select_n3A_47, %parallel_loop3A_142 : vector<16xi32>
        %parallel_loop3A_144 = arith.constant 0 : i32
        %parallel_loop3A_145 = vector.broadcast %parallel_loop3A_144 : i32 to vector<16xi32>
        %parallel_loop3A_146 = arith.cmpi slt, %parallel_loop3A_143, %parallel_loop3A_145 : vector<16xi32>
        %parallel_loop3A_147 = arith.constant 16 : i32
        %parallel_loop3A_148 = vector.broadcast %parallel_loop3A_147 : i32 to vector<16xi32>
        %parallel_loop3A_149 = arith.addi %parallel_loop3A_143, %parallel_loop3A_148 : vector<16xi32>
        %parallel_loop3A_150 = arith.select %parallel_loop3A_146, %parallel_loop3A_149, %parallel_loop3A_143 : vector<16xi1>, vector<16xi32>
        %parallel_loop3A_151 = vector.shape_cast %parallel_loop3A_150 : vector<16xi32> to vector<16x1xi32>
        %parallel_loop3A_152 = vector.shape_cast %parallel_loop3A_151 : vector<16x1xi32> to vector<16xi32>
        %parallel_loop3A_153 = tpu.dynamic_gather %parallel_loop3A_84[%parallel_loop3A_152] in [0] : vector<16xi32>, vector<16xi32> -> vector<16xi32>
        %parallel_loop3A_154 = arith.ori %parallel_loop3A_153, %select_n3A_19 : vector<16xi32>
        %parallel_loop3A_155 = arith.constant 0 : i32
        %parallel_loop3A_156 = vector.broadcast %parallel_loop3A_155 : i32 to vector<16xi32>
        %parallel_loop3A_157 = arith.cmpi slt, %parallel_loop3A_143, %parallel_loop3A_156 : vector<16xi32>
        %parallel_loop3A_158 = arith.constant 16 : i32
        %parallel_loop3A_159 = vector.broadcast %parallel_loop3A_158 : i32 to vector<16xi32>
        %parallel_loop3A_160 = arith.addi %parallel_loop3A_143, %parallel_loop3A_159 : vector<16xi32>
        %parallel_loop3A_161 = arith.select %parallel_loop3A_157, %parallel_loop3A_160, %parallel_loop3A_143 : vector<16xi1>, vector<16xi32>
        %parallel_loop3A_162 = vector.shape_cast %parallel_loop3A_161 : vector<16xi32> to vector<16x1xi32>
        %parallel_loop3A_163 = vector.shape_cast %parallel_loop3A_162 : vector<16x1xi32> to vector<16xi32>
        %parallel_loop3A_164 = tpu.dynamic_gather %parallel_loop3A_88[%parallel_loop3A_163] in [0] : vector<16xi32>, vector<16xi32> -> vector<16xi32>
        %parallel_loop3A_165 = arith.ori %parallel_loop3A_164, %select_n3A_19 : vector<16xi32>
        %parallel_loop3A_166 = tpu.vector_load_idx %arg5[%parallel_loop3A_154] : memref<40960xf32, #tpu.memory_space<vmem>>[vector<16xi32>], vector<16xf32>,
        tpu.vector_store_idx %arg6[%parallel_loop3A_165], %parallel_loop3A_166 {add = true} : memref<40960xf32, #tpu.memory_space<vmem>>[vector<16xi32>], vector<16xf32>,
        %parallel_loop3A_167 = arith.constant 12 : i32
        %parallel_loop3A_168 = vector.broadcast %parallel_loop3A_167 : i32 to vector<16xi32>
        %parallel_loop3A_169 = arith.addi %select_n3A_47, %parallel_loop3A_168 : vector<16xi32>
        %parallel_loop3A_170 = arith.constant 0 : i32
        %parallel_loop3A_171 = vector.broadcast %parallel_loop3A_170 : i32 to vector<16xi32>
        %parallel_loop3A_172 = arith.cmpi slt, %parallel_loop3A_169, %parallel_loop3A_171 : vector<16xi32>
        %parallel_loop3A_173 = arith.constant 16 : i32
        %parallel_loop3A_174 = vector.broadcast %parallel_loop3A_173 : i32 to vector<16xi32>
        %parallel_loop3A_175 = arith.addi %parallel_loop3A_169, %parallel_loop3A_174 : vector<16xi32>
        %parallel_loop3A_176 = arith.select %parallel_loop3A_172, %parallel_loop3A_175, %parallel_loop3A_169 : vector<16xi1>, vector<16xi32>
        %parallel_loop3A_177 = vector.shape_cast %parallel_loop3A_176 : vector<16xi32> to vector<16x1xi32>
        %parallel_loop3A_178 = vector.shape_cast %parallel_loop3A_177 : vector<16x1xi32> to vector<16xi32>
        %parallel_loop3A_179 = tpu.dynamic_gather %parallel_loop3A_84[%parallel_loop3A_178] in [0] : vector<16xi32>, vector<16xi32> -> vector<16xi32>
        %parallel_loop3A_180 = arith.ori %parallel_loop3A_179, %select_n3A_19 : vector<16xi32>
        %parallel_loop3A_181 = arith.constant 0 : i32
        %parallel_loop3A_182 = vector.broadcast %parallel_loop3A_181 : i32 to vector<16xi32>
        %parallel_loop3A_183 = arith.cmpi slt, %parallel_loop3A_169, %parallel_loop3A_182 : vector<16xi32>
        %parallel_loop3A_184 = arith.constant 16 : i32
        %parallel_loop3A_185 = vector.broadcast %parallel_loop3A_184 : i32 to vector<16xi32>
        %parallel_loop3A_186 = arith.addi %parallel_loop3A_169, %parallel_loop3A_185 : vector<16xi32>
        %parallel_loop3A_187 = arith.select %parallel_loop3A_183, %parallel_loop3A_186, %parallel_loop3A_169 : vector<16xi1>, vector<16xi32>
        %parallel_loop3A_188 = vector.shape_cast %parallel_loop3A_187 : vector<16xi32> to vector<16x1xi32>
        %parallel_loop3A_189 = vector.shape_cast %parallel_loop3A_188 : vector<16x1xi32> to vector<16xi32>
        %parallel_loop3A_190 = tpu.dynamic_gather %parallel_loop3A_88[%parallel_loop3A_189] in [0] : vector<16xi32>, vector<16xi32> -> vector<16xi32>
        %parallel_loop3A_191 = arith.ori %parallel_loop3A_190, %select_n3A_19 : vector<16xi32>
        %parallel_loop3A_192 = tpu.vector_load_idx %arg5[%parallel_loop3A_180] : memref<40960xf32, #tpu.memory_space<vmem>>[vector<16xi32>], vector<16xf32>,
        tpu.vector_store_idx %arg6[%parallel_loop3A_191], %parallel_loop3A_192 {add = true} : memref<40960xf32, #tpu.memory_space<vmem>>[vector<16xi32>], vector<16xf32>,
      } {sc.loop_unroll_factor = 8 : i64, sc.parallel_access}
    }
    %scan3A_67 = arith.constant 10 : i32
    %mul3A_68 = arith.constant 40960 : i32
    %mul3A_69 = arith.muli %add3A, %mul3A_68 : i32
    "tpu.region"() ({
      %run_scoped3A = tpu.sem_alloc : memref<!tpu.dma_semaphore, #tpu.memory_space<semaphore_mem>>
      %dma_start3A = tpu.memref_slice %arg4[%mul3A_69] : memref<1310720xf32, #tpu.memory_space<hbm>> -> memref<40960xf32, #tpu.memory_space<hbm>>
      %dma_start3A_70 = tpu.memref_slice %arg4[%mul3A_69] : memref<1310720xf32, #tpu.memory_space<hbm>> -> memref<40960xf32, #tpu.memory_space<hbm>>
      tpu.enqueue_dma source(%arg6 : memref<40960xf32, #tpu.memory_space<vmem>>) target(%dma_start3A_70 : memref<40960xf32, #tpu.memory_space<hbm>>) target_semaphore(%run_scoped3A : memref<!tpu.dma_semaphore, #tpu.memory_space<semaphore_mem>>)
      %dma_wait3A = tpu.memref_slice %arg4[%mul3A_69] : memref<1310720xf32, #tpu.memory_space<hbm>> -> memref<40960xf32, #tpu.memory_space<hbm>>
      %dma_wait3A_71 = tpu.memref_slice %arg4[%mul3A_69] : memref<1310720xf32, #tpu.memory_space<hbm>> -> memref<40960xf32, #tpu.memory_space<hbm>>
      tpu.wait_dma2 semaphore(%run_scoped3A : memref<!tpu.dma_semaphore, #tpu.memory_space<semaphore_mem>>) src(%arg6 : memref<40960xf32, #tpu.memory_space<vmem>>) dst(%dma_wait3A_71 : memref<40960xf32, #tpu.memory_space<hbm>>)
      tpu.yield
    }) : () -> ()
    return
  }
}

#map = affine_map<(d0, d1) -> (0)>
module attributes {stable_mosaic.version = 14 : i64} {
  func.func @_sc_scatter_body(%arg0: i32, %arg1: i32, %arg2: memref<1310720xf32, #tpu.memory_space<hbm>>, %arg3: memref<320000xi32, #tpu.memory_space<hbm>>, %arg4: memref<1310720xf32, #tpu.memory_space<hbm>>, %arg5: memref<40960xf32, #tpu.memory_space<vmem>>, %arg6: memref<40960xf32, #tpu.memory_space<vmem>>, %arg7: memref<32000xi32, #tpu.memory_space<vmem>>) attributes {dimension_semantics = [#tpu.dimension_semantics<core_parallel>, #tpu.dimension_semantics<subcore_parallel>], iteration_bounds = array<i64: 2, 16>, scalar_prefetch = 0 : i64, scratch_operands = 3 : i64, tpu.core_type = #tpu.core_type<sc_vector_subcore>, window_params = [{transform_indices = #map}, {transform_indices = #map}, {transform_indices = #map}]} {
    %mul3A = arith.constant 2 : i32
    %mul3A_0 = arith.muli %arg1, %mul3A : i32
    %add3A = arith.addi %mul3A_0, %arg0 : i32
    %mul3A_1 = arith.constant 40960 : i32
    %mul3A_2 = arith.muli %add3A, %mul3A_1 : i32
    "tpu.region"() ({
      %run_scoped3A = tpu.sem_alloc : memref<!tpu.dma_semaphore, #tpu.memory_space<semaphore_mem>>
      %dma_start3A = tpu.memref_slice %arg2[%mul3A_2] : memref<1310720xf32, #tpu.memory_space<hbm>> -> memref<40960xf32, #tpu.memory_space<hbm>>
      %dma_start3A_70 = tpu.memref_slice %arg2[%mul3A_2] : memref<1310720xf32, #tpu.memory_space<hbm>> -> memref<40960xf32, #tpu.memory_space<hbm>>
      tpu.enqueue_dma source(%dma_start3A_70 : memref<40960xf32, #tpu.memory_space<hbm>>) target(%arg5 : memref<40960xf32, #tpu.memory_space<vmem>>) target_semaphore(%run_scoped3A : memref<!tpu.dma_semaphore, #tpu.memory_space<semaphore_mem>>)
      %dma_wait3A = tpu.memref_slice %arg2[%mul3A_2] : memref<1310720xf32, #tpu.memory_space<hbm>> -> memref<40960xf32, #tpu.memory_space<hbm>>
      %dma_wait3A_71 = tpu.memref_slice %arg2[%mul3A_2] : memref<1310720xf32, #tpu.memory_space<hbm>> -> memref<40960xf32, #tpu.memory_space<hbm>>
      tpu.wait_dma2 semaphore(%run_scoped3A : memref<!tpu.dma_semaphore, #tpu.memory_space<semaphore_mem>>) src(%dma_wait3A_71 : memref<40960xf32, #tpu.memory_space<hbm>>) dst(%arg5 : memref<40960xf32, #tpu.memory_space<vmem>>)
      tpu.yield
    }) : () -> ()
    %parallel_loop3A = arith.constant 0 : i32
    %parallel_loop3A_3 = arith.constant 2560 : i32
    %parallel_loop3A_4 = arith.constant 1 : i32
    scf.for %parallel_loop3A_70 = %parallel_loop3A to %parallel_loop3A_3 step %parallel_loop3A_4  : i32 {
      %parallel_loop3A_71 = arith.constant 0.000000e+00 : f32
      %parallel_loop3A_72 = vector.broadcast %parallel_loop3A_71 : f32 to vector<16xf32>
      %parallel_loop3A_73 = arith.constant 16 : i32
      %parallel_loop3A_74 = arith.muli %parallel_loop3A_70, %parallel_loop3A_73 : i32
      %parallel_loop3A_75 = arith.index_cast %parallel_loop3A_74 : i32 to index
      %parallel_loop3A_76 = tpu.vector_load %arg6[%parallel_loop3A_75] {strides = array<i32>} : memref<40960xf32, #tpu.memory_space<vmem>>, vector<16xf32>,
      tpu.vector_store %arg6[%parallel_loop3A_75], %parallel_loop3A_72 {strides = array<i32>} : memref<40960xf32, #tpu.memory_space<vmem>>, vector<16xf32>,
    } {sc.loop_unroll_factor = 1 : i64, sc.parallel_access}
    %iota3A = tpu.iota {dimensions = array<i32: 0>} : vector<16xi32>
    %jit3A = arith.constant 4 : i32
    %eq3A = arith.constant 0 : i32
    %eq3A_5 = arith.cmpi eq, %jit3A, %eq3A : i32
    %jit3A_6 = arith.constant 1 : i32
    %select_n3A = arith.select %eq3A_5, %jit3A_6, %jit3A : i32
    %rem3A = vector.broadcast %select_n3A : i32 to vector<16xi32>
    %rem3A_7 = arith.remsi %iota3A, %rem3A : vector<16xi32>
    %ne3A = arith.constant 0 : i32
    %ne3A_8 = vector.broadcast %ne3A : i32 to vector<16xi32>
    %ne3A_9 = arith.cmpi ne, %rem3A_7, %ne3A_8 : vector<16xi32>
    %lt3A = arith.constant 0 : i32
    %lt3A_10 = vector.broadcast %lt3A : i32 to vector<16xi32>
    %lt3A_11 = arith.cmpi slt, %rem3A_7, %lt3A_10 : vector<16xi32>
    %lt3A_12 = arith.constant 0 : i32
    %lt3A_13 = arith.cmpi slt, %select_n3A, %lt3A_12 : i32
    %ne3A_14 = vector.broadcast %lt3A_13 : i1 to vector<16xi1>
    %ne3A_15 = vector.broadcast %ne3A_14 : vector<16xi1> to vector<16xi1>
    %ne3A_16 = arith.xori %lt3A_11, %ne3A_15 : vector<16xi1>
    %and3A = arith.andi %ne3A_16, %ne3A_9 : vector<16xi1>
    %add3A_17 = vector.broadcast %select_n3A : i32 to vector<16xi32>
    %add3A_18 = arith.addi %rem3A_7, %add3A_17 : vector<16xi32>
    %select_n3A_19 = arith.select %and3A, %add3A_18, %rem3A_7 : vector<16xi1>, vector<16xi32>
    %jit3A_20 = arith.constant 4 : i32
    %div3A = vector.broadcast %jit3A_20 : i32 to vector<16xi32>
    %div3A_21 = arith.divsi %iota3A, %div3A : vector<16xi32>
    %sign3A = arith.constant 0 : i32
    %sign3A_22 = vector.broadcast %sign3A : i32 to vector<16xi32>
    %sign3A_23 = arith.cmpi sgt, %iota3A, %sign3A_22 : vector<16xi32>
    %sign3A_24 = arith.extui %sign3A_23 : vector<16xi1> to vector<16xi32>
    %sign3A_25 = arith.constant 0 : i32
    %sign3A_26 = vector.broadcast %sign3A_25 : i32 to vector<16xi32>
    %sign3A_27 = arith.cmpi slt, %iota3A, %sign3A_26 : vector<16xi32>
    %sign3A_28 = arith.extui %sign3A_27 : vector<16xi1> to vector<16xi32>
    %sign3A_29 = arith.subi %sign3A_24, %sign3A_28 : vector<16xi32>
    %sign3A_30 = arith.constant 0 : i32
    %sign3A_31 = arith.cmpi sgt, %jit3A_20, %sign3A_30 : i32
    %sign3A_32 = arith.extui %sign3A_31 : i1 to i32
    %sign3A_33 = arith.constant 0 : i32
    %sign3A_34 = arith.cmpi slt, %jit3A_20, %sign3A_33 : i32
    %sign3A_35 = arith.extui %sign3A_34 : i1 to i32
    %sign3A_36 = arith.subi %sign3A_32, %sign3A_35 : i32
    %ne3A_37 = vector.broadcast %sign3A_36 : i32 to vector<16xi32>
    %ne3A_38 = arith.cmpi ne, %sign3A_29, %ne3A_37 : vector<16xi32>
    %rem3A_39 = vector.broadcast %jit3A_20 : i32 to vector<16xi32>
    %rem3A_40 = arith.remsi %iota3A, %rem3A_39 : vector<16xi32>
    %ne3A_41 = arith.constant 0 : i32
    %ne3A_42 = vector.broadcast %ne3A_41 : i32 to vector<16xi32>
    %ne3A_43 = arith.cmpi ne, %rem3A_40, %ne3A_42 : vector<16xi32>
    %and3A_44 = arith.andi %ne3A_38, %ne3A_43 : vector<16xi1>
    %sub3A = arith.constant 1 : i32
    %sub3A_45 = vector.broadcast %sub3A : i32 to vector<16xi32>
    %sub3A_46 = arith.subi %div3A_21, %sub3A_45 : vector<16xi32>
    %select_n3A_47 = arith.select %and3A_44, %sub3A_46, %div3A_21 : vector<16xi1>, vector<16xi32>
    %eq3A_48 = arith.constant 0 : i32
    %eq3A_49 = vector.broadcast %eq3A_48 : i32 to vector<16xi32>
    %eq3A_50 = arith.cmpi eq, %select_n3A_47, %eq3A_49 : vector<16xi32>
    %eq3A_51 = arith.constant 1 : i32
    %eq3A_52 = vector.broadcast %eq3A_51 : i32 to vector<16xi32>
    %eq3A_53 = arith.cmpi eq, %select_n3A_47, %eq3A_52 : vector<16xi32>
    %eq3A_54 = arith.constant 2 : i32
    %eq3A_55 = vector.broadcast %eq3A_54 : i32 to vector<16xi32>
    %eq3A_56 = arith.cmpi eq, %select_n3A_47, %eq3A_55 : vector<16xi32>
    %eq3A_57 = arith.constant 3 : i32
    %eq3A_58 = vector.broadcast %eq3A_57 : i32 to vector<16xi32>
    %eq3A_59 = arith.cmpi eq, %select_n3A_47, %eq3A_58 : vector<16xi32>
    %broadcast_in_dim3A = arith.constant 65532 : i32
    %broadcast_in_dim3A_60 = vector.broadcast %broadcast_in_dim3A : i32 to vector<16xi32>
    %broadcast_in_dim3A_61 = arith.constant 16383 : i32
    %broadcast_in_dim3A_62 = vector.broadcast %broadcast_in_dim3A_61 : i32 to vector<16xi32>
    %scan3A = arith.constant 0 : i32
    %scan3A_63 = arith.constant 0 : i32
    %scan3A_64 = arith.constant 10 : i32
    %scan3A_65 = arith.addi %scan3A_63, %scan3A_64 : i32
    %scan3A_66 = arith.constant 1 : i32
    scf.for %scan3A_70 = %scan3A_63 to %scan3A_65 step %scan3A_66  : i32 {
      %mul3A_71 = arith.constant 32000 : i32
      %mul3A_72 = arith.muli %scan3A_70, %mul3A_71 : i32
      "tpu.region"() ({
        %run_scoped3A = tpu.sem_alloc : memref<!tpu.dma_semaphore, #tpu.memory_space<semaphore_mem>>
        %dma_start3A = tpu.memref_slice %arg3[%mul3A_72] : memref<320000xi32, #tpu.memory_space<hbm>> -> memref<32000xi32, #tpu.memory_space<hbm>>
        %dma_start3A_76 = tpu.memref_slice %arg3[%mul3A_72] : memref<320000xi32, #tpu.memory_space<hbm>> -> memref<32000xi32, #tpu.memory_space<hbm>>
        tpu.enqueue_dma source(%dma_start3A_76 : memref<32000xi32, #tpu.memory_space<hbm>>) target(%arg7 : memref<32000xi32, #tpu.memory_space<vmem>>) target_semaphore(%run_scoped3A : memref<!tpu.dma_semaphore, #tpu.memory_space<semaphore_mem>>)
        %dma_wait3A = tpu.memref_slice %arg3[%mul3A_72] : memref<320000xi32, #tpu.memory_space<hbm>> -> memref<32000xi32, #tpu.memory_space<hbm>>
        %dma_wait3A_77 = tpu.memref_slice %arg3[%mul3A_72] : memref<320000xi32, #tpu.memory_space<hbm>> -> memref<32000xi32, #tpu.memory_space<hbm>>
        tpu.wait_dma2 semaphore(%run_scoped3A : memref<!tpu.dma_semaphore, #tpu.memory_space<semaphore_mem>>) src(%dma_wait3A_77 : memref<32000xi32, #tpu.memory_space<hbm>>) dst(%arg7 : memref<32000xi32, #tpu.memory_space<vmem>>)
        tpu.yield
      }) : () -> ()
      %parallel_loop3A_73 = arith.constant 0 : i32
      %parallel_loop3A_74 = arith.constant 2000 : i32
      %parallel_loop3A_75 = arith.constant 1 : i32
      scf.for %parallel_loop3A_76 = %parallel_loop3A_73 to %parallel_loop3A_74 step %parallel_loop3A_75  : i32 {
        %parallel_loop3A_77 = arith.constant 16 : i32
        %parallel_loop3A_78 = arith.muli %parallel_loop3A_76, %parallel_loop3A_77 : i32
        %parallel_loop3A_79 = arith.index_cast %parallel_loop3A_78 : i32 to index
        %parallel_loop3A_80 = tpu.vector_load %arg7[%parallel_loop3A_79] {strides = array<i32>} : memref<32000xi32, #tpu.memory_space<vmem>>, vector<16xi32>,
        %parallel_loop3A_81 = arith.constant 12 : i32
        %parallel_loop3A_82 = vector.broadcast %parallel_loop3A_81 : i32 to vector<16xi32>
        %parallel_loop3A_83 = arith.shrui %parallel_loop3A_80, %parallel_loop3A_82 : vector<16xi32>
        %parallel_loop3A_84 = arith.andi %parallel_loop3A_83, %broadcast_in_dim3A_60 : vector<16xi32>
        %parallel_loop3A_85 = arith.andi %parallel_loop3A_80, %broadcast_in_dim3A_62 : vector<16xi32>
        %parallel_loop3A_86 = arith.constant 2 : i32
        %parallel_loop3A_87 = vector.broadcast %parallel_loop3A_86 : i32 to vector<16xi32>
        %parallel_loop3A_88 = arith.shli %parallel_loop3A_85, %parallel_loop3A_87 : vector<16xi32>
        %parallel_loop3A_89 = arith.constant 0 : i32
        %parallel_loop3A_90 = vector.broadcast %parallel_loop3A_89 : i32 to vector<16xi32>
        %parallel_loop3A_91 = arith.addi %select_n3A_47, %parallel_loop3A_90 : vector<16xi32>
        %parallel_loop3A_92 = arith.constant 0 : i32
        %parallel_loop3A_93 = vector.broadcast %parallel_loop3A_92 : i32 to vector<16xi32>
        %parallel_loop3A_94 = arith.cmpi slt, %parallel_loop3A_91, %parallel_loop3A_93 : vector<16xi32>
        %parallel_loop3A_95 = arith.constant 16 : i32
        %parallel_loop3A_96 = vector.broadcast %parallel_loop3A_95 : i32 to vector<16xi32>
        %parallel_loop3A_97 = arith.addi %parallel_loop3A_91, %parallel_loop3A_96 : vector<16xi32>
        %parallel_loop3A_98 = arith.select %parallel_loop3A_94, %parallel_loop3A_97, %parallel_loop3A_91 : vector<16xi1>, vector<16xi32>
        %parallel_loop3A_99 = vector.shape_cast %parallel_loop3A_98 : vector<16xi32> to vector<16x1xi32>
        %parallel_loop3A_100 = vector.shape_cast %parallel_loop3A_99 : vector<16x1xi32> to vector<16xi32>
        %parallel_loop3A_101 = tpu.dynamic_gather %parallel_loop3A_84[%parallel_loop3A_100] in [0] : vector<16xi32>, vector<16xi32> -> vector<16xi32>
        %parallel_loop3A_102 = arith.ori %parallel_loop3A_101, %select_n3A_19 : vector<16xi32>
        %parallel_loop3A_103 = arith.constant 0 : i32
        %parallel_loop3A_104 = vector.broadcast %parallel_loop3A_103 : i32 to vector<16xi32>
        %parallel_loop3A_105 = arith.cmpi slt, %parallel_loop3A_91, %parallel_loop3A_104 : vector<16xi32>
        %parallel_loop3A_106 = arith.constant 16 : i32
        %parallel_loop3A_107 = vector.broadcast %parallel_loop3A_106 : i32 to vector<16xi32>
        %parallel_loop3A_108 = arith.addi %parallel_loop3A_91, %parallel_loop3A_107 : vector<16xi32>
        %parallel_loop3A_109 = arith.select %parallel_loop3A_105, %parallel_loop3A_108, %parallel_loop3A_91 : vector<16xi1>, vector<16xi32>
        %parallel_loop3A_110 = vector.shape_cast %parallel_loop3A_109 : vector<16xi32> to vector<16x1xi32>
        %parallel_loop3A_111 = vector.shape_cast %parallel_loop3A_110 : vector<16x1xi32> to vector<16xi32>
        %parallel_loop3A_112 = tpu.dynamic_gather %parallel_loop3A_88[%parallel_loop3A_111] in [0] : vector<16xi32>, vector<16xi32> -> vector<16xi32>
        %parallel_loop3A_113 = arith.ori %parallel_loop3A_112, %select_n3A_19 : vector<16xi32>
        %parallel_loop3A_114 = tpu.vector_load_idx %arg5[%parallel_loop3A_102] : memref<40960xf32, #tpu.memory_space<vmem>>[vector<16xi32>], vector<16xf32>,
        tpu.vector_store_idx %arg6[%parallel_loop3A_113], %parallel_loop3A_114 {add = true} : memref<40960xf32, #tpu.memory_space<vmem>>[vector<16xi32>], vector<16xf32>,
        %parallel_loop3A_115 = arith.constant 4 : i32
        %parallel_loop3A_116 = vector.broadcast %parallel_loop3A_115 : i32 to vector<16xi32>
        %parallel_loop3A_117 = arith.addi %select_n3A_47, %parallel_loop3A_116 : vector<16xi32>
        %parallel_loop3A_118 = arith.constant 0 : i32
        %parallel_loop3A_119 = vector.broadcast %parallel_loop3A_118 : i32 to vector<16xi32>
        %parallel_loop3A_120 = arith.cmpi slt, %parallel_loop3A_117, %parallel_loop3A_119 : vector<16xi32>
        %parallel_loop3A_121 = arith.constant 16 : i32
        %parallel_loop3A_122 = vector.broadcast %parallel_loop3A_121 : i32 to vector<16xi32>
        %parallel_loop3A_123 = arith.addi %parallel_loop3A_117, %parallel_loop3A_122 : vector<16xi32>
        %parallel_loop3A_124 = arith.select %parallel_loop3A_120, %parallel_loop3A_123, %parallel_loop3A_117 : vector<16xi1>, vector<16xi32>
        %parallel_loop3A_125 = vector.shape_cast %parallel_loop3A_124 : vector<16xi32> to vector<16x1xi32>
        %parallel_loop3A_126 = vector.shape_cast %parallel_loop3A_125 : vector<16x1xi32> to vector<16xi32>
        %parallel_loop3A_127 = tpu.dynamic_gather %parallel_loop3A_84[%parallel_loop3A_126] in [0] : vector<16xi32>, vector<16xi32> -> vector<16xi32>
        %parallel_loop3A_128 = arith.ori %parallel_loop3A_127, %select_n3A_19 : vector<16xi32>
        %parallel_loop3A_129 = arith.constant 0 : i32
        %parallel_loop3A_130 = vector.broadcast %parallel_loop3A_129 : i32 to vector<16xi32>
        %parallel_loop3A_131 = arith.cmpi slt, %parallel_loop3A_117, %parallel_loop3A_130 : vector<16xi32>
        %parallel_loop3A_132 = arith.constant 16 : i32
        %parallel_loop3A_133 = vector.broadcast %parallel_loop3A_132 : i32 to vector<16xi32>
        %parallel_loop3A_134 = arith.addi %parallel_loop3A_117, %parallel_loop3A_133 : vector<16xi32>
        %parallel_loop3A_135 = arith.select %parallel_loop3A_131, %parallel_loop3A_134, %parallel_loop3A_117 : vector<16xi1>, vector<16xi32>
        %parallel_loop3A_136 = vector.shape_cast %parallel_loop3A_135 : vector<16xi32> to vector<16x1xi32>
        %parallel_loop3A_137 = vector.shape_cast %parallel_loop3A_136 : vector<16x1xi32> to vector<16xi32>
        %parallel_loop3A_138 = tpu.dynamic_gather %parallel_loop3A_88[%parallel_loop3A_137] in [0] : vector<16xi32>, vector<16xi32> -> vector<16xi32>
        %parallel_loop3A_139 = arith.ori %parallel_loop3A_138, %select_n3A_19 : vector<16xi32>
        %parallel_loop3A_140 = tpu.vector_load_idx %arg5[%parallel_loop3A_128] : memref<40960xf32, #tpu.memory_space<vmem>>[vector<16xi32>], vector<16xf32>,
        tpu.vector_store_idx %arg6[%parallel_loop3A_139], %parallel_loop3A_140 {add = true} : memref<40960xf32, #tpu.memory_space<vmem>>[vector<16xi32>], vector<16xf32>,
        %parallel_loop3A_141 = arith.constant 8 : i32
        %parallel_loop3A_142 = vector.broadcast %parallel_loop3A_141 : i32 to vector<16xi32>
        %parallel_loop3A_143 = arith.addi %select_n3A_47, %parallel_loop3A_142 : vector<16xi32>
        %parallel_loop3A_144 = arith.constant 0 : i32
        %parallel_loop3A_145 = vector.broadcast %parallel_loop3A_144 : i32 to vector<16xi32>
        %parallel_loop3A_146 = arith.cmpi slt, %parallel_loop3A_143, %parallel_loop3A_145 : vector<16xi32>
        %parallel_loop3A_147 = arith.constant 16 : i32
        %parallel_loop3A_148 = vector.broadcast %parallel_loop3A_147 : i32 to vector<16xi32>
        %parallel_loop3A_149 = arith.addi %parallel_loop3A_143, %parallel_loop3A_148 : vector<16xi32>
        %parallel_loop3A_150 = arith.select %parallel_loop3A_146, %parallel_loop3A_149, %parallel_loop3A_143 : vector<16xi1>, vector<16xi32>
        %parallel_loop3A_151 = vector.shape_cast %parallel_loop3A_150 : vector<16xi32> to vector<16x1xi32>
        %parallel_loop3A_152 = vector.shape_cast %parallel_loop3A_151 : vector<16x1xi32> to vector<16xi32>
        %parallel_loop3A_153 = tpu.dynamic_gather %parallel_loop3A_84[%parallel_loop3A_152] in [0] : vector<16xi32>, vector<16xi32> -> vector<16xi32>
        %parallel_loop3A_154 = arith.ori %parallel_loop3A_153, %select_n3A_19 : vector<16xi32>
        %parallel_loop3A_155 = arith.constant 0 : i32
        %parallel_loop3A_156 = vector.broadcast %parallel_loop3A_155 : i32 to vector<16xi32>
        %parallel_loop3A_157 = arith.cmpi slt, %parallel_loop3A_143, %parallel_loop3A_156 : vector<16xi32>
        %parallel_loop3A_158 = arith.constant 16 : i32
        %parallel_loop3A_159 = vector.broadcast %parallel_loop3A_158 : i32 to vector<16xi32>
        %parallel_loop3A_160 = arith.addi %parallel_loop3A_143, %parallel_loop3A_159 : vector<16xi32>
        %parallel_loop3A_161 = arith.select %parallel_loop3A_157, %parallel_loop3A_160, %parallel_loop3A_143 : vector<16xi1>, vector<16xi32>
        %parallel_loop3A_162 = vector.shape_cast %parallel_loop3A_161 : vector<16xi32> to vector<16x1xi32>
        %parallel_loop3A_163 = vector.shape_cast %parallel_loop3A_162 : vector<16x1xi32> to vector<16xi32>
        %parallel_loop3A_164 = tpu.dynamic_gather %parallel_loop3A_88[%parallel_loop3A_163] in [0] : vector<16xi32>, vector<16xi32> -> vector<16xi32>
        %parallel_loop3A_165 = arith.ori %parallel_loop3A_164, %select_n3A_19 : vector<16xi32>
        %parallel_loop3A_166 = tpu.vector_load_idx %arg5[%parallel_loop3A_154] : memref<40960xf32, #tpu.memory_space<vmem>>[vector<16xi32>], vector<16xf32>,
        tpu.vector_store_idx %arg6[%parallel_loop3A_165], %parallel_loop3A_166 {add = true} : memref<40960xf32, #tpu.memory_space<vmem>>[vector<16xi32>], vector<16xf32>,
        %parallel_loop3A_167 = arith.constant 12 : i32
        %parallel_loop3A_168 = vector.broadcast %parallel_loop3A_167 : i32 to vector<16xi32>
        %parallel_loop3A_169 = arith.addi %select_n3A_47, %parallel_loop3A_168 : vector<16xi32>
        %parallel_loop3A_170 = arith.constant 0 : i32
        %parallel_loop3A_171 = vector.broadcast %parallel_loop3A_170 : i32 to vector<16xi32>
        %parallel_loop3A_172 = arith.cmpi slt, %parallel_loop3A_169, %parallel_loop3A_171 : vector<16xi32>
        %parallel_loop3A_173 = arith.constant 16 : i32
        %parallel_loop3A_174 = vector.broadcast %parallel_loop3A_173 : i32 to vector<16xi32>
        %parallel_loop3A_175 = arith.addi %parallel_loop3A_169, %parallel_loop3A_174 : vector<16xi32>
        %parallel_loop3A_176 = arith.select %parallel_loop3A_172, %parallel_loop3A_175, %parallel_loop3A_169 : vector<16xi1>, vector<16xi32>
        %parallel_loop3A_177 = vector.shape_cast %parallel_loop3A_176 : vector<16xi32> to vector<16x1xi32>
        %parallel_loop3A_178 = vector.shape_cast %parallel_loop3A_177 : vector<16x1xi32> to vector<16xi32>
        %parallel_loop3A_179 = tpu.dynamic_gather %parallel_loop3A_84[%parallel_loop3A_178] in [0] : vector<16xi32>, vector<16xi32> -> vector<16xi32>
        %parallel_loop3A_180 = arith.ori %parallel_loop3A_179, %select_n3A_19 : vector<16xi32>
        %parallel_loop3A_181 = arith.constant 0 : i32
        %parallel_loop3A_182 = vector.broadcast %parallel_loop3A_181 : i32 to vector<16xi32>
        %parallel_loop3A_183 = arith.cmpi slt, %parallel_loop3A_169, %parallel_loop3A_182 : vector<16xi32>
        %parallel_loop3A_184 = arith.constant 16 : i32
        %parallel_loop3A_185 = vector.broadcast %parallel_loop3A_184 : i32 to vector<16xi32>
        %parallel_loop3A_186 = arith.addi %parallel_loop3A_169, %parallel_loop3A_185 : vector<16xi32>
        %parallel_loop3A_187 = arith.select %parallel_loop3A_183, %parallel_loop3A_186, %parallel_loop3A_169 : vector<16xi1>, vector<16xi32>
        %parallel_loop3A_188 = vector.shape_cast %parallel_loop3A_187 : vector<16xi32> to vector<16x1xi32>
        %parallel_loop3A_189 = vector.shape_cast %parallel_loop3A_188 : vector<16x1xi32> to vector<16xi32>
        %parallel_loop3A_190 = tpu.dynamic_gather %parallel_loop3A_88[%parallel_loop3A_189] in [0] : vector<16xi32>, vector<16xi32> -> vector<16xi32>
        %parallel_loop3A_191 = arith.ori %parallel_loop3A_190, %select_n3A_19 : vector<16xi32>
        %parallel_loop3A_192 = tpu.vector_load_idx %arg5[%parallel_loop3A_180] : memref<40960xf32, #tpu.memory_space<vmem>>[vector<16xi32>], vector<16xf32>,
        tpu.vector_store_idx %arg6[%parallel_loop3A_191], %parallel_loop3A_192 {add = true} : memref<40960xf32, #tpu.memory_space<vmem>>[vector<16xi32>], vector<16xf32>,
      } {sc.loop_unroll_factor = 8 : i64, sc.parallel_access}
    }
    %scan3A_67 = arith.constant 10 : i32
    %mul3A_68 = arith.constant 40960 : i32
    %mul3A_69 = arith.muli %add3A, %mul3A_68 : i32
    "tpu.region"() ({
      %run_scoped3A = tpu.sem_alloc : memref<!tpu.dma_semaphore, #tpu.memory_space<semaphore_mem>>
      %dma_start3A = tpu.memref_slice %arg4[%mul3A_69] : memref<1310720xf32, #tpu.memory_space<hbm>> -> memref<40960xf32, #tpu.memory_space<hbm>>
      %dma_start3A_70 = tpu.memref_slice %arg4[%mul3A_69] : memref<1310720xf32, #tpu.memory_space<hbm>> -> memref<40960xf32, #tpu.memory_space<hbm>>
      tpu.enqueue_dma source(%arg6 : memref<40960xf32, #tpu.memory_space<vmem>>) target(%dma_start3A_70 : memref<40960xf32, #tpu.memory_space<hbm>>) target_semaphore(%run_scoped3A : memref<!tpu.dma_semaphore, #tpu.memory_space<semaphore_mem>>)
      %dma_wait3A = tpu.memref_slice %arg4[%mul3A_69] : memref<1310720xf32, #tpu.memory_space<hbm>> -> memref<40960xf32, #tpu.memory_space<hbm>>
      %dma_wait3A_71 = tpu.memref_slice %arg4[%mul3A_69] : memref<1310720xf32, #tpu.memory_space<hbm>> -> memref<40960xf32, #tpu.memory_space<hbm>>
      tpu.wait_dma2 semaphore(%run_scoped3A : memref<!tpu.dma_semaphore, #tpu.memory_space<semaphore_mem>>) src(%arg6 : memref<40960xf32, #tpu.memory_space<vmem>>) dst(%dma_wait3A_71 : memref<40960xf32, #tpu.memory_space<hbm>>)
      tpu.yield
    }) : () -> ()
    return
  }
}

#map = affine_map<(d0, d1) -> (0)>
module attributes {stable_mosaic.version = 14 : i64} {
  func.func @_sc_hist_body(%arg0: i32, %arg1: i32, %arg2: memref<320000xi32, #tpu.memory_space<hbm>>, %arg3: memref<327680xi32, #tpu.memory_space<hbm>>, %arg4: memref<10112xi32, #tpu.memory_space<vmem>>, %arg5: memref<10240xi32, #tpu.memory_space<vmem>>) attributes {dimension_semantics = [#tpu.dimension_semantics<core_parallel>, #tpu.dimension_semantics<subcore_parallel>], iteration_bounds = array<i64: 2, 16>, scalar_prefetch = 0 : i64, scratch_operands = 2 : i64, tpu.core_type = #tpu.core_type<sc_vector_subcore>, window_params = [{transform_indices = #map}, {transform_indices = #map}]} {
    %mul3A = arith.constant 2 : i32
    %mul3A_0 = arith.muli %arg1, %mul3A : i32
    %add3A = arith.addi %mul3A_0, %arg0 : i32
    %mul3A_1 = arith.constant 10000 : i32
    %mul3A_2 = arith.muli %add3A, %mul3A_1 : i32
    %parallel_loop3A = arith.constant 0 : i32
    %parallel_loop3A_3 = arith.constant 640 : i32
    %parallel_loop3A_4 = arith.constant 1 : i32
    scf.for %parallel_loop3A_11 = %parallel_loop3A to %parallel_loop3A_3 step %parallel_loop3A_4  : i32 {
      %parallel_loop3A_12 = arith.constant 0 : i32
      %parallel_loop3A_13 = vector.broadcast %parallel_loop3A_12 : i32 to vector<16xi32>
      %parallel_loop3A_14 = arith.constant 16 : i32
      %parallel_loop3A_15 = arith.muli %parallel_loop3A_11, %parallel_loop3A_14 : i32
      %parallel_loop3A_16 = arith.index_cast %parallel_loop3A_15 : i32 to index
      %parallel_loop3A_17 = tpu.vector_load %arg5[%parallel_loop3A_16] {strides = array<i32>} : memref<10240xi32, #tpu.memory_space<vmem>>, vector<16xi32>,
      tpu.vector_store %arg5[%parallel_loop3A_16], %parallel_loop3A_13 {strides = array<i32>} : memref<10240xi32, #tpu.memory_space<vmem>>, vector<16xi32>,
    } {sc.loop_unroll_factor = 1 : i64, sc.parallel_access}
    "tpu.region"() ({
      %run_scoped3A = tpu.sem_alloc : memref<!tpu.dma_semaphore, #tpu.memory_space<semaphore_mem>>
      %dma_start3A = arith.constant 0 : i32
      %dma_start3A_11 = tpu.memref_slice %arg4[%dma_start3A] : memref<10112xi32, #tpu.memory_space<vmem>> -> memref<10000xi32, #tpu.memory_space<vmem>>
      %dma_start3A_12 = tpu.memref_slice %arg2[%mul3A_2] : memref<320000xi32, #tpu.memory_space<hbm>> -> memref<10000xi32, #tpu.memory_space<hbm>>
      %dma_start3A_13 = arith.constant 0 : i32
      %dma_start3A_14 = tpu.memref_slice %arg4[%dma_start3A_13] : memref<10112xi32, #tpu.memory_space<vmem>> -> memref<10000xi32, #tpu.memory_space<vmem>>
      %dma_start3A_15 = tpu.memref_slice %arg2[%mul3A_2] : memref<320000xi32, #tpu.memory_space<hbm>> -> memref<10000xi32, #tpu.memory_space<hbm>>
      tpu.enqueue_dma source(%dma_start3A_15 : memref<10000xi32, #tpu.memory_space<hbm>>) target(%dma_start3A_14 : memref<10000xi32, #tpu.memory_space<vmem>>) target_semaphore(%run_scoped3A : memref<!tpu.dma_semaphore, #tpu.memory_space<semaphore_mem>>)
      %dma_wait3A = arith.constant 0 : i32
      %dma_wait3A_16 = tpu.memref_slice %arg4[%dma_wait3A] : memref<10112xi32, #tpu.memory_space<vmem>> -> memref<10000xi32, #tpu.memory_space<vmem>>
      %dma_wait3A_17 = tpu.memref_slice %arg2[%mul3A_2] : memref<320000xi32, #tpu.memory_space<hbm>> -> memref<10000xi32, #tpu.memory_space<hbm>>
      %dma_wait3A_18 = arith.constant 0 : i32
      %dma_wait3A_19 = tpu.memref_slice %arg4[%dma_wait3A_18] : memref<10112xi32, #tpu.memory_space<vmem>> -> memref<10000xi32, #tpu.memory_space<vmem>>
      %dma_wait3A_20 = tpu.memref_slice %arg2[%mul3A_2] : memref<320000xi32, #tpu.memory_space<hbm>> -> memref<10000xi32, #tpu.memory_space<hbm>>
      tpu.wait_dma2 semaphore(%run_scoped3A : memref<!tpu.dma_semaphore, #tpu.memory_space<semaphore_mem>>) src(%dma_wait3A_20 : memref<10000xi32, #tpu.memory_space<hbm>>) dst(%dma_wait3A_19 : memref<10000xi32, #tpu.memory_space<vmem>>)
      tpu.yield
    }) : () -> ()
    %broadcast_in_dim3A = arith.constant 1 : i32
    %broadcast_in_dim3A_5 = vector.broadcast %broadcast_in_dim3A : i32 to vector<16xi32>
    %iota3A = tpu.iota {dimensions = array<i32: 0>} : vector<16xi32>
    %parallel_loop3A_6 = arith.constant 0 : i32
    %parallel_loop3A_7 = arith.constant 625 : i32
    %parallel_loop3A_8 = arith.constant 1 : i32
    scf.for %parallel_loop3A_11 = %parallel_loop3A_6 to %parallel_loop3A_7 step %parallel_loop3A_8  : i32 {
      %parallel_loop3A_12 = arith.constant 16 : i32
      %parallel_loop3A_13 = arith.muli %parallel_loop3A_11, %parallel_loop3A_12 : i32
      %parallel_loop3A_14 = vector.broadcast %parallel_loop3A_13 : i32 to vector<16xi32>
      %parallel_loop3A_15 = arith.addi %parallel_loop3A_14, %iota3A : vector<16xi32>
      %parallel_loop3A_16 = tpu.vector_load_idx %arg4[%parallel_loop3A_15] : memref<10112xi32, #tpu.memory_space<vmem>>[vector<16xi32>], vector<16xi32>,
      tpu.vector_store_idx %arg5[%parallel_loop3A_16], %broadcast_in_dim3A_5 {add = true} : memref<10240xi32, #tpu.memory_space<vmem>>[vector<16xi32>], vector<16xi32>,
    } {sc.loop_unroll_factor = 2 : i64, sc.parallel_access}
    %mul3A_9 = arith.constant 10240 : i32
    %mul3A_10 = arith.muli %add3A, %mul3A_9 : i32
    "tpu.region"() ({
      %run_scoped3A = tpu.sem_alloc : memref<!tpu.dma_semaphore, #tpu.memory_space<semaphore_mem>>
      %dma_start3A = tpu.memref_slice %arg3[%mul3A_10] : memref<327680xi32, #tpu.memory_space<hbm>> -> memref<10240xi32, #tpu.memory_space<hbm>>
      %dma_start3A_11 = tpu.memref_slice %arg3[%mul3A_10] : memref<327680xi32, #tpu.memory_space<hbm>> -> memref<10240xi32, #tpu.memory_space<hbm>>
      tpu.enqueue_dma source(%arg5 : memref<10240xi32, #tpu.memory_space<vmem>>) target(%dma_start3A_11 : memref<10240xi32, #tpu.memory_space<hbm>>) target_semaphore(%run_scoped3A : memref<!tpu.dma_semaphore, #tpu.memory_space<semaphore_mem>>)
      %dma_wait3A = tpu.memref_slice %arg3[%mul3A_10] : memref<327680xi32, #tpu.memory_space<hbm>> -> memref<10240xi32, #tpu.memory_space<hbm>>
      %dma_wait3A_12 = tpu.memref_slice %arg3[%mul3A_10] : memref<327680xi32, #tpu.memory_space<hbm>> -> memref<10240xi32, #tpu.memory_space<hbm>>
      tpu.wait_dma2 semaphore(%run_scoped3A : memref<!tpu.dma_semaphore, #tpu.memory_space<semaphore_mem>>) src(%arg5 : memref<10240xi32, #tpu.memory_space<vmem>>) dst(%dma_wait3A_12 : memref<10240xi32, #tpu.memory_space<hbm>>)
      tpu.yield
    }) : () -> ()
    return
  }
}

module attributes {stable_mosaic.version = 14 : i64} {
  func.func @_tc_a_body(%arg0: i32, %arg1: memref<512x128xf32, #tpu.memory_space<vmem>>, %arg2: memref<32x512xi32, #tpu.memory_space<vmem>>, %arg3: memref<128x128xf32, #tpu.memory_space<vmem>>, %arg4: memref<128xf32, #tpu.memory_space<vmem>>, %arg5: memref<128x128xf32, #tpu.memory_space<vmem>>, %arg6: memref<512x128xf32, #tpu.memory_space<vmem>>, %arg7: memref<512xf32, #tpu.memory_space<vmem>>) attributes {dimension_semantics = [#tpu.dimension_semantics<arbitrary>], iteration_bounds = array<i64: 20>, scalar_prefetch = 0 : i64, scratch_operands = 0 : i64, tpu.core_type = #tpu.core_type<tc>, window_params = [{transform_indices = @transform_0, window_bounds = array<i64: 512, 128>}, {transform_indices = @transform_1, window_bounds = array<i64: 32, 512>}, {pipeline_mode = #tpu.pipeline_mode<synchronous>, transform_indices = @transform_2, window_bounds = array<i64: 128, 128>}, {pipeline_mode = #tpu.pipeline_mode<synchronous>, transform_indices = @transform_3, window_bounds = array<i64: 128>}, {pipeline_mode = #tpu.pipeline_mode<synchronous>, transform_indices = @transform_4, window_bounds = array<i64: 128, 128>}, {transform_indices = @transform_5, window_bounds = array<i64: 512, 128>}, {transform_indices = @transform_6, window_bounds = array<i64: 512>}]} {
    %get3A = arith.constant 0 : index
    %get3A_0 = arith.constant 0 : index
    %get3A_1 = vector.load %arg2[%get3A, %get3A_0] : memref<32x512xi32, #tpu.memory_space<vmem>>, vector<32x512xi32>
    %reduce_sum3A = arith.constant dense<0> : vector<512xi32>
    %reduce_sum3A_2 = vector.multi_reduction <add>, %get3A_1, %reduce_sum3A [0] : vector<32x512xi32> to vector<512xi32>
    %convert_element_type3A = arith.sitofp %reduce_sum3A_2 : vector<512xi32> to vector<512xf32>
    %add3A = arith.constant 1.000000e+00 : f32
    %add3A_3 = vector.broadcast %add3A : f32 to vector<512xf32>
    %add3A_4 = arith.addf %add3A_3, %convert_element_type3A : vector<512xf32>
    %rsqrt3A = math.rsqrt %add3A_4 : vector<512xf32>
    %get3A_5 = arith.constant 0 : index
    %get3A_6 = arith.constant 0 : index
    %get3A_7 = vector.load %arg1[%get3A_5, %get3A_6] : memref<512x128xf32, #tpu.memory_space<vmem>>, vector<512x128xf32>
    %get3A_8 = arith.constant 0 : index
    %get3A_9 = arith.constant 0 : index
    %get3A_10 = vector.load %arg3[%get3A_8, %get3A_9] : memref<128x128xf32, #tpu.memory_space<vmem>>, vector<128x128xf32>
    %dot_general3A = arith.constant dense<0.000000e+00> : vector<512x128xf32>
    %dot_general3A_11 = tpu.matmul %get3A_7, %get3A_10, %dot_general3A {dimension_numbers = #tpu.dot_dimension_numbers<[1], [0], [0], [1], [0, 0, 1, 1], [], []>, transpose_lhs_hint = false} : vector<512x128xf32>, vector<128x128xf32>, vector<512x128xf32> -> vector<512x128xf32>
    %get3A_12 = arith.constant 0 : index
    %get3A_13 = vector.load %arg4[%get3A_12] : memref<128xf32, #tpu.memory_space<vmem>>, vector<128xf32>
    %reshape3A = vector.shape_cast %get3A_13 : vector<128xf32> to vector<1x128xf32>
    %add3A_14 = vector.broadcast %reshape3A : vector<1x128xf32> to vector<512x128xf32>
    %add3A_15 = arith.addf %dot_general3A_11, %add3A_14 : vector<512x128xf32>
    %get3A_16 = arith.constant 0 : index
    %get3A_17 = arith.constant 0 : index
    %get3A_18 = vector.load %arg5[%get3A_16, %get3A_17] : memref<128x128xf32, #tpu.memory_space<vmem>>, vector<128x128xf32>
    %dot_general3A_19 = arith.constant dense<0.000000e+00> : vector<512x128xf32>
    %dot_general3A_20 = tpu.matmul %add3A_15, %get3A_18, %dot_general3A_19 {dimension_numbers = #tpu.dot_dimension_numbers<[1], [0], [0], [1], [0, 0, 1, 1], [], []>, transpose_lhs_hint = false} : vector<512x128xf32>, vector<128x128xf32>, vector<512x128xf32> -> vector<512x128xf32>
    %broadcast_in_dim3A = vector.shape_cast %rsqrt3A : vector<512xf32> to vector<512x1xf32>
    %mul3A = vector.broadcast %broadcast_in_dim3A : vector<512x1xf32> to vector<512x128xf32>
    %mul3A_21 = arith.mulf %dot_general3A_20, %mul3A : vector<512x128xf32>
    %swap3A = arith.constant 0 : index
    %swap3A_22 = arith.constant 0 : index
    %swap3A_23 = vector.load %arg6[%swap3A, %swap3A_22] : memref<512x128xf32, #tpu.memory_space<vmem>>, vector<512x128xf32>
    tpu.vector_store %arg6[%swap3A, %swap3A_22], %mul3A_21 {strides = array<i32>} : memref<512x128xf32, #tpu.memory_space<vmem>>, vector<512x128xf32>,
    %swap3A_24 = arith.constant 0 : index
    %swap3A_25 = vector.load %arg7[%swap3A_24] : memref<512xf32, #tpu.memory_space<vmem>>, vector<512xf32>
    tpu.vector_store %arg7[%swap3A_24], %rsqrt3A {strides = array<i32>} : memref<512xf32, #tpu.memory_space<vmem>>, vector<512xf32>,
    return
  }
  func.func @transform_0(%arg0: i32) -> (i32, i32) {
    %c0_i32 = arith.constant 0 : i32
    %c0_i32_0 = arith.constant 0 : i32
    return %arg0, %c0_i32 : i32, i32
  }
  func.func @transform_1(%arg0: i32) -> (i32, i32) {
    %c0_i32 = arith.constant 0 : i32
    %c0_i32_0 = arith.constant 0 : i32
    return %c0_i32, %arg0 : i32, i32
  }
  func.func @transform_2(%arg0: i32) -> (i32, i32) {
    %c0_i32 = arith.constant 0 : i32
    %c0_i32_0 = arith.constant 0 : i32
    %c0_i32_1 = arith.constant 0 : i32
    return %c0_i32, %c0_i32_0 : i32, i32
  }
  func.func @transform_3(%arg0: i32) -> i32 {
    %c0_i32 = arith.constant 0 : i32
    %c0_i32_0 = arith.constant 0 : i32
    return %c0_i32 : i32
  }
  func.func @transform_4(%arg0: i32) -> (i32, i32) {
    %c0_i32 = arith.constant 0 : i32
    %c0_i32_0 = arith.constant 0 : i32
    %c0_i32_1 = arith.constant 0 : i32
    return %c0_i32, %c0_i32_0 : i32, i32
  }
  func.func @transform_5(%arg0: i32) -> (i32, i32) {
    %c0_i32 = arith.constant 0 : i32
    %c0_i32_0 = arith.constant 0 : i32
    return %arg0, %c0_i32 : i32, i32
  }
  func.func @transform_6(%arg0: i32) -> i32 {
    %c0_i32 = arith.constant 0 : i32
    return %arg0 : i32
  }
}

module attributes {stable_mosaic.version = 14 : i64} {
  func.func @_tc_b_body(%arg0: i32, %arg1: memref<512x128xf32, #tpu.memory_space<vmem>>, %arg2: memref<512x128xf32, #tpu.memory_space<vmem>>, %arg3: memref<512xf32, #tpu.memory_space<vmem>>, %arg4: memref<128xf32, #tpu.memory_space<vmem>>, %arg5: memref<128x128xf32, #tpu.memory_space<vmem>>, %arg6: memref<512x128xf32, #tpu.memory_space<vmem>>) attributes {dimension_semantics = [#tpu.dimension_semantics<arbitrary>], iteration_bounds = array<i64: 20>, scalar_prefetch = 0 : i64, scratch_operands = 0 : i64, tpu.core_type = #tpu.core_type<tc>, window_params = [{transform_indices = @transform_0, window_bounds = array<i64: 512, 128>}, {transform_indices = @transform_1, window_bounds = array<i64: 512, 128>}, {transform_indices = @transform_2, window_bounds = array<i64: 512>}, {pipeline_mode = #tpu.pipeline_mode<synchronous>, transform_indices = @transform_3, window_bounds = array<i64: 128>}, {pipeline_mode = #tpu.pipeline_mode<synchronous>, transform_indices = @transform_4, window_bounds = array<i64: 128, 128>}, {transform_indices = @transform_5, window_bounds = array<i64: 512, 128>}]} {
    %get3A = arith.constant 0 : index
    %get3A_0 = vector.load %arg3[%get3A] : memref<512xf32, #tpu.memory_space<vmem>>, vector<512xf32>
    %broadcast_in_dim3A = vector.shape_cast %get3A_0 : vector<512xf32> to vector<512x1xf32>
    %get3A_1 = arith.constant 0 : index
    %get3A_2 = arith.constant 0 : index
    %get3A_3 = vector.load %arg1[%get3A_1, %get3A_2] : memref<512x128xf32, #tpu.memory_space<vmem>>, vector<512x128xf32>
    %get3A_4 = arith.constant 0 : index
    %get3A_5 = arith.constant 0 : index
    %get3A_6 = vector.load %arg2[%get3A_4, %get3A_5] : memref<512x128xf32, #tpu.memory_space<vmem>>, vector<512x128xf32>
    %add3A = arith.addf %get3A_3, %get3A_6 : vector<512x128xf32>
    %mul3A = vector.broadcast %broadcast_in_dim3A : vector<512x1xf32> to vector<512x128xf32>
    %mul3A_7 = arith.mulf %mul3A, %add3A : vector<512x128xf32>
    %get3A_8 = arith.constant 0 : index
    %get3A_9 = vector.load %arg4[%get3A_8] : memref<128xf32, #tpu.memory_space<vmem>>, vector<128xf32>
    %reshape3A = vector.shape_cast %get3A_9 : vector<128xf32> to vector<1x128xf32>
    %add3A_10 = vector.broadcast %reshape3A : vector<1x128xf32> to vector<512x128xf32>
    %add3A_11 = arith.addf %mul3A_7, %add3A_10 : vector<512x128xf32>
    %max3A = arith.constant 0.000000e+00 : f32
    %max3A_12 = vector.broadcast %max3A : f32 to vector<512x128xf32>
    %max3A_13 = arith.maximumf %add3A_11, %max3A_12 : vector<512x128xf32>
    %get3A_14 = arith.constant 0 : index
    %get3A_15 = arith.constant 0 : index
    %get3A_16 = vector.load %arg5[%get3A_14, %get3A_15] : memref<128x128xf32, #tpu.memory_space<vmem>>, vector<128x128xf32>
    %dot_general3A = arith.constant dense<0.000000e+00> : vector<512x128xf32>
    %dot_general3A_17 = tpu.matmul %max3A_13, %get3A_16, %dot_general3A {dimension_numbers = #tpu.dot_dimension_numbers<[1], [0], [0], [1], [0, 0, 1, 1], [], []>, transpose_lhs_hint = false} : vector<512x128xf32>, vector<128x128xf32>, vector<512x128xf32> -> vector<512x128xf32>
    %broadcast_in_dim3A_18 = vector.shape_cast %get3A_0 : vector<512xf32> to vector<512x1xf32>
    %mul3A_19 = vector.broadcast %broadcast_in_dim3A_18 : vector<512x1xf32> to vector<512x128xf32>
    %mul3A_20 = arith.mulf %dot_general3A_17, %mul3A_19 : vector<512x128xf32>
    %swap3A = arith.constant 0 : index
    %swap3A_21 = arith.constant 0 : index
    %swap3A_22 = vector.load %arg6[%swap3A, %swap3A_21] : memref<512x128xf32, #tpu.memory_space<vmem>>, vector<512x128xf32>
    tpu.vector_store %arg6[%swap3A, %swap3A_21], %mul3A_20 {strides = array<i32>} : memref<512x128xf32, #tpu.memory_space<vmem>>, vector<512x128xf32>,
    return
  }
  func.func @transform_0(%arg0: i32) -> (i32, i32) {
    %c0_i32 = arith.constant 0 : i32
    %c0_i32_0 = arith.constant 0 : i32
    return %arg0, %c0_i32 : i32, i32
  }
  func.func @transform_1(%arg0: i32) -> (i32, i32) {
    %c0_i32 = arith.constant 0 : i32
    %c0_i32_0 = arith.constant 0 : i32
    return %arg0, %c0_i32 : i32, i32
  }
  func.func @transform_2(%arg0: i32) -> i32 {
    %c0_i32 = arith.constant 0 : i32
    return %arg0 : i32
  }
  func.func @transform_3(%arg0: i32) -> i32 {
    %c0_i32 = arith.constant 0 : i32
    %c0_i32_0 = arith.constant 0 : i32
    return %c0_i32 : i32
  }
  func.func @transform_4(%arg0: i32) -> (i32, i32) {
    %c0_i32 = arith.constant 0 : i32
    %c0_i32_0 = arith.constant 0 : i32
    %c0_i32_1 = arith.constant 0 : i32
    return %c0_i32, %c0_i32_0 : i32, i32
  }
  func.func @transform_5(%arg0: i32) -> (i32, i32) {
    %c0_i32 = arith.constant 0 : i32
    %c0_i32_0 = arith.constant 0 : i32
    return %arg0, %c0_i32 : i32, i32
  }
}

module attributes {stable_mosaic.version = 14 : i64} {
  func.func @_tc_c_body(%arg0: memref<10240x128xf32, #tpu.memory_space<vmem>>, %arg1: memref<10240x128xf32, #tpu.memory_space<vmem>>, %arg2: memref<10240xf32, #tpu.memory_space<vmem>>, %arg3: memref<128xf32, #tpu.memory_space<vmem>>, %arg4: memref<10240xi32, #tpu.memory_space<vmem>>, %arg5: memref<128x1xf32, #tpu.memory_space<vmem>>, %arg6: memref<1xf32, #tpu.memory_space<vmem>>, %arg7: memref<128x1xf32, #tpu.memory_space<vmem>>, %arg8: memref<1xf32, #tpu.memory_space<vmem>>, %arg9: memref<128x64xf32, #tpu.memory_space<vmem>>, %arg10: memref<64xf32, #tpu.memory_space<vmem>>, %arg11: memref<64x1xf32, #tpu.memory_space<vmem>>, %arg12: memref<1xf32, #tpu.memory_space<vmem>>, %arg13: memref<64x1xf32, #tpu.memory_space<vmem>>) attributes {dimension_semantics = [], scalar_prefetch = 0 : i64, scratch_operands = 0 : i64, tpu.core_type = #tpu.core_type<tc>} {
    %get3A = arith.constant 0 : index
    %get3A_0 = vector.load %arg2[%get3A] : memref<10240xf32, #tpu.memory_space<vmem>>, vector<10240xf32>
    %broadcast_in_dim3A = vector.shape_cast %get3A_0 : vector<10240xf32> to vector<10240x1xf32>
    %get3A_1 = arith.constant 0 : index
    %get3A_2 = arith.constant 0 : index
    %get3A_3 = vector.load %arg0[%get3A_1, %get3A_2] : memref<10240x128xf32, #tpu.memory_space<vmem>>, vector<10240x128xf32>
    %get3A_4 = arith.constant 0 : index
    %get3A_5 = arith.constant 0 : index
    %get3A_6 = vector.load %arg1[%get3A_4, %get3A_5] : memref<10240x128xf32, #tpu.memory_space<vmem>>, vector<10240x128xf32>
    %add3A = arith.addf %get3A_3, %get3A_6 : vector<10240x128xf32>
    %mul3A = vector.broadcast %broadcast_in_dim3A : vector<10240x1xf32> to vector<10240x128xf32>
    %mul3A_7 = arith.mulf %mul3A, %add3A : vector<10240x128xf32>
    %get3A_8 = arith.constant 0 : index
    %get3A_9 = vector.load %arg3[%get3A_8] : memref<128xf32, #tpu.memory_space<vmem>>, vector<128xf32>
    %reshape3A = vector.shape_cast %get3A_9 : vector<128xf32> to vector<1x128xf32>
    %add3A_10 = vector.broadcast %reshape3A : vector<1x128xf32> to vector<10240x128xf32>
    %add3A_11 = arith.addf %mul3A_7, %add3A_10 : vector<10240x128xf32>
    %max3A = arith.constant 0.000000e+00 : f32
    %max3A_12 = vector.broadcast %max3A : f32 to vector<10240x128xf32>
    %max3A_13 = arith.maximumf %add3A_11, %max3A_12 : vector<10240x128xf32>
    %iota3A = tpu.iota {dimensions = array<i32: 0>} : vector<10240x1xi32>
    %lt3A = arith.constant 10000 : i32
    %lt3A_14 = vector.broadcast %lt3A : i32 to vector<10240x1xi32>
    %lt3A_15 = arith.cmpi slt, %iota3A, %lt3A_14 : vector<10240x1xi32>
    %get3A_16 = arith.constant 0 : index
    %get3A_17 = vector.load %arg4[%get3A_16] : memref<10240xi32, #tpu.memory_space<vmem>>, vector<10240xi32>
    %reshape3A_18 = vector.shape_cast %get3A_17 : vector<10240xi32> to vector<10240x1xi32>
    %iota3A_19 = tpu.iota {dimensions = array<i32: 1>} : vector<10240x64xi32>
    %eq3A = vector.broadcast %reshape3A_18 : vector<10240x1xi32> to vector<10240x64xi32>
    %eq3A_20 = arith.cmpi eq, %eq3A, %iota3A_19 : vector<10240x64xi32>
    %convert_element_type3A = arith.extui %eq3A_20 : vector<10240x64xi1> to vector<10240x64xi32>
    %convert_element_type3A_21 = arith.sitofp %convert_element_type3A : vector<10240x64xi32> to vector<10240x64xf32>
    %get3A_22 = arith.constant 0 : index
    %get3A_23 = arith.constant 0 : index
    %get3A_24 = vector.load %arg5[%get3A_22, %get3A_23] : memref<128x1xf32, #tpu.memory_space<vmem>>, vector<128x1xf32>
    %dot_general3A = arith.constant dense<0.000000e+00> : vector<10240x1xf32>
    %dot_general3A_25 = tpu.matmul %max3A_13, %get3A_24, %dot_general3A {dimension_numbers = #tpu.dot_dimension_numbers<[1], [0], [0], [1], [0, 0, 1, 1], [], []>, transpose_lhs_hint = false} : vector<10240x128xf32>, vector<128x1xf32>, vector<10240x1xf32> -> vector<10240x1xf32>
    %get3A_26 = arith.constant 0 : index
    %get3A_27 = vector.load %arg6[%get3A_26] : memref<1xf32, #tpu.memory_space<vmem>>, vector<1xf32>
    %reshape3A_28 = vector.shape_cast %get3A_27 : vector<1xf32> to vector<1x1xf32>
    %add3A_29 = vector.broadcast %reshape3A_28 : vector<1x1xf32> to vector<10240x1xf32>
    %add3A_30 = arith.addf %dot_general3A_25, %add3A_29 : vector<10240x1xf32>
    %jit3A = arith.constant -1.000000e+30 : f32
    %broadcast_in_dim3A_31 = vector.broadcast %jit3A : f32 to vector<10240x1xf32>
    %select_n3A = arith.select %lt3A_15, %add3A_30, %broadcast_in_dim3A_31 : vector<10240x1xi1>, vector<10240x1xf32>
    %reduce_max3A = arith.constant dense<0xFF800000> : vector<1xf32>
    %reduce_max3A_32 = vector.multi_reduction <maximumf>, %select_n3A, %reduce_max3A [0] : vector<10240x1xf32> to vector<1xf32>
    %broadcast_in_dim3A_33 = vector.shape_cast %reduce_max3A_32 : vector<1xf32> to vector<1x1xf32>
    %sub3A = vector.broadcast %broadcast_in_dim3A_33 : vector<1x1xf32> to vector<10240x1xf32>
    %sub3A_34 = arith.subf %select_n3A, %sub3A : vector<10240x1xf32>
    %exp3A = math.exp %sub3A_34 : vector<10240x1xf32>
    %jit3A_35 = arith.constant 0.000000e+00 : f32
    %broadcast_in_dim3A_36 = vector.broadcast %jit3A_35 : f32 to vector<10240x1xf32>
    %select_n3A_37 = arith.select %lt3A_15, %exp3A, %broadcast_in_dim3A_36 : vector<10240x1xi1>, vector<10240x1xf32>
    %reduce_sum3A = arith.constant dense<0.000000e+00> : vector<1xf32>
    %reduce_sum3A_38 = vector.multi_reduction <add>, %select_n3A_37, %reduce_sum3A [0] : vector<10240x1xf32> to vector<1xf32>
    %broadcast_in_dim3A_39 = vector.shape_cast %reduce_sum3A_38 : vector<1xf32> to vector<1x1xf32>
    %div3A = vector.broadcast %broadcast_in_dim3A_39 : vector<1x1xf32> to vector<10240x1xf32>
    %div3A_40 = arith.divf %select_n3A_37, %div3A : vector<10240x1xf32>
    %mul3A_41 = vector.broadcast %div3A_40 : vector<10240x1xf32> to vector<10240x128xf32>
    %mul3A_42 = arith.mulf %max3A_13, %mul3A_41 : vector<10240x128xf32>
    %dot_general3A_43 = arith.constant dense<0.000000e+00> : vector<64x128xf32>
    %dot_general3A_44 = tpu.matmul %convert_element_type3A_21, %mul3A_42, %dot_general3A_43 {dimension_numbers = #tpu.dot_dimension_numbers<[0], [0], [1], [1], [0, 1, 1, 1], [], []>, transpose_lhs_hint = false} : vector<10240x64xf32>, vector<10240x128xf32>, vector<64x128xf32> -> vector<64x128xf32>
    %dot_general3A_45 = arith.constant dense<0.000000e+00> : vector<10240x128xf32>
    %dot_general3A_46 = tpu.matmul %convert_element_type3A_21, %dot_general3A_44, %dot_general3A_45 {dimension_numbers = #tpu.dot_dimension_numbers<[1], [0], [0], [1], [0, 0, 1, 1], [], []>, transpose_lhs_hint = false} : vector<10240x64xf32>, vector<64x128xf32>, vector<10240x128xf32> -> vector<10240x128xf32>
    %add3A_47 = arith.addf %max3A_13, %dot_general3A_46 : vector<10240x128xf32>
    %mul3A_48 = arith.constant 2.000000e+00 : f32
    %mul3A_49 = vector.broadcast %mul3A_48 : f32 to vector<10240x128xf32>
    %mul3A_50 = arith.mulf %mul3A_49, %dot_general3A_46 : vector<10240x128xf32>
    %add3A_51 = arith.addf %max3A_13, %mul3A_50 : vector<10240x128xf32>
    %get3A_52 = arith.constant 0 : index
    %get3A_53 = arith.constant 0 : index
    %get3A_54 = vector.load %arg7[%get3A_52, %get3A_53] : memref<128x1xf32, #tpu.memory_space<vmem>>, vector<128x1xf32>
    %dot_general3A_55 = arith.constant dense<0.000000e+00> : vector<10240x1xf32>
    %dot_general3A_56 = tpu.matmul %add3A_51, %get3A_54, %dot_general3A_55 {dimension_numbers = #tpu.dot_dimension_numbers<[1], [0], [0], [1], [0, 0, 1, 1], [], []>, transpose_lhs_hint = false} : vector<10240x128xf32>, vector<128x1xf32>, vector<10240x1xf32> -> vector<10240x1xf32>
    %get3A_57 = arith.constant 0 : index
    %get3A_58 = vector.load %arg8[%get3A_57] : memref<1xf32, #tpu.memory_space<vmem>>, vector<1xf32>
    %reshape3A_59 = vector.shape_cast %get3A_58 : vector<1xf32> to vector<1x1xf32>
    %add3A_60 = vector.broadcast %reshape3A_59 : vector<1x1xf32> to vector<10240x1xf32>
    %add3A_61 = arith.addf %dot_general3A_56, %add3A_60 : vector<10240x1xf32>
    %jit3A_62 = arith.constant -1.000000e+30 : f32
    %broadcast_in_dim3A_63 = vector.broadcast %jit3A_62 : f32 to vector<10240x1xf32>
    %select_n3A_64 = arith.select %lt3A_15, %add3A_61, %broadcast_in_dim3A_63 : vector<10240x1xi1>, vector<10240x1xf32>
    %reduce_max3A_65 = arith.constant dense<0xFF800000> : vector<1xf32>
    %reduce_max3A_66 = vector.multi_reduction <maximumf>, %select_n3A_64, %reduce_max3A_65 [0] : vector<10240x1xf32> to vector<1xf32>
    %broadcast_in_dim3A_67 = vector.shape_cast %reduce_max3A_66 : vector<1xf32> to vector<1x1xf32>
    %sub3A_68 = vector.broadcast %broadcast_in_dim3A_67 : vector<1x1xf32> to vector<10240x1xf32>
    %sub3A_69 = arith.subf %select_n3A_64, %sub3A_68 : vector<10240x1xf32>
    %exp3A_70 = math.exp %sub3A_69 : vector<10240x1xf32>
    %jit3A_71 = arith.constant 0.000000e+00 : f32
    %broadcast_in_dim3A_72 = vector.broadcast %jit3A_71 : f32 to vector<10240x1xf32>
    %select_n3A_73 = arith.select %lt3A_15, %exp3A_70, %broadcast_in_dim3A_72 : vector<10240x1xi1>, vector<10240x1xf32>
    %reduce_sum3A_74 = arith.constant dense<0.000000e+00> : vector<1xf32>
    %reduce_sum3A_75 = vector.multi_reduction <add>, %select_n3A_73, %reduce_sum3A_74 [0] : vector<10240x1xf32> to vector<1xf32>
    %broadcast_in_dim3A_76 = vector.shape_cast %reduce_sum3A_75 : vector<1xf32> to vector<1x1xf32>
    %div3A_77 = vector.broadcast %broadcast_in_dim3A_76 : vector<1x1xf32> to vector<10240x1xf32>
    %div3A_78 = arith.divf %select_n3A_73, %div3A_77 : vector<10240x1xf32>
    %mul3A_79 = vector.broadcast %div3A_78 : vector<10240x1xf32> to vector<10240x128xf32>
    %mul3A_80 = arith.mulf %add3A_47, %mul3A_79 : vector<10240x128xf32>
    %dot_general3A_81 = arith.constant dense<0.000000e+00> : vector<64x128xf32>
    %dot_general3A_82 = tpu.matmul %convert_element_type3A_21, %mul3A_80, %dot_general3A_81 {dimension_numbers = #tpu.dot_dimension_numbers<[0], [0], [1], [1], [0, 1, 1, 1], [], []>, transpose_lhs_hint = false} : vector<10240x64xf32>, vector<10240x128xf32>, vector<64x128xf32> -> vector<64x128xf32>
    %get3A_83 = arith.constant 0 : index
    %get3A_84 = arith.constant 0 : index
    %get3A_85 = vector.load %arg9[%get3A_83, %get3A_84] : memref<128x64xf32, #tpu.memory_space<vmem>>, vector<128x64xf32>
    %dot_general3A_86 = arith.constant dense<0.000000e+00> : vector<64x64xf32>
    %dot_general3A_87 = tpu.matmul %dot_general3A_82, %get3A_85, %dot_general3A_86 {dimension_numbers = #tpu.dot_dimension_numbers<[1], [0], [0], [1], [0, 0, 1, 1], [], []>, transpose_lhs_hint = false} : vector<64x128xf32>, vector<128x64xf32>, vector<64x64xf32> -> vector<64x64xf32>
    %get3A_88 = arith.constant 0 : index
    %get3A_89 = vector.load %arg10[%get3A_88] : memref<64xf32, #tpu.memory_space<vmem>>, vector<64xf32>
    %reshape3A_90 = vector.shape_cast %get3A_89 : vector<64xf32> to vector<1x64xf32>
    %add3A_91 = vector.broadcast %reshape3A_90 : vector<1x64xf32> to vector<64x64xf32>
    %add3A_92 = arith.addf %dot_general3A_87, %add3A_91 : vector<64x64xf32>
    %max3A_93 = arith.constant 0.000000e+00 : f32
    %max3A_94 = vector.broadcast %max3A_93 : f32 to vector<64x64xf32>
    %max3A_95 = arith.maximumf %add3A_92, %max3A_94 : vector<64x64xf32>
    %get3A_96 = arith.constant 0 : index
    %get3A_97 = arith.constant 0 : index
    %get3A_98 = vector.load %arg11[%get3A_96, %get3A_97] : memref<64x1xf32, #tpu.memory_space<vmem>>, vector<64x1xf32>
    %dot_general3A_99 = arith.constant dense<0.000000e+00> : vector<64x1xf32>
    %dot_general3A_100 = tpu.matmul %max3A_95, %get3A_98, %dot_general3A_99 {dimension_numbers = #tpu.dot_dimension_numbers<[1], [0], [0], [1], [0, 0, 1, 1], [], []>, transpose_lhs_hint = false} : vector<64x64xf32>, vector<64x1xf32>, vector<64x1xf32> -> vector<64x1xf32>
    %get3A_101 = arith.constant 0 : index
    %get3A_102 = vector.load %arg12[%get3A_101] : memref<1xf32, #tpu.memory_space<vmem>>, vector<1xf32>
    %reshape3A_103 = vector.shape_cast %get3A_102 : vector<1xf32> to vector<1x1xf32>
    %add3A_104 = vector.broadcast %reshape3A_103 : vector<1x1xf32> to vector<64x1xf32>
    %add3A_105 = arith.addf %dot_general3A_100, %add3A_104 : vector<64x1xf32>
    %swap3A = arith.constant 0 : index
    %swap3A_106 = arith.constant 0 : index
    %swap3A_107 = vector.load %arg13[%swap3A, %swap3A_106] : memref<64x1xf32, #tpu.memory_space<vmem>>, vector<64x1xf32>
    tpu.vector_store %arg13[%swap3A, %swap3A_106], %add3A_105 {strides = array<i32>} : memref<64x1xf32, #tpu.memory_space<vmem>>, vector<64x1xf32>,
    return
  }
}

</mosaic_0001>

<sc_bundles>
// kernel: kernel.10.cloned.1.call-start
scs
__scs_entry_jumppad:
0x0: {  	(pc) =	sbr.rel $0x88, $3  }
0x1: {  	(tag) =	ssettag $0x0;
	lr =	simm.s32 $0x1  }
0x2: {  	[smem:$0x3F8E] =	sst lr;
	_ =	strace $0xD0000000  }
0x3: {  	_ = 	snop  }
0x4: {  	_ = 	snop  }
0x5: {  	_ = 	snop  }
0x6: {  	_ = 	snop  }
0x7: {  	_ = 	snop  }
__scs_overlays_trampoline_lowered:
0x8: {  	[smem:$0x3F9D] =	sst s0  }
0x9: {  	[smem:$0x3F9E] =	sst s1  }
0xa: {  	[smem:$0x3F9F] =	sst s2  }
0xb: {  	[smem:$0x3FA0] =	sst s3  }
0xc: {  	[smem:$0x3FA1] =	sst s4  }
0xd: {  	[smem:$0x3FA2] =	sst s5  }
0xe: {  	[smem:$0x3FA3] =	sst s6  }
0xf: {  	[smem:$0x3FA4] =	sst s7  }
0x10: {  	[smem:$0x3FA5] =	sst s8  }
0x11: {  	[smem:$0x3FA6] =	sst s9;
	s0 =	simm.s32 @!p0 $0x0  }
0x12: {  	s1 =	sld [smem:$0x3F8C];
	s0 =	simm.s32 @p0 $0x1  }
0x13: {  	[smem:$0x3FA7] =	sst s0;
	s0 =	simm.s32 @!p1 $0x0  }
0x14: {  	s2 =	sld [smem:$0x3F8B];
	s0 =	simm.s32 @p1 $0x1  }
0x15: {  	[smem:$0x3FA8] =	sst s0;
	s0 =	simm.s32 @!p2 $0x0  }
0x16: {  	s3 =	sld [smem:$0x3FDB];
	s0 =	simm.s32 @p2 $0x1  }
0x17: {  	s4 =	simm.s32 $0x1BF5;
	[smem:$0x3FAA] =	sst s0  }
0x18: {  	s0 =	sld [smem:$0x3F8D];
	_ =	swait.ge [sflag:s4], $0x0  }
0x19: {  	s7 =	sld [smem:$0x3F8E]  }
0x1a: {  	s8 =	sadd.s32 $0xFFFFE003, lr  }
0x1b: {  	s9 =	sadd.s32 $0xFFFFFEF7, lr;
	s5 =	simm.s32 $0xFFFFFFFF;
	p2 =	slt.u32 s8, $0xFFFFF086  }
0x1c: {  	p1 =	slt.u32 s9, $0xF7A;
	s5 =	simm.s32 @!p2 $0x0  }
0x1d: {  	s5 =	simm.s32 @p1 $0x1;
	p0 =	seq.s32 s7, s2  }
0x1e: {  	s7 =	smul.u32 @!p0 $0xF7A, s2;
	p2 =	seq.s32 @!p0 s5, $0x0  }
0x1f: {  	s9 =	smul.u32 $0xF7A, s1;
	s8 =	simm.s32 @!p0 $0x1BF5;
	p2 =	por !p2, p0  }
0x20: {  	[sflag:s8] =	ssyncset.s32 @!p0 $0xFFFFF086;
	s6 =	sadd.s32 @!p0 s3, s7;
	s7 =	simm.s32 @!p0 $0x108  }
0x21: {  	s3 =	sadd.s32 s3, s9;
	s6 =	sadd.s32 @!p0 $0x88, s6;
	s7 =	simm.s32 @p2 $0x1082  }
0x22: {  	[simem:s7], [sflag:s8] =	dma.local @!p0 [hbm:s6], $0xF7A  }
0x23: {  	s9 =	sor.u32 $0xD0000000, s2;
	s6 =	simm.s32 $0x108;
	_ =	swait.ge @!p0 [sflag:s8], $0x0  }
0x24: {  	s3 =	sadd.s32 $0x88, s3;
	s6 =	simm.s32 @!p1 $0x1082;
	[sflag:s4] =	ssyncset.s32 $0xFFFFF086  }
0x25: {  	[simem:s6], [sflag:s4] =	dma.local [hbm:s3], $0xF7A  }
0x26: {  	[smem:$0x3F8E] =	sst s1;
	(tag) =	ssettag s2;
	_ =	strace s9  }
0x27: {  	s1 =	sld [smem:$0x3F9E]  }
0x28: {  	s2 =	sld [smem:$0x3F9F]  }
0x29: {  	s4 =	sld [smem:$0x3FA1]  }
0x2a: {  	p0 =	seq.s32 s5, $0x0;
	s5 =	sld [smem:$0x3FA2]  }
0x2b: {  	s6 =	sld [smem:$0x3FA3]  }
0x2c: {  	s7 =	sld [smem:$0x3FA4]  }
0x2d: {  	s3 =	simm.s32 $0x108;
	s8 =	sld [smem:$0x3FA5]  }
0x2e: {  	s3 =	simm.s32 @!p0 $0x1082;
	s9 =	sld [smem:$0x3FA6]  }
0x2f: {  	lr =	sadd.s32 s0, s3;
	s0 =	sld [smem:$0x3F9D]  }
0x30: {  	s3 =	sld [smem:$0x3FA0]  }
0x31: {  	[smem:$0x3FA9] =	sst s10  }
0x32: {  	s10 =	sld [smem:$0x3FA7];
	_ =	sdelay $0x3  }
0x33: {  	p0 =	seq.s32 s10, $0x1;
	s10 =	sld [smem:$0x3FA9];
	_ =	sdelay $0x3  }
0x34: {  	[smem:$0x3FA9] =	sst s10  }
0x35: {  	s10 =	sld [smem:$0x3FA8];
	_ =	sdelay $0x3  }
0x36: {  	p1 =	seq.s32 s10, $0x1;
	s10 =	sld [smem:$0x3FA9];
	_ =	sdelay $0x3  }
0x37: {  	[smem:$0x3FA9] =	sst s10  }
0x38: {  	s10 =	sld [smem:$0x3FAA]  }
0x39: {  	_ = 	snop;
	(pc) =	sbr.ind lr, $3  }
0x3a: {  	_ = 	snop  }
0x3b: {  	_ = 	snop  }
0x3c: {  	p2 =	seq.s32 s10, $0x1;
	s10 =	sld [smem:$0x3FA9]  }
0x3d: {  	_ =	shalt  }
0x3e: {  	_ =	shalt  }
0x3f: {  	_ =	shalt  }
0x40: {  	_ =	shalt  }
0x41: {  	_ =	shalt  }
0x42: {  	_ =	shalt  }
0x43: {  	_ =	shalt  }
0x44: {  	_ =	shalt  }
0x45: {  	_ =	shalt  }
0x46: {  	_ =	shalt  }
0x47: {  	_ =	shalt  }
0x48: {  	_ =	shalt  }
0x49: {  	_ =	shalt  }
0x4a: {  	_ =	shalt  }
0x4b: {  	_ =	shalt  }
0x4c: {  	_ =	shalt  }
0x4d: {  	_ =	shalt  }
0x4e: {  	_ =	shalt  }
0x4f: {  	_ =	shalt  }
0x50: {  	_ =	shalt  }
0x51: {  	_ =	shalt  }
0x52: {  	_ =	shalt  }
0x53: {  	_ =	shalt  }
0x54: {  	_ =	shalt  }
0x55: {  	_ =	shalt  }
0x56: {  	_ =	shalt  }
0x57: {  	_ =	shalt  }
0x58: {  	_ =	shalt  }
0x59: {  	_ =	shalt  }
0x5a: {  	_ =	shalt  }
0x5b: {  	_ =	shalt  }
0x5c: {  	_ =	shalt  }
0x5d: {  	_ =	shalt  }
0x5e: {  	_ =	shalt  }
0x5f: {  	_ =	shalt  }
0x60: {  	_ =	shalt  }
0x61: {  	_ =	shalt  }
0x62: {  	_ =	shalt  }
0x63: {  	_ =	shalt  }
0x64: {  	_ =	shalt  }
0x65: {  	_ =	shalt  }
0x66: {  	_ =	shalt  }
0x67: {  	_ =	shalt  }
0x68: {  	_ =	shalt  }
0x69: {  	_ =	shalt  }
0x6a: {  	_ =	shalt  }
0x6b: {  	_ =	shalt  }
0x6c: {  	_ =	shalt  }
0x6d: {  	_ =	shalt  }
0x6e: {  	_ =	shalt  }
0x6f: {  	_ =	shalt  }
0x70: {  	_ =	shalt  }
0x71: {  	_ =	shalt  }
0x72: {  	_ =	shalt  }
0x73: {  	_ =	shalt  }
0x74: {  	_ =	shalt  }
0x75: {  	_ =	shalt  }
0x76: {  	_ =	shalt  }
0x77: {  	_ =	shalt  }
0x78: {  	_ =	shalt  }
0x79: {  	_ =	shalt  }
0x7a: {  	_ =	shalt  }
0x7b: {  	_ =	shalt  }
0x7c: {  	_ =	shalt  }
0x7d: {  	_ =	shalt  }
0x7e: {  	_ =	shalt  }
0x7f: {  	_ =	shalt  }
0x80: {  	_ =	shalt  }
0x81: {  	_ =	shalt  }
0x82: {  	_ =	shalt  }
0x83: {  	_ =	shalt  }
0x84: {  	_ =	shalt  }
0x85: {  	_ =	shalt  }
0x86: {  	_ =	shalt  }
0x87: {  	_ =	shalt  }
.Lfunc_end0:
.L_simem_size_0:
called_computation_lowered:
.L_overlay_start_0:
0x88: {  	s2 =	sld [smem:$0x3FD9]  }
0x89: {  	s3 =	sld [smem:$0x3FFE];
	_ =	sdelay $0x1  }
0x8a: {  	s1 =	srdreg.scid  }
0x8b: {  	s0 =	sand.u32 $0x1, s1  }
0x8c: {  	s16 =	sshll.u32 s0, $0xA;
	s2 =	sadd.s32 s3, s2  }
0x8d: {  	s2 =	sadd.s32 s2, s16  }
0x8e: {  	[smem:$0x3FB5] =	sst s2  }
0x8f: {  	_ = 	snop  }
0x90: {  	(tm) =	ssettm $0x1  }
0x91: {  	s17 =	sld [smem:$0x3FFB];
	_ =	sdelay $0x3  }
0x92: {  	_ =	strace s17  }
0x93: {  	s2 =	sld [smem:$0x3FFC];
	_ =	sdelay $0x3  }
0x94: {  	_ =	strace s2  }
0x95: {  	s2 =	sld [smem:$0x3FFD];
	_ =	sdelay $0x3  }
0x96: {  	_ =	strace s2  }
0x97: {  	_ =	strace $0x8FFFFFFF  }
0x98: {  	s18 =	sld [smem:$0x3FDB];
	_ =	sdelay $0x1  }
0x99: {  	s19 =	simm.s32 $_scs_section_size  }
0x9a: {  	s4 =	simm.s32 $_size__tile_overlayer_lowered;
	s5 =	simm.s32 $_tile_overlayer_lowered  }
0x9b: {  	s22 =	simm.s32 $0x1BFF;
	s21 =	sshll.u32 s5, $0x1;
	s2 =	sadd.s32 s19, s18  }
0x9c: {  	s6 =	simm.s32 $0x0;
	s20 =	sshll.u32 s4, $0x1;
	s4 =	sadd.s32 s21, s2  }
0x9d: {  	[timem:s6], [sflag:s22] =	dma.local [hbm:s4], s20  }
0x9e: {  	_ =	swait.ge [sflag:s22], s20  }
0x9f: {  	s3 =	ssub.s32 $0x0, s20;
	[sflag:s22] =	ssyncset.done $0x0  }
0xa0: {  	[sflag:s22] =	ssyncadd.s32 s3;
	_ =	sdelay $0x1  }
0xa1: {  	s23 =	simm.s32 $0x1B8B  }
0xa2: {  	_ =	swait.ge [sflag:s23], $0x1  }
0xa3: {  	[sflag:s23] =	ssyncset.done $0x0  }
0xa4: {  	s25 =	simm.s32 $0x1B8E;
	s24 =	sld [smem:$0x3FFE];
	[sflag:s23] =	ssyncadd.s32 $0xFFFFFFFF  }
0xa5: {  	s26 =	simm.s32 $execute0_lowered;
	[smem:$0x3FD2] =	sst s25  }
0xa6: {  	s4 =	sshll.u32 s26, $0x1;
	_ =	strace $0x80000046;
	[dreg:$0x1] =	wrdreg $0xFFFFFFFF  }
0xa7: {  	s28 =	simm.s32 $_size_execute0_lowered;
	s2 =	sadd.s32 s2, s4;
	[dreg:$0x0] =	wrdreg $0x0  }
0xa8: {  	s4 =	sshll.u32 s28, $0x1;
	[dreg:$0x2] =	wrdreg s2  }
0xa9: {  	[dreg:$0x3] =	wrdreg s4  }
0xaa: {  	[dreg:$0x4] =	wrdreg $0xC0  }
0xab: {  	_ =	task [dreg:s6], $0x5FFFF  }
0xac: {  	[dreg:$0x1] =	wrdreg $0xFFFFFFFF  }
0xad: {  	[dreg:$0x0] =	wrdreg $0x60  }
0xae: {  	[dreg:$0x2] =	wrdreg s24  }
0xaf: {  	[dreg:$0x3] =	wrdreg $0x9  }
0xb0: {  	_ =	task.clear_ibuf [dreg:s6], $0x4FFFF;
	_ =	strace $0x90000046  }
0xb1: {  	s29 =	simm.s32 $0x9;
	_ =	strace $0x80000048  }
0xb2: {  	_ =	swait.ge [sflag:s29], $0x1  }
0xb3: {  	[sflag:s29] =	ssyncadd.s32 $0xFFFFFFFF  }
0xb4: {  	_ =	strace $0x90000048  }
0xb5: {  	_ =	sfence  }
0xb6: {  	s30 =	sld [smem:$0x0];
	_ =	sdelay $0x2  }
0xb7: {  	s31 =	sshll.u32 s1, $0xD;
	s1 =	sshrl.u32 s1, $0x2  }
0xb8: {  	s3 =	sand.u32 $0x4000, s31;
	s1 =	sadd.s32 s1, s30  }
0xb9: {  	s0 =	sor.u32 s3, s0;
	s1 =	sshll.u32 s1, $0x11  }
0xba: {  	s0 =	sor.u32 s1, s0  }
0xbb: {  	s0 =	sadd.s32 $0x8F2B, s0  }
0xbc: {  	[sflag:s0] =	ssyncadd.remote.s32 $0x1  }
0xbd: {  	_ =	sfence.sel $0xFFFF  }
0xbe: {  	[dreg:$0x0] =	wrdreg $0xFFFFFFFF;
	(pc) =	sbr.abs _section_cstart, $3  }
0xbf: {  	[dreg:$0x1] =	wrdreg $0xFFFFFFFF  }
0xc0: {  	_ =	task.clear_ibuf [dreg:s6], $0x2FFFF;
	_ =	strace $0x9FFFFFFF  }
0xc1: {  	(tm) =	ssettm $0x7FFFFFFF  }
tec
execute0_lowered:
.L_overlay_start_1:
0x0: {  	(tag) =	ssettag $0x1  }
0x1: {  	s1 =	srdreg.scid;
	s0 =	stileid.u32  }
0x2: {  	s4 =	rddreg [dreg:$0x0];
	s3 =	sand.u32 $0x1, s1;
	s30 =	sshll.u32 s0, $0x1  }
0x3: {  	s2 =	simm.s32 $0x0;
	s8 =	simm.s32 $0x0;
	s5 =	sor.u32 s3, s30  }
0x4: {  	s1 =	rddreg [dreg:$0x1];
	s3 =	ssub.s32 $0x2, s3;
	s6 =	smul.u32 $0x4E2, s5  }
0x5: {  	[smem:$0x7FF] =	sst s2;
	s5 =	smul.u32 $0x500, s5;
	s7 =	sshrl.u32 s3, $0x1  }
0x6: {  	_ =	strace $0x80000047;
	s31 =	ssub.s32 s3, s7;
	s7 =	simm.s32 $0x2780  }
0x7: {  	v0 =	vlaneseq.u32;
	s6 =	sadd.s32 s6, s4;
	s4 =	sadd.s32 s5, s4;
	s5 =	smax.u32 s31, $0x1  }
0x8: {  	v1 =	vimm.s32 $0x0;
	v2 =	vimm.s32 $0x1;
	v3 =	vor.u32 $0x2700, v0;
	s3 =	sadd.s32 $0x5600, s6;
	s4 =	sadd.s32 $0xF400, s4;
	s6 =	simm.s32 $0x1  }
.LBB2_1:
0x9: {  	s9 =	simm.s32 $0x40;
	s10 =	simm.s32 $0x0  }
.LBB2_2:
0xa: {  	p0 =	sne.s32 s9, $0x9FC0;
	[tilespmem:s10+$0x2780] =	vst v1;
	s10 =	smov.u32 s9;
	s9 =	sadd.s32 $0x40, s9  }
.Ltmp0:
0xb: {  	(pc) =	sbr.rel @p0 .LBB2_2-.Ltmp0, $2  }
0xc: {  	_ =	sdelay $0x2  }
0xd: {  	s10 =	sshra.s32 s10, $0x2  }
0xe: {  	s9 =	simm.s32 $0x0  }
0xf: {  	[tilespmem:s10+$0x2780] =	vst v1;
	s31 =	simm.s32 $0x10;
	v4 =	vor.u32 s9, v0  }
0x10: {  	[tilespmem:s2], [sflag:$0x1] =	stream.linear.gather [hbm4b:s3+s2], $0x2710, $0x38;
	v5 =	vor.u32 s31, v0;
	[tilespmem:$0x4F80] =	vst v63  }
0x11: {  	_ =	swait.ge [sflag:s6], $0x2710  }
0x12: {  	[sflag:s6] =	ssyncset.done $0x0  }
0x13: {  	[sflag:s6] =	ssyncadd.s32 $0xFFFFD8F0  }
0x14: {  	v4 =	vld.idx.msk [tilespmem:v4+s2+$0x0], $0xffff  }
0x15: {  	v5 =	vld.idx.msk [tilespmem:v5+s2+$0x0], $0xffff  }
0x16: {  	s10 =	simm.s32 $0x30;
	s9 =	simm.s32 $0x0  }
.LBB2_4:
0x17: {  	s11 =	sadd.s32 $0xFFFFFFF0, s10;
	v6 =	vor.u32 s10, v0;
	s9 =	sadd.s32 $0x2, s9  }
0x18: {  	v7 =	vor.u32 s11, v0;
	p0 =	slt.u32 s9, $0x26E;
	_ =	sdelay $0x1  }
0x19: {  	v8 =	vmov v5  }
.Ltmp1:
0x1a: {  	(pc) =	sbr.rel @p0 .LBB2_4-.Ltmp1, $4  }
0x1b: {  	[tilespmem:v4+s7+$0x0] =	vst.idx.add.s32.msk $0xffff, v2  }
0x1c: {  	v4 =	vld.idx.msk [tilespmem:v7+s2+$0x0], $0xffff  }
0x1d: {  	v5 =	vld.idx.msk [tilespmem:v6+s2+$0x0], $0xffff  }
0x1e: {  	s10 =	sadd.s32 $0x20, s10;
	[tilespmem:v8+s7+$0x0] =	vst.idx.add.s32.msk $0xffff, v2  }
0x1f: {  	_ =	sdelay $0x5  }
0x20: {  	[tilespmem:v4+s7+$0x0] =	vst.idx.add.s32.msk $0xffff, v2  }
0x21: {  	[tilespmem:v5+s7+$0x0] =	vst.idx.add.s32.msk $0xffff, v2  }
0x22: {  	v4 =	vld.idx.msk [tilespmem:v3+s2+$0x0], $0xffff;
	_ =	sdelay $0x5  }
0x23: {  	s8 =	sadd.s32 $0x1, s8  }
0x24: {  	p0 =	sne.s32 s8, s5  }
.Ltmp2:
0x25: {  	[tilespmem:v4+s7+$0x0] =	vst.idx.add.s32.msk $0xffff, v2;
	(pc) =	sbr.rel @p0 .LBB2_1-.Ltmp2, $4  }
0x26: {  	[hbm4b:s4+s2] =	stream.linear.scatter [tilespmem:s7], [sflag:$0x1], $0x2800, $0x38;
	[tilespmem:$0x4F80] =	vst v63  }
0x27: {  	_ =	swait.ge [sflag:s6], $0x2800  }
0x28: {  	[sflag:s6] =	ssyncset.done $0x0  }
0x29: {  	[sflag:s6] =	ssyncadd.s32 $0xFFFFD800  }
0x2a: {  	_ =	sfence.sel $0x180000  }
0x2b: {  	[bflag:$0x0] =	sbarrier.arrive $0xFFFF  }
0x2c: {  	p0 =	sne.s32 s0, $0x0;
	_ =	strace $0x90000047  }
0x2d: {  	s0 =	sadd.s32 @!p0 $0x100000, s1;
	[bflag:$0x2] =	sbarrier.arrive $0xFFFF  }
0x2e: {  	[sflag:s0] =	ssyncadd.tile.s32 @!p0 $0x1;
	_ =	shalt  }
.Lfunc_end2:
_tile_overlayer_lowered:
.L_overlay_start_2:
0x2f: {  	(tag) =	ssettag $0x2  }
0x30: {  	s0 =	rddreg [dreg:$0x0];
	s2 =	stileid.u32  }
0x31: {  	s1 =	rddreg [dreg:$0x1];
	p0 =	sne.s32 s2, $0x0  }
0x32: {  	s3 =	rddreg [dreg:$0x2];
	[bflag:$0x3] =	sbarrier.arrive $0xFFFF;
	s2 =	simm.s32 @!p0 $0x1C01  }
0x33: {  	[timem:s3], [sflag:s2] =	dma.local @!p0 [hbm:s0], s1  }
0x34: {  	s0 =	simm.s32 @!p0 $0x1  }
0x35: {  	_ =	swait.ge @!p0 [sflag:s0], s1  }
0x36: {  	s1 =	ssub.s32 @!p0 $0x0, s1;
	[sflag:s0] =	ssyncset.done @!p0 $0x0  }
0x37: {  	[sflag:s0] =	ssyncadd.s32 @!p0 s1  }
0x38: {  	[bflag:$0x3] =	sbarrier.arrive $0xFFFF  }
0x39: {  	_ =	shalt  }

// kernel: kernel.13.cloned.1.call-start
scs
__scs_entry_jumppad:
0x0: {  	(pc) =	sbr.rel $0x88, $3  }
0x1: {  	(tag) =	ssettag $0x0;
	lr =	simm.s32 $0x1  }
0x2: {  	[smem:$0x3F8E] =	sst lr;
	_ =	strace $0xD0000000  }
0x3: {  	_ = 	snop  }
0x4: {  	_ = 	snop  }
0x5: {  	_ = 	snop  }
0x6: {  	_ = 	snop  }
0x7: {  	_ = 	snop  }
__scs_overlays_trampoline_lowered:
0x8: {  	[smem:$0x3F9D] =	sst s0  }
0x9: {  	[smem:$0x3F9E] =	sst s1  }
0xa: {  	[smem:$0x3F9F] =	sst s2  }
0xb: {  	[smem:$0x3FA0] =	sst s3  }
0xc: {  	[smem:$0x3FA1] =	sst s4  }
0xd: {  	[smem:$0x3FA2] =	sst s5  }
0xe: {  	[smem:$0x3FA3] =	sst s6  }
0xf: {  	[smem:$0x3FA4] =	sst s7  }
0x10: {  	[smem:$0x3FA5] =	sst s8  }
0x11: {  	[smem:$0x3FA6] =	sst s9;
	s0 =	simm.s32 @!p0 $0x0  }
0x12: {  	s1 =	sld [smem:$0x3F8C];
	s0 =	simm.s32 @p0 $0x1  }
0x13: {  	[smem:$0x3FA7] =	sst s0;
	s0 =	simm.s32 @!p1 $0x0  }
0x14: {  	s2 =	sld [smem:$0x3F8B];
	s0 =	simm.s32 @p1 $0x1  }
0x15: {  	[smem:$0x3FA8] =	sst s0;
	s0 =	simm.s32 @!p2 $0x0  }
0x16: {  	s3 =	sld [smem:$0x3FDB];
	s0 =	simm.s32 @p2 $0x1  }
0x17: {  	s4 =	simm.s32 $0x1BF5;
	[smem:$0x3FAA] =	sst s0  }
0x18: {  	s0 =	sld [smem:$0x3F8D];
	_ =	swait.ge [sflag:s4], $0x0  }
0x19: {  	s7 =	sld [smem:$0x3F8E]  }
0x1a: {  	s8 =	sadd.s32 $0xFFFFE003, lr  }
0x1b: {  	s9 =	sadd.s32 $0xFFFFFEF7, lr;
	s5 =	simm.s32 $0xFFFFFFFF;
	p2 =	slt.u32 s8, $0xFFFFF086  }
0x1c: {  	p1 =	slt.u32 s9, $0xF7A;
	s5 =	simm.s32 @!p2 $0x0  }
0x1d: {  	s5 =	simm.s32 @p1 $0x1;
	p0 =	seq.s32 s7, s2  }
0x1e: {  	s7 =	smul.u32 @!p0 $0xF7A, s2;
	p2 =	seq.s32 @!p0 s5, $0x0  }
0x1f: {  	s9 =	smul.u32 $0xF7A, s1;
	s8 =	simm.s32 @!p0 $0x1BF5;
	p2 =	por !p2, p0  }
0x20: {  	[sflag:s8] =	ssyncset.s32 @!p0 $0xFFFFF086;
	s6 =	sadd.s32 @!p0 s3, s7;
	s7 =	simm.s32 @!p0 $0x108  }
0x21: {  	s3 =	sadd.s32 s3, s9;
	s6 =	sadd.s32 @!p0 $0x88, s6;
	s7 =	simm.s32 @p2 $0x1082  }
0x22: {  	[simem:s7], [sflag:s8] =	dma.local @!p0 [hbm:s6], $0xF7A  }
0x23: {  	s9 =	sor.u32 $0xD0000000, s2;
	s6 =	simm.s32 $0x108;
	_ =	swait.ge @!p0 [sflag:s8], $0x0  }
0x24: {  	s3 =	sadd.s32 $0x88, s3;
	s6 =	simm.s32 @!p1 $0x1082;
	[sflag:s4] =	ssyncset.s32 $0xFFFFF086  }
0x25: {  	[simem:s6], [sflag:s4] =	dma.local [hbm:s3], $0xF7A  }
0x26: {  	[smem:$0x3F8E] =	sst s1;
	(tag) =	ssettag s2;
	_ =	strace s9  }
0x27: {  	s1 =	sld [smem:$0x3F9E]  }
0x28: {  	s2 =	sld [smem:$0x3F9F]  }
0x29: {  	s4 =	sld [smem:$0x3FA1]  }
0x2a: {  	p0 =	seq.s32 s5, $0x0;
	s5 =	sld [smem:$0x3FA2]  }
0x2b: {  	s6 =	sld [smem:$0x3FA3]  }
0x2c: {  	s7 =	sld [smem:$0x3FA4]  }
0x2d: {  	s3 =	simm.s32 $0x108;
	s8 =	sld [smem:$0x3FA5]  }
0x2e: {  	s3 =	simm.s32 @!p0 $0x1082;
	s9 =	sld [smem:$0x3FA6]  }
0x2f: {  	lr =	sadd.s32 s0, s3;
	s0 =	sld [smem:$0x3F9D]  }
0x30: {  	s3 =	sld [smem:$0x3FA0]  }
0x31: {  	[smem:$0x3FA9] =	sst s10  }
0x32: {  	s10 =	sld [smem:$0x3FA7];
	_ =	sdelay $0x3  }
0x33: {  	p0 =	seq.s32 s10, $0x1;
	s10 =	sld [smem:$0x3FA9];
	_ =	sdelay $0x3  }
0x34: {  	[smem:$0x3FA9] =	sst s10  }
0x35: {  	s10 =	sld [smem:$0x3FA8];
	_ =	sdelay $0x3  }
0x36: {  	p1 =	seq.s32 s10, $0x1;
	s10 =	sld [smem:$0x3FA9];
	_ =	sdelay $0x3  }
0x37: {  	[smem:$0x3FA9] =	sst s10  }
0x38: {  	s10 =	sld [smem:$0x3FAA]  }
0x39: {  	_ = 	snop;
	(pc) =	sbr.ind lr, $3  }
0x3a: {  	_ = 	snop  }
0x3b: {  	_ = 	snop  }
0x3c: {  	p2 =	seq.s32 s10, $0x1;
	s10 =	sld [smem:$0x3FA9]  }
0x3d: {  	_ =	shalt  }
0x3e: {  	_ =	shalt  }
0x3f: {  	_ =	shalt  }
0x40: {  	_ =	shalt  }
0x41: {  	_ =	shalt  }
0x42: {  	_ =	shalt  }
0x43: {  	_ =	shalt  }
0x44: {  	_ =	shalt  }
0x45: {  	_ =	shalt  }
0x46: {  	_ =	shalt  }
0x47: {  	_ =	shalt  }
0x48: {  	_ =	shalt  }
0x49: {  	_ =	shalt  }
0x4a: {  	_ =	shalt  }
0x4b: {  	_ =	shalt  }
0x4c: {  	_ =	shalt  }
0x4d: {  	_ =	shalt  }
0x4e: {  	_ =	shalt  }
0x4f: {  	_ =	shalt  }
0x50: {  	_ =	shalt  }
0x51: {  	_ =	shalt  }
0x52: {  	_ =	shalt  }
0x53: {  	_ =	shalt  }
0x54: {  	_ =	shalt  }
0x55: {  	_ =	shalt  }
0x56: {  	_ =	shalt  }
0x57: {  	_ =	shalt  }
0x58: {  	_ =	shalt  }
0x59: {  	_ =	shalt  }
0x5a: {  	_ =	shalt  }
0x5b: {  	_ =	shalt  }
0x5c: {  	_ =	shalt  }
0x5d: {  	_ =	shalt  }
0x5e: {  	_ =	shalt  }
0x5f: {  	_ =	shalt  }
0x60: {  	_ =	shalt  }
0x61: {  	_ =	shalt  }
0x62: {  	_ =	shalt  }
0x63: {  	_ =	shalt  }
0x64: {  	_ =	shalt  }
0x65: {  	_ =	shalt  }
0x66: {  	_ =	shalt  }
0x67: {  	_ =	shalt  }
0x68: {  	_ =	shalt  }
0x69: {  	_ =	shalt  }
0x6a: {  	_ =	shalt  }
0x6b: {  	_ =	shalt  }
0x6c: {  	_ =	shalt  }
0x6d: {  	_ =	shalt  }
0x6e: {  	_ =	shalt  }
0x6f: {  	_ =	shalt  }
0x70: {  	_ =	shalt  }
0x71: {  	_ =	shalt  }
0x72: {  	_ =	shalt  }
0x73: {  	_ =	shalt  }
0x74: {  	_ =	shalt  }
0x75: {  	_ =	shalt  }
0x76: {  	_ =	shalt  }
0x77: {  	_ =	shalt  }
0x78: {  	_ =	shalt  }
0x79: {  	_ =	shalt  }
0x7a: {  	_ =	shalt  }
0x7b: {  	_ =	shalt  }
0x7c: {  	_ =	shalt  }
0x7d: {  	_ =	shalt  }
0x7e: {  	_ =	shalt  }
0x7f: {  	_ =	shalt  }
0x80: {  	_ =	shalt  }
0x81: {  	_ =	shalt  }
0x82: {  	_ =	shalt  }
0x83: {  	_ =	shalt  }
0x84: {  	_ =	shalt  }
0x85: {  	_ =	shalt  }
0x86: {  	_ =	shalt  }
0x87: {  	_ =	shalt  }
.Lfunc_end0:
.L_simem_size_0:
called_computation.1_lowered:
.L_overlay_start_0:
0x88: {  	s2 =	sld [smem:$0x3FD9]  }
0x89: {  	s3 =	sld [smem:$0x3FFE];
	_ =	sdelay $0x1  }
0x8a: {  	s1 =	srdreg.scid  }
0x8b: {  	s0 =	sand.u32 $0x1, s1  }
0x8c: {  	s16 =	sshll.u32 s0, $0xA;
	s2 =	sadd.s32 s3, s2  }
0x8d: {  	s2 =	sadd.s32 s2, s16  }
0x8e: {  	[smem:$0x3FB5] =	sst s2  }
0x8f: {  	_ = 	snop  }
0x90: {  	(tm) =	ssettm $0x1  }
0x91: {  	s17 =	sld [smem:$0x3FFB];
	_ =	sdelay $0x3  }
0x92: {  	_ =	strace s17  }
0x93: {  	s2 =	sld [smem:$0x3FFC];
	_ =	sdelay $0x3  }
0x94: {  	_ =	strace s2  }
0x95: {  	s2 =	sld [smem:$0x3FFD];
	_ =	sdelay $0x3  }
0x96: {  	_ =	strace s2  }
0x97: {  	_ =	strace $0x8FFFFFFF  }
0x98: {  	s18 =	sld [smem:$0x3FDB];
	_ =	sdelay $0x1  }
0x99: {  	s19 =	simm.s32 $_scs_section_size  }
0x9a: {  	s4 =	simm.s32 $_size__tile_overlayer_lowered;
	s5 =	simm.s32 $_tile_overlayer_lowered  }
0x9b: {  	s22 =	simm.s32 $0x1BFF;
	s21 =	sshll.u32 s5, $0x1;
	s2 =	sadd.s32 s19, s18  }
0x9c: {  	s6 =	simm.s32 $0x0;
	s20 =	sshll.u32 s4, $0x1;
	s4 =	sadd.s32 s21, s2  }
0x9d: {  	[timem:s6], [sflag:s22] =	dma.local [hbm:s4], s20  }
0x9e: {  	_ =	swait.ge [sflag:s22], s20  }
0x9f: {  	s3 =	ssub.s32 $0x0, s20;
	[sflag:s22] =	ssyncset.done $0x0  }
0xa0: {  	[sflag:s22] =	ssyncadd.s32 s3;
	_ =	sdelay $0x1  }
0xa1: {  	s23 =	simm.s32 $0x1B8B  }
0xa2: {  	_ =	swait.ge [sflag:s23], $0x1  }
0xa3: {  	[sflag:s23] =	ssyncset.done $0x0  }
0xa4: {  	s25 =	simm.s32 $0x1B8E;
	s24 =	sld [smem:$0x3FFE];
	[sflag:s23] =	ssyncadd.s32 $0xFFFFFFFF  }
0xa5: {  	s26 =	simm.s32 $execute0_lowered;
	[smem:$0x3FD2] =	sst s25  }
0xa6: {  	s4 =	sshll.u32 s26, $0x1;
	_ =	strace $0x80000049;
	[dreg:$0x1] =	wrdreg $0xFFFFFFFF  }
0xa7: {  	s28 =	simm.s32 $_size_execute0_lowered;
	s2 =	sadd.s32 s2, s4;
	[dreg:$0x0] =	wrdreg $0x0  }
0xa8: {  	s4 =	sshll.u32 s28, $0x1;
	[dreg:$0x2] =	wrdreg s2  }
0xa9: {  	[dreg:$0x3] =	wrdreg s4  }
0xaa: {  	[dreg:$0x4] =	wrdreg $0xC0  }
0xab: {  	_ =	task [dreg:s6], $0x5FFFF  }
0xac: {  	[dreg:$0x1] =	wrdreg $0xFFFFFFFF  }
0xad: {  	[dreg:$0x0] =	wrdreg $0x60  }
0xae: {  	[dreg:$0x2] =	wrdreg s24  }
0xaf: {  	[dreg:$0x3] =	wrdreg $0x9  }
0xb0: {  	_ =	task.clear_ibuf [dreg:s6], $0x4FFFF;
	_ =	strace $0x90000049  }
0xb1: {  	s29 =	simm.s32 $0x9;
	_ =	strace $0x8000004B  }
0xb2: {  	_ =	swait.ge [sflag:s29], $0x1  }
0xb3: {  	[sflag:s29] =	ssyncadd.s32 $0xFFFFFFFF  }
0xb4: {  	_ =	strace $0x9000004B  }
0xb5: {  	_ =	sfence  }
0xb6: {  	s30 =	sld [smem:$0x0];
	_ =	sdelay $0x2  }
0xb7: {  	s31 =	sshll.u32 s1, $0xD;
	s1 =	sshrl.u32 s1, $0x2  }
0xb8: {  	s3 =	sand.u32 $0x4000, s31;
	s1 =	sadd.s32 s1, s30  }
0xb9: {  	s0 =	sor.u32 s3, s0;
	s1 =	sshll.u32 s1, $0x11  }
0xba: {  	s0 =	sor.u32 s1, s0  }
0xbb: {  	s0 =	sadd.s32 $0x8F2B, s0  }
0xbc: {  	[sflag:s0] =	ssyncadd.remote.s32 $0x1  }
0xbd: {  	_ =	sfence.sel $0xFFFF  }
0xbe: {  	[dreg:$0x0] =	wrdreg $0xFFFFFFFF;
	(pc) =	sbr.abs _section_cstart, $3  }
0xbf: {  	[dreg:$0x1] =	wrdreg $0xFFFFFFFF  }
0xc0: {  	_ =	task.clear_ibuf [dreg:s6], $0x2FFFF;
	_ =	strace $0x9FFFFFFF  }
0xc1: {  	(tm) =	ssettm $0x7FFFFFFF  }
tec
execute0_lowered:
.L_overlay_start_1:
0x0: {  	(tag) =	ssettag $0x1  }
0x1: {  	s1 =	srdreg.scid;
	s0 =	stileid.u32  }
0x2: {  	s4 =	rddreg [dreg:$0x0];
	s2 =	simm.s32 $0x0;
	s8 =	simm.s32 $0x14000  }
0x3: {  	s9 =	simm.s32 $0xA000;
	s3 =	sand.u32 $0x1, s1;
	s31 =	sshll.u32 s0, $0x1  }
0x4: {  	s10 =	simm.s32 $0x0;
	s1 =	rddreg [dreg:$0x1];
	s5 =	sor.u32 s3, s31  }
0x5: {  	[smem:$0x7FF] =	sst s2;
	s6 =	ssub.s32 $0x2, s3;
	s5 =	smul.u32 $0x1400, s5  }
0x6: {  	v2 =	vlaneseq.u32;
	_ =	strace $0x8000004A;
	s3 =	sadd.s32 $0x19400, s4;
	s7 =	sshrl.u32 s6, $0x1  }
0x7: {  	v0 =	vimm.f32 $0.0e+00;
	v1 =	vshrl.u32 v2, $0x2;
	v2 =	vand.u32 $0x3, v2;
	s6 =	ssub.s32 s6, s7;
	s7 =	simm.s32 $0x1;
	s5 =	sadd.s32 s5, s4  }
0x8: {  	v3 =	vor.u32 $0x4, v1;
	v4 =	vor.u32 $0x8, v1;
	v5 =	vor.u32 $0xC, v1;
	s6 =	smax.u32 s6, $0x1;
	s4 =	sadd.s32 $0x54B200, s5;
	s5 =	sadd.s32 $0x4B200, s5  }
.LBB2_1:
0x9: {  	[tilespmem:s2], [sflag:$0x1] =	stream.linear.gather [hbm4b:s4+s2], $0xA000, $0x38;
	[tilespmem:$0x1BD00] =	vst v63  }
0xa: {  	_ =	swait.ge [sflag:s7], $0xA000  }
0xb: {  	[sflag:s7] =	ssyncset.done $0x0  }
0xc: {  	s11 =	simm.s32 $0x0;
	[sflag:s7] =	ssyncadd.s32 $0xFFFF6000  }
.LBB2_2:
0xd: {  	p0 =	sne.s32 s11, $0x27FC0  }
.Ltmp0:
0xe: {  	_ = 	snop;
	(pc) =	sbr.rel @p0 .LBB2_2-.Ltmp0, $3  }
0xf: {  	_ =	sdelay $0x1  }
0x10: {  	s12 =	sshra.s32 s11, $0x2  }
0x11: {  	s11 =	sadd.s32 $0x40, s11;
	[tilespmem:s12+$0xA000] =	vst v0  }
0x12: {  	s11 =	simm.s32 $0x0  }
.LBB2_4:
0x13: {  	s12 =	smul.u32 $0xFA0, s11;
	_ =	sdelay $0x1  }
0x14: {  	s12 =	sadd.s32 s3, s12  }
0x15: {  	[tilespmem:s8], [sflag:$0x1] =	stream.linear.gather [hbm4b:s12+s2], $0x7D00, $0x38;
	[tilespmem:$0x1BD00] =	vst v63  }
0x16: {  	_ =	swait.ge [sflag:s7], $0x7D00  }
0x17: {  	[sflag:s7] =	ssyncset.done $0x0  }
0x18: {  	s12 =	simm.s32 $0x14040;
	[sflag:s7] =	ssyncadd.s32 $0xFFFF8300  }
0x19: {  	v7 =	vld [tilespmem:s12+$0xFFFFFFF0]  }
0x1a: {  	v8 =	vld [tilespmem:s12+$0x30]  }
0x1b: {  	v6 =	vld [tilespmem:s12+$0xFFFFFFC0]  }
0x1c: {  	v14 =	vld [tilespmem:s12+$0x0]  }
0x1d: {  	v16 =	vld [tilespmem:s12+$0x20]  }
0x1e: {  	v20 =	vld [tilespmem:s12+$0xFFFFFFD0]  }
0x1f: {  	v25 =	vld [tilespmem:s12+$0xFFFFFFE0];
	_ =	sdelay $0x1  }
0x20: {  	v9 =	vshll.u32 v7, $0x2;
	v10 =	vshll.u32 v8, $0x2  }
0x21: {  	v19 =	vld [tilespmem:s12+$0x10];
	v12 =	vshrl.u32 v6, $0xC;
	v6 =	vshll.u32 v6, $0x2;
	v23 =	vshll.u32 v14, $0x2  }
0x22: {  	v8 =	vshrl.u32 v8, $0xC;
	v26 =	vshrl.u32 v16, $0xC;
	v16 =	vshll.u32 v16, $0x2  }
0x23: {  	v7 =	vshrl.u32 v7, $0xC;
	v28 =	vshrl.u32 v25, $0xC;
	v29 =	vshrl.u32 v20, $0xC  }
0x24: {  	v14 =	vshrl.u32 v14, $0xC;
	v20 =	vshll.u32 v20, $0x2;
	v9 =	vand.u32 $0xFFFC, v9  }
0x25: {  	v11 =	vand.u32 $0xFFFC, v10;
	v10 =	vand.u32 $0xFFFC, v12;
	v6 =	vand.u32 $0xFFFC, v6  }
0x26: {  	v27 =	vand.u32 $0xFFFC, v8;
	v8 =	vshrl.u32 v19, $0xC;
	v19 =	vshll.u32 v19, $0x2  }
0x27: {  	v30 =	vand.u32 $0xFFFC, v16;
	v43 =	vand.u32 $0xFFFC, v23;
	v29 =	vand.u32 $0xFFFC, v29  }
0x28: {  	v26 =	vand.u32 $0xFFFC, v26;
	v13 =	vperm.xlane v9, v1;
	v12 =	vperm.xlane v11, v1  }
0x29: {  	v34 =	vand.u32 $0xFFFC, v20;
	v15 =	vperm.xlane v10, v1;
	v17 =	vperm.xlane v10, v3  }
0x2a: {  	v35 =	vand.u32 $0xFFFC, v28;
	v18 =	vperm.xlane v6, v3;
	v21 =	vperm.xlane v10, v4  }
0x2b: {  	v36 =	vand.u32 $0xFFFC, v7;
	v22 =	vperm.xlane v6, v4;
	v24 =	vperm.xlane v10, v5  }
0x2c: {  	v14 =	vand.u32 $0xFFFC, v14;
	v16 =	vperm.xlane v30, v1;
	v31 =	vperm.xlane v27, v3  }
0x2d: {  	v8 =	vand.u32 $0xFFFC, v8;
	v32 =	vperm.xlane v29, v1;
	v20 =	vperm.xlane v27, v1  }
0x2e: {  	v19 =	vand.u32 $0xFFFC, v19;
	v33 =	vperm.xlane v34, v1;
	v7 =	vperm.xlane v35, v1  }
0x2f: {  	v37 =	vperm.xlane v26, v1;
	v59 =	vperm.xlane v14, v1;
	v10 =	vor.u32 v2, v15  }
0x30: {  	v39 =	vperm.xlane v29, v3;
	v40 =	vperm.xlane v36, v1;
	v28 =	vor.u32 v2, v32  }
0x31: {  	v62 =	vperm.xlane v14, v3;
	v45 =	vperm.xlane v36, v3;
	v20 =	vor.u32 v2, v20  }
0x32: {  	v50 =	vperm.xlane v26, v3;
	v23 =	vperm.xlane v8, v1;
	v7 =	vor.u32 v2, v7  }
0x33: {  	v51 =	vperm.xlane v34, v3;
	v15 =	vperm.xlane v6, v1;
	v60 =	vor.u32 v2, v40  }
0x34: {  	v53 =	vperm.xlane v29, v4;
	v55 =	vperm.xlane v30, v3;
	v23 =	vor.u32 v2, v23;
	v58 =	vld.idx.msk [tilespmem:v10+s2+$0x0], $0xffff  }
0x35: {  	v41 =	vperm.xlane v19, v1;
	v47 =	vperm.xlane v8, v4;
	v15 =	vor.u32 v2, v15;
	v44 =	vld.idx.msk [tilespmem:v28+s2+$0x0], $0xffff  }
0x36: {  	v6 =	vperm.xlane v6, v5;
	v18 =	vor.u32 v2, v18;
	v28 =	vor.u32 v2, v37;
	v20 =	vld.idx.msk [tilespmem:v20+s2+$0x0], $0xffff  }
0x37: {  	v12 =	vor.u32 v2, v12;
	v17 =	vor.u32 v2, v17;
	v38 =	vor.u32 v2, v33;
	v49 =	vld.idx.msk [tilespmem:v7+s2+$0x0], $0xffff  }
0x38: {  	v46 =	vor.u32 v2, v16;
	v16 =	vperm.xlane v19, v3;
	v39 =	vor.u32 v2, v39;
	v37 =	vld.idx.msk [tilespmem:v60+s2+$0x0], $0xffff  }
0x39: {  	v33 =	vor.u32 v2, v62;
	v32 =	vperm.xlane v19, v4;
	v10 =	vperm.xlane v8, v3;
	v23 =	vld.idx.msk [tilespmem:v23+s2+$0x0], $0xffff  }
0x3a: {  	v21 =	vor.u32 v2, v21;
	v61 =	vor.u32 v2, v41;
	[tilespmem:v15+s9+$0x0] =	vst.idx.add.f32.msk $0xffff, v58  }
0x3b: {  	v40 =	vperm.xlane v9, v3;
	v62 =	vor.u32 v2, v22;
	v42 =	vor.u32 v2, v10;
	v52 =	vld.idx.msk [tilespmem:v28+s2+$0x0], $0xffff  }
0x3c: {  	v22 =	vperm.xlane v35, v5;
	v28 =	vor.u32 v2, v59;
	[tilespmem:v12+s9+$0x0] =	vst.idx.add.f32.msk $0xffff, v20  }
0x3d: {  	v56 =	vor.u32 v2, v47;
	v63 =	vor.u32 v2, v16;
	[tilespmem:v38+s9+$0x0] =	vst.idx.add.f32.msk $0xffff, v44  }
0x3e: {  	v10 =	vor.u32 v2, v31;
	v31 =	vperm.xlane v43, v1;
	v59 =	vor.u32 v2, v13;
	v17 =	vld.idx.msk [tilespmem:v17+s2+$0x0], $0xffff  }
0x3f: {  	v16 =	vperm.xlane v35, v4;
	v60 =	vor.u32 v2, v45;
	[tilespmem:v61+s9+$0x0] =	vst.idx.add.f32.msk $0xffff, v23  }
0x40: {  	v48 =	vor.u32 v2, v31;
	v31 =	vperm.xlane v8, v5;
	v15 =	vperm.xlane v43, v3;
	v23 =	vld.idx.msk [tilespmem:v42+s2+$0x0], $0xffff  }
0x41: {  	v20 =	vperm.xlane v26, v4;
	v58 =	vor.u32 v2, v50;
	v13 =	vperm.xlane v36, v4;
	v57 =	vld.idx.msk [tilespmem:v28+s2+$0x0], $0xffff  }
0x42: {  	v38 =	vperm.xlane v11, v3;
	v44 =	vperm.xlane v11, v4;
	[tilespmem:v46+s9+$0x0] =	vst.idx.add.f32.msk $0xffff, v52  }
0x43: {  	v7 =	vor.u32 v2, v15;
	v15 =	vshll.u32 v25, $0x2;
	v25 =	vperm.xlane v35, v3;
	[tilespmem:v59+s9+$0x0] =	vst.idx.add.f32.msk $0xffff, v37  }
0x44: {  	v35 =	vperm.xlane v43, v4;
	v54 =	vand.u32 $0xFFFC, v15;
	v15 =	vperm.xlane v29, v5;
	v46 =	vld.idx.msk [tilespmem:v39+s2+$0x0], $0xffff  }
0x45: {  	v12 =	vperm.xlane v54, v3;
	v29 =	vperm.xlane v54, v1;
	[tilespmem:v18+s9+$0x0] =	vst.idx.add.f32.msk $0xffff, v17  }
0x46: {  	v8 =	vperm.xlane v54, v4;
	v28 =	vperm.xlane v27, v4;
	[tilespmem:v63+s9+$0x0] =	vst.idx.add.f32.msk $0xffff, v23  }
0x47: {  	v45 =	vld.idx.msk [tilespmem:v58+s2+$0x0], $0xffff;
	v23 =	vperm.xlane v19, v5;
	v19 =	vperm.xlane v26, v5;
	v26 =	vor.u32 v2, v29  }
0x48: {  	v37 =	vperm.xlane v27, v5;
	v27 =	vperm.xlane v30, v5;
	v61 =	vld.idx.msk [tilespmem:v21+s2+$0x0], $0xffff  }
0x49: {  	v18 =	vperm.xlane v34, v4;
	v17 =	vperm.xlane v14, v4;
	v42 =	vld.idx.msk [tilespmem:v60+s2+$0x0], $0xffff;
	v63 =	vor.u32 v2, v24  }
0x4a: {  	v39 =	vor.u32 v2, v53;
	v14 =	vperm.xlane v14, v5;
	v34 =	vperm.xlane v34, v5;
	v41 =	vld.idx.msk [tilespmem:v56+s2+$0x0], $0xffff  }
0x4b: {  	v29 =	vperm.xlane v30, v4;
	[tilespmem:v48+s9+$0x0] =	vst.idx.add.f32.msk $0xffff, v57;
	v48 =	vor.u32 v2, v55  }
0x4c: {  	v21 =	vperm.xlane v36, v5;
	v24 =	vperm.xlane v54, v5;
	[tilespmem:v26+s9+$0x0] =	vst.idx.add.f32.msk $0xffff, v49  }
0x4d: {  	v30 =	vperm.xlane v9, v4;
	v26 =	vperm.xlane v43, v5;
	[tilespmem:v62+s9+$0x0] =	vst.idx.add.f32.msk $0xffff, v61  }
0x4e: {  	s13 =	simm.s32 $0x0;
	v36 =	vor.u32 v2, v51;
	v43 =	vperm.xlane v9, v5;
	v9 =	vperm.xlane v11, v5;
	v47 =	vld.idx.msk [tilespmem:v63+s2+$0x0], $0xffff  }
.LBB2_5:
0x4f: {  	s13 =	sadd.s32 $0x8, s13;
	v49 =	vld.idx.msk [tilespmem:v33+s2+$0x0], $0xffff;
	s12 =	sadd.s32 $0x80, s12  }
0x50: {  	v6 =	vor.u32 v2, v6;
	p0 =	slt.u32 s13, $0x7C8;
	[tilespmem:v48+s9+$0x0] =	vst.idx.add.f32.msk $0xffff, v45  }
0x51: {  	v45 =	vld [tilespmem:s12+$0x10]  }
0x52: {  	v11 =	vor.u32 v2, v32;
	v33 =	vld [tilespmem:s12+$0x0]  }
0x53: {  	v31 =	vor.u32 v2, v31;
	[tilespmem:v36+s9+$0x0] =	vst.idx.add.f32.msk $0xffff, v46  }
0x54: {  	v46 =	vld.idx.msk [tilespmem:v10+s2+$0x0], $0xffff  }
0x55: {  	[tilespmem:v6+s9+$0x0] =	vst.idx.add.f32.msk $0xffff, v47;
	v6 =	vor.u32 v2, v25  }
0x56: {  	v36 =	vld [tilespmem:s12+$0xFFFFFFD0]  }
0x57: {  	[tilespmem:v11+s9+$0x0] =	vst.idx.add.f32.msk $0xffff, v41  }
0x58: {  	v41 =	vld.idx.msk [tilespmem:v31+s2+$0x0], $0xffff  }
0x59: {  	v31 =	vld [tilespmem:s12+$0xFFFFFFE0]  }
0x5a: {  	v11 =	vor.u32 v2, v40;
	v6 =	vld.idx.msk [tilespmem:v6+s2+$0x0], $0xffff  }
0x5b: {  	v10 =	vor.u32 v2, v9;
	v25 =	vor.u32 v2, v43;
	v40 =	vld [tilespmem:s12+$0x20]  }
0x5c: {  	v9 =	vor.u32 v2, v38;
	v47 =	vor.u32 v2, v30;
	v30 =	vor.u32 v2, v44;
	v43 =	vld [tilespmem:s12+$0xFFFFFFF0]  }
0x5d: {  	v32 =	vor.u32 v2, v26;
	v26 =	vor.u32 v2, v28;
	v44 =	vor.u32 v2, v27;
	v38 =	vld [tilespmem:s12+$0x30]  }
0x5e: {  	v28 =	vor.u32 v2, v34;
	v34 =	vor.u32 v2, v20;
	v37 =	vor.u32 v2, v37;
	v27 =	vld.idx.msk [tilespmem:v39+s2+$0x0], $0xffff  }
0x5f: {  	v20 =	vor.u32 v2, v24;
	v35 =	vor.u32 v2, v35;
	[tilespmem:v11+s9+$0x0] =	vst.idx.add.f32.msk $0xffff, v42  }
0x60: {  	v18 =	vor.u32 v2, v18;
	v39 =	vor.u32 v2, v22;
	v42 =	vor.u32 v2, v21;
	v24 =	vld [tilespmem:s12+$0xFFFFFFC0]  }
0x61: {  	v17 =	vor.u32 v2, v17;
	v29 =	vor.u32 v2, v29;
	v11 =	vshll.u32 v43, $0x2;
	[tilespmem:v9+s9+$0x0] =	vst.idx.add.f32.msk $0xffff, v46  }
0x62: {  	v12 =	vor.u32 v2, v12;
	v9 =	vand.u32 $0xFFFC, v11;
	v11 =	vshll.u32 v38, $0x2;
	v26 =	vld.idx.msk [tilespmem:v26+s2+$0x0], $0xffff  }
0x63: {  	v16 =	vor.u32 v2, v16;
	v21 =	vperm.xlane v9, v1;
	v11 =	vand.u32 $0xFFFC, v11;
	v34 =	vld.idx.msk [tilespmem:v34+s2+$0x0], $0xffff  }
0x64: {  	v46 =	vperm.xlane v11, v1;
	[tilespmem:v7+s9+$0x0] =	vst.idx.add.f32.msk $0xffff, v49;
	v7 =	vor.u32 v2, v23  }
0x65: {  	v22 =	vshrl.u32 v24, $0xC;
	v23 =	vshll.u32 v24, $0x2;
	[tilespmem:v18+s9+$0x0] =	vst.idx.add.f32.msk $0xffff, v27;
	v18 =	vor.u32 v2, v15  }
0x66: {  	v19 =	vor.u32 v2, v19;
	v22 =	vand.u32 $0xFFFC, v22;
	v23 =	vand.u32 $0xFFFC, v23;
	v17 =	vld.idx.msk [tilespmem:v17+s2+$0x0], $0xffff  }
0x67: {  	v27 =	vperm.xlane v22, v1;
	v48 =	vperm.xlane v22, v3;
	[tilespmem:v12+s9+$0x0] =	vst.idx.add.f32.msk $0xffff, v6  }
0x68: {  	v13 =	vor.u32 v2, v13;
	v12 =	vperm.xlane v23, v3;
	v15 =	vperm.xlane v22, v4;
	v16 =	vld.idx.msk [tilespmem:v16+s2+$0x0], $0xffff  }
0x69: {  	v24 =	vperm.xlane v23, v4;
	v22 =	vperm.xlane v22, v5;
	[tilespmem:v7+s9+$0x0] =	vst.idx.add.f32.msk $0xffff, v41  }
0x6a: {  	v8 =	vor.u32 v2, v8;
	v6 =	vperm.xlane v23, v5;
	v7 =	vor.u32 v2, v27;
	v18 =	vld.idx.msk [tilespmem:v18+s2+$0x0], $0xffff  }
0x6b: {  	v23 =	vperm.xlane v23, v1;
	v41 =	vor.u32 v2, v14;
	[tilespmem:v29+s9+$0x0] =	vst.idx.add.f32.msk $0xffff, v34  }
0x6c: {  	v46 =	vor.u32 v2, v46;
	v29 =	vor.u32 v2, v12;
	v12 =	vshll.u32 v33, $0x2;
	[tilespmem:v30+s9+$0x0] =	vst.idx.add.f32.msk $0xffff, v26  }
0x6d: {  	v23 =	vor.u32 v2, v23;
	v48 =	vor.u32 v2, v48;
	v14 =	vshrl.u32 v38, $0xC;
	v13 =	vld.idx.msk [tilespmem:v13+s2+$0x0], $0xffff  }
0x6e: {  	v27 =	vshll.u32 v40, $0x2;
	v34 =	vshrl.u32 v40, $0xC;
	v26 =	vand.u32 $0xFFFC, v14;
	v19 =	vld.idx.msk [tilespmem:v19+s2+$0x0], $0xffff  }
0x6f: {  	v27 =	vand.u32 $0xFFFC, v27;
	v14 =	vshrl.u32 v45, $0xC;
	v30 =	vshll.u32 v45, $0x2;
	[tilespmem:v8+s9+$0x0] =	vst.idx.add.f32.msk $0xffff, v16  }
0x70: {  	v8 =	vand.u32 $0xFFFC, v14;
	v14 =	vand.u32 $0xFFFC, v30;
	v16 =	vperm.xlane v27, v1;
	v37 =	vld.idx.msk [tilespmem:v37+s2+$0x0], $0xffff  }
0x71: {  	v38 =	vshrl.u32 v43, $0xC;
	v30 =	vand.u32 $0xFFFC, v12;
	v12 =	vperm.xlane v8, v1;
	[tilespmem:v35+s9+$0x0] =	vst.idx.add.f32.msk $0xffff, v17  }
0x72: {  	v33 =	vshrl.u32 v33, $0xC;
	v17 =	vshrl.u32 v31, $0xC;
	v35 =	vperm.xlane v26, v3;
	v40 =	vld.idx.msk [tilespmem:v41+s2+$0x0], $0xffff  }
0x73: {  	v43 =	vand.u32 $0xFFFC, v34;
	v41 =	vshll.u32 v36, $0x2;
	v12 =	vor.u32 v2, v12;
	[tilespmem:v47+s9+$0x0] =	vst.idx.add.f32.msk $0xffff, v13  }
0x74: {  	v13 =	vshrl.u32 v36, $0xC;
	v34 =	vand.u32 $0xFFFC, v41;
	v36 =	vperm.xlane v26, v1;
	v41 =	vld.idx.msk [tilespmem:v42+s2+$0x0], $0xffff  }
0x75: {  	v45 =	vand.u32 $0xFFFC, v38;
	v13 =	vand.u32 $0xFFFC, v13;
	v42 =	vperm.xlane v34, v1;
	[tilespmem:v44+s9+$0x0] =	vst.idx.add.f32.msk $0xffff, v19  }
0x76: {  	v38 =	vand.u32 $0xFFFC, v33;
	v19 =	vperm.xlane v13, v1;
	v44 =	vand.u32 $0xFFFC, v17;
	v17 =	vld.idx.msk [tilespmem:v39+s2+$0x0], $0xffff  }
0x77: {  	v39 =	vor.u32 v2, v42;
	v33 =	vperm.xlane v44, v1;
	v42 =	vperm.xlane v43, v1;
	v7 =	vld.idx.msk [tilespmem:v7+s2+$0x0], $0xffff  }
0x78: {  	v31 =	vshll.u32 v31, $0x2;
	v47 =	vperm.xlane v8, v3;
	v19 =	vor.u32 v2, v19;
	[tilespmem:v32+s9+$0x0] =	vst.idx.add.f32.msk $0xffff, v40  }
0x79: {  	v32 =	vor.u32 v2, v33;
	v40 =	vperm.xlane v38, v1;
	[tilespmem:v28+s9+$0x0] =	vst.idx.add.f32.msk $0xffff, v18  }
0x7a: {  	v49 =	vand.u32 $0xFFFC, v31;
	v18 =	vperm.xlane v13, v3;
	v28 =	vor.u32 v2, v36;
	[tilespmem:v25+s9+$0x0] =	vst.idx.add.f32.msk $0xffff, v41  }
0x7b: {  	v31 =	vperm.xlane v14, v1;
	v25 =	vperm.xlane v45, v1;
	[tilespmem:v10+s9+$0x0] =	vst.idx.add.f32.msk $0xffff, v37  }
0x7c: {  	v36 =	vor.u32 v2, v47;
	v10 =	vor.u32 v2, v35;
	[tilespmem:v20+s9+$0x0] =	vst.idx.add.f32.msk $0xffff, v17  }
0x7d: {  	v35 =	vor.u32 v2, v25;
	v17 =	vperm.xlane v30, v1;
	v20 =	vperm.xlane v38, v3;
	v12 =	vld.idx.msk [tilespmem:v12+s2+$0x0], $0xffff  }
0x7e: {  	v41 =	vor.u32 v2, v42;
	v42 =	vor.u32 v2, v16;
	v37 =	vperm.xlane v45, v3;
	v19 =	vld.idx.msk [tilespmem:v19+s2+$0x0], $0xffff  }
0x7f: {  	v31 =	vor.u32 v2, v31;
	v47 =	vperm.xlane v14, v3;
	v16 =	vperm.xlane v30, v3;
	v28 =	vld.idx.msk [tilespmem:v28+s2+$0x0], $0xffff  }
0x80: {  	v50 =	vor.u32 v2, v18;
	[tilespmem:v23+s9+$0x0] =	vst.idx.add.f32.msk $0xffff, v7;
	v23 =	vperm.xlane v8, v4  }
0x81: {  	v52 =	vperm.xlane v43, v3;
	v51 =	vor.u32 v2, v17;
	v7 =	vor.u32 v2, v16;
	v48 =	vld.idx.msk [tilespmem:v48+s2+$0x0], $0xffff  }
0x82: {  	v53 =	vperm.xlane v34, v3;
	v54 =	vperm.xlane v13, v4;
	v33 =	vor.u32 v2, v20;
	v55 =	vld.idx.msk [tilespmem:v32+s2+$0x0], $0xffff  }
0x83: {  	v56 =	vperm.xlane v27, v3;
	v40 =	vor.u32 v2, v40;
	v25 =	vperm.xlane v44, v3;
	v41 =	vld.idx.msk [tilespmem:v41+s2+$0x0], $0xffff  }
0x84: {  	v32 =	vperm.xlane v14, v4;
	[tilespmem:v31+s9+$0x0] =	vst.idx.add.f32.msk $0xffff, v12;
	v31 =	vperm.xlane v8, v5  }
0x85: {  	v20 =	vperm.xlane v43, v4;
	v12 =	vperm.xlane v49, v3;
	[tilespmem:v46+s9+$0x0] =	vst.idx.add.f32.msk $0xffff, v28  }
0x86: {  	v18 =	vperm.xlane v34, v4;
	v17 =	vperm.xlane v38, v4;
	v46 =	vld.idx.msk [tilespmem:v36+s2+$0x0], $0xffff  }
0x87: {  	v37 =	vor.u32 v2, v37;
	[tilespmem:v29+s9+$0x0] =	vst.idx.add.f32.msk $0xffff, v48;
	v29 =	vor.u32 v2, v47  }
0x88: {  	v16 =	vperm.xlane v44, v4;
	v47 =	vor.u32 v2, v15;
	v48 =	vor.u32 v2, v23;
	v35 =	vld.idx.msk [tilespmem:v35+s2+$0x0], $0xffff  }
0x89: {  	v28 =	vperm.xlane v26, v4;
	v15 =	vperm.xlane v13, v5;
	v57 =	vld.idx.msk [tilespmem:v40+s2+$0x0], $0xffff  }
0x8a: {  	v8 =	vperm.xlane v49, v4;
	v13 =	vperm.xlane v45, v4;
	[tilespmem:v42+s9+$0x0] =	vst.idx.add.f32.msk $0xffff, v41  }
0x8b: {  	v52 =	vor.u32 v2, v52;
	v42 =	vor.u32 v2, v21;
	[tilespmem:v39+s9+$0x0] =	vst.idx.add.f32.msk $0xffff, v19  }
0x8c: {  	v36 =	vor.u32 v2, v53;
	v21 =	vperm.xlane v49, v1;
	[tilespmem:v29+s9+$0x0] =	vst.idx.add.f32.msk $0xffff, v46  }
0x8d: {  	v23 =	vperm.xlane v14, v5;
	v19 =	vperm.xlane v43, v5;
	v47 =	vld.idx.msk [tilespmem:v47+s2+$0x0], $0xffff  }
0x8e: {  	v14 =	vperm.xlane v38, v5;
	v43 =	vor.u32 v2, v21;
	v29 =	vperm.xlane v27, v4;
	v41 =	vld.idx.msk [tilespmem:v48+s2+$0x0], $0xffff  }
0x8f: {  	v38 =	vperm.xlane v11, v3;
	v40 =	vperm.xlane v9, v3;
	[tilespmem:v51+s9+$0x0] =	vst.idx.add.f32.msk $0xffff, v57  }
0x90: {  	v39 =	vor.u32 v2, v54;
	v21 =	vperm.xlane v45, v5;
	v51 =	vor.u32 v2, v24;
	v45 =	vld.idx.msk [tilespmem:v52+s2+$0x0], $0xffff  }
0x91: {  	v52 =	vor.u32 v2, v22;
	v22 =	vperm.xlane v44, v5;
	[tilespmem:v42+s9+$0x0] =	vst.idx.add.f32.msk $0xffff, v35  }
.Ltmp1:
0x92: {  	v24 =	vperm.xlane v49, v5;
	v35 =	vperm.xlane v30, v4;
	v46 =	vld.idx.msk [tilespmem:v50+s2+$0x0], $0xffff;
	(pc) =	sbr.rel @p0 .LBB2_5-.Ltmp1, $4  }
0x93: {  	v34 =	vperm.xlane v34, v5;
	v48 =	vor.u32 v2, v56;
	v42 =	vld.idx.msk [tilespmem:v37+s2+$0x0], $0xffff;
	v37 =	vperm.xlane v26, v5  }
0x94: {  	v27 =	vperm.xlane v27, v5;
	v26 =	vperm.xlane v30, v5;
	[tilespmem:v43+s9+$0x0] =	vst.idx.add.f32.msk $0xffff, v55  }
0x95: {  	v44 =	vperm.xlane v11, v4;
	v30 =	vperm.xlane v9, v4;
	[tilespmem:v51+s9+$0x0] =	vst.idx.add.f32.msk $0xffff, v47  }
0x96: {  	v43 =	vperm.xlane v9, v5;
	v9 =	vperm.xlane v11, v5;
	v47 =	vld.idx.msk [tilespmem:v52+s2+$0x0], $0xffff  }
0x97: {  	_ =	sdelay $0x2  }
0x98: {  	v6 =	vor.u32 v2, v6  }
0x99: {  	v11 =	vld.idx.msk [tilespmem:v33+s2+$0x0], $0xffff;
	v32 =	vor.u32 v2, v32  }
0x9a: {  	[tilespmem:v48+s9+$0x0] =	vst.idx.add.f32.msk $0xffff, v45;
	v25 =	vor.u32 v2, v25  }
0x9b: {  	[tilespmem:v36+s9+$0x0] =	vst.idx.add.f32.msk $0xffff, v46  }
0x9c: {  	v10 =	vld.idx.msk [tilespmem:v10+s2+$0x0], $0xffff;
	v46 =	vor.u32 v2, v38  }
0x9d: {  	v20 =	vor.u32 v2, v20;
	[tilespmem:v6+s9+$0x0] =	vst.idx.add.f32.msk $0xffff, v47  }
0x9e: {  	[tilespmem:v32+s9+$0x0] =	vst.idx.add.f32.msk $0xffff, v41  }
0x9f: {  	v31 =	vor.u32 v2, v31;
	v25 =	vld.idx.msk [tilespmem:v25+s2+$0x0], $0xffff  }
0xa0: {  	v28 =	vor.u32 v2, v28;
	v47 =	vld.idx.msk [tilespmem:v39+s2+$0x0], $0xffff  }
0xa1: {  	v17 =	vor.u32 v2, v17;
	[tilespmem:v46+s9+$0x0] =	vst.idx.add.f32.msk $0xffff, v10  }
0xa2: {  	v6 =	vor.u32 v2, v40;
	v50 =	vld.idx.msk [tilespmem:v20+s2+$0x0], $0xffff  }
0xa3: {  	v48 =	vor.u32 v2, v12;
	[tilespmem:v7+s9+$0x0] =	vst.idx.add.f32.msk $0xffff, v11  }
0xa4: {  	v51 =	vor.u32 v2, v29;
	v31 =	vld.idx.msk [tilespmem:v31+s2+$0x0], $0xffff  }
0xa5: {  	v16 =	vor.u32 v2, v16;
	v49 =	vld.idx.msk [tilespmem:v28+s2+$0x0], $0xffff  }
0xa6: {  	v7 =	vor.u32 v2, v23;
	v52 =	vld.idx.msk [tilespmem:v17+s2+$0x0], $0xffff  }
0xa7: {  	v53 =	vor.u32 v2, v44;
	[tilespmem:v6+s9+$0x0] =	vst.idx.add.f32.msk $0xffff, v42  }
0xa8: {  	v13 =	vor.u32 v2, v13;
	[tilespmem:v48+s9+$0x0] =	vst.idx.add.f32.msk $0xffff, v25  }
0xa9: {  	v54 =	vor.u32 v2, v19;
	[tilespmem:v51+s9+$0x0] =	vst.idx.add.f32.msk $0xffff, v50  }
0xaa: {  	v56 =	vor.u32 v2, v35;
	v10 =	vld.idx.msk [tilespmem:v16+s2+$0x0], $0xffff  }
0xab: {  	v55 =	vor.u32 v2, v37;
	[tilespmem:v7+s9+$0x0] =	vst.idx.add.f32.msk $0xffff, v31  }
0xac: {  	v57 =	vor.u32 v2, v14;
	[tilespmem:v53+s9+$0x0] =	vst.idx.add.f32.msk $0xffff, v49  }
0xad: {  	v6 =	vor.u32 v2, v18;
	v13 =	vld.idx.msk [tilespmem:v13+s2+$0x0], $0xffff  }
0xae: {  	v7 =	vor.u32 v2, v8;
	v16 =	vld.idx.msk [tilespmem:v54+s2+$0x0], $0xffff  }
0xaf: {  	v58 =	vor.u32 v2, v30;
	[tilespmem:v56+s9+$0x0] =	vst.idx.add.f32.msk $0xffff, v52  }
0xb0: {  	v59 =	vor.u32 v2, v21;
	v8 =	vld.idx.msk [tilespmem:v55+s2+$0x0], $0xffff  }
0xb1: {  	v60 =	vor.u32 v2, v22;
	v12 =	vld.idx.msk [tilespmem:v57+s2+$0x0], $0xffff  }
0xb2: {  	[tilespmem:v6+s9+$0x0] =	vst.idx.add.f32.msk $0xffff, v47;
	v6 =	vor.u32 v2, v15  }
0xb3: {  	[tilespmem:v7+s9+$0x0] =	vst.idx.add.f32.msk $0xffff, v10;
	v7 =	vor.u32 v2, v27  }
0xb4: {  	v61 =	vor.u32 v2, v26;
	[tilespmem:v58+s9+$0x0] =	vst.idx.add.f32.msk $0xffff, v13  }
0xb5: {  	v9 =	vor.u32 v2, v9;
	v14 =	vld.idx.msk [tilespmem:v59+s2+$0x0], $0xffff  }
0xb6: {  	v63 =	vor.u32 v2, v43;
	v10 =	vld.idx.msk [tilespmem:v60+s2+$0x0], $0xffff  }
0xb7: {  	v62 =	vor.u32 v2, v34;
	s11 =	sadd.s32 $0x1, s11;
	v6 =	vld.idx.msk [tilespmem:v6+s2+$0x0], $0xffff  }
0xb8: {  	p0 =	sne.s32 s11, $0xA;
	[tilespmem:v7+s9+$0x0] =	vst.idx.add.f32.msk $0xffff, v16;
	v7 =	vor.u32 v2, v24  }
.Ltmp2:
0xb9: {  	[tilespmem:v61+s9+$0x0] =	vst.idx.add.f32.msk $0xffff, v12;
	(pc) =	sbr.rel @p0 .LBB2_4-.Ltmp2, $4  }
0xba: {  	[tilespmem:v9+s9+$0x0] =	vst.idx.add.f32.msk $0xffff, v8  }
0xbb: {  	[tilespmem:v63+s9+$0x0] =	vst.idx.add.f32.msk $0xffff, v14  }
0xbc: {  	[tilespmem:v62+s9+$0x0] =	vst.idx.add.f32.msk $0xffff, v6  }
0xbd: {  	[tilespmem:v7+s9+$0x0] =	vst.idx.add.f32.msk $0xffff, v10  }
0xbe: {  	s10 =	sadd.s32 $0x1, s10  }
0xbf: {  	p0 =	sne.s32 s10, s6  }
.Ltmp3:
0xc0: {  	_ = 	snop;
	(pc) =	sbr.rel @p0 .LBB2_1-.Ltmp3, $4  }
0xc1: {  	[hbm4b:s5+s2] =	stream.linear.scatter [tilespmem:s9], [sflag:$0x1], $0xA000, $0x38;
	[tilespmem:$0x1BD00] =	vst v63  }
0xc2: {  	_ =	swait.ge [sflag:s7], $0xA000  }
0xc3: {  	[sflag:s7] =	ssyncset.done $0x0  }
0xc4: {  	[sflag:s7] =	ssyncadd.s32 $0xFFFF6000  }
0xc5: {  	_ =	sfence.sel $0x180000  }
0xc6: {  	[bflag:$0x0] =	sbarrier.arrive $0xFFFF  }
0xc7: {  	p0 =	sne.s32 s0, $0x0;
	_ =	strace $0x9000004A  }
0xc8: {  	s0 =	sadd.s32 @!p0 $0x100000, s1;
	[bflag:$0x2] =	sbarrier.arrive $0xFFFF  }
0xc9: {  	[sflag:s0] =	ssyncadd.tile.s32 @!p0 $0x1;
	_ =	shalt  }
.Lfunc_end2:
_tile_overlayer_lowered:
.L_overlay_start_2:
0xca: {  	(tag) =	ssettag $0x2  }
0xcb: {  	s0 =	rddreg [dreg:$0x0];
	s2 =	stileid.u32  }
0xcc: {  	s1 =	rddreg [dreg:$0x1];
	p0 =	sne.s32 s2, $0x0  }
0xcd: {  	s3 =	rddreg [dreg:$0x2];
	[bflag:$0x3] =	sbarrier.arrive $0xFFFF;
	s2 =	simm.s32 @!p0 $0x1C01  }
0xce: {  	[timem:s3], [sflag:s2] =	dma.local @!p0 [hbm:s0], s1  }
0xcf: {  	s0 =	simm.s32 @!p0 $0x1  }
0xd0: {  	_ =	swait.ge @!p0 [sflag:s0], s1  }
0xd1: {  	s1 =	ssub.s32 @!p0 $0x0, s1;
	[sflag:s0] =	ssyncset.done @!p0 $0x0  }
0xd2: {  	[sflag:s0] =	ssyncadd.s32 @!p0 s1  }
0xd3: {  	[bflag:$0x3] =	sbarrier.arrive $0xFFFF  }
0xd4: {  	_ =	shalt  }

// kernel: kernel.16.cloned.1.call-start
scs
__scs_entry_jumppad:
0x0: {  	(pc) =	sbr.rel $0x88, $3  }
0x1: {  	(tag) =	ssettag $0x0;
	lr =	simm.s32 $0x1  }
0x2: {  	[smem:$0x3F8E] =	sst lr;
	_ =	strace $0xD0000000  }
0x3: {  	_ = 	snop  }
0x4: {  	_ = 	snop  }
0x5: {  	_ = 	snop  }
0x6: {  	_ = 	snop  }
0x7: {  	_ = 	snop  }
__scs_overlays_trampoline_lowered:
0x8: {  	[smem:$0x3F9D] =	sst s0  }
0x9: {  	[smem:$0x3F9E] =	sst s1  }
0xa: {  	[smem:$0x3F9F] =	sst s2  }
0xb: {  	[smem:$0x3FA0] =	sst s3  }
0xc: {  	[smem:$0x3FA1] =	sst s4  }
0xd: {  	[smem:$0x3FA2] =	sst s5  }
0xe: {  	[smem:$0x3FA3] =	sst s6  }
0xf: {  	[smem:$0x3FA4] =	sst s7  }
0x10: {  	[smem:$0x3FA5] =	sst s8  }
0x11: {  	[smem:$0x3FA6] =	sst s9;
	s0 =	simm.s32 @!p0 $0x0  }
0x12: {  	s1 =	sld [smem:$0x3F8C];
	s0 =	simm.s32 @p0 $0x1  }
0x13: {  	[smem:$0x3FA7] =	sst s0;
	s0 =	simm.s32 @!p1 $0x0  }
0x14: {  	s2 =	sld [smem:$0x3F8B];
	s0 =	simm.s32 @p1 $0x1  }
0x15: {  	[smem:$0x3FA8] =	sst s0;
	s0 =	simm.s32 @!p2 $0x0  }
0x16: {  	s3 =	sld [smem:$0x3FDB];
	s0 =	simm.s32 @p2 $0x1  }
0x17: {  	s4 =	simm.s32 $0x1BF5;
	[smem:$0x3FAA] =	sst s0  }
0x18: {  	s0 =	sld [smem:$0x3F8D];
	_ =	swait.ge [sflag:s4], $0x0  }
0x19: {  	s7 =	sld [smem:$0x3F8E]  }
0x1a: {  	s8 =	sadd.s32 $0xFFFFE003, lr  }
0x1b: {  	s9 =	sadd.s32 $0xFFFFFEF7, lr;
	s5 =	simm.s32 $0xFFFFFFFF;
	p2 =	slt.u32 s8, $0xFFFFF086  }
0x1c: {  	p1 =	slt.u32 s9, $0xF7A;
	s5 =	simm.s32 @!p2 $0x0  }
0x1d: {  	s5 =	simm.s32 @p1 $0x1;
	p0 =	seq.s32 s7, s2  }
0x1e: {  	s7 =	smul.u32 @!p0 $0xF7A, s2;
	p2 =	seq.s32 @!p0 s5, $0x0  }
0x1f: {  	s9 =	smul.u32 $0xF7A, s1;
	s8 =	simm.s32 @!p0 $0x1BF5;
	p2 =	por !p2, p0  }
0x20: {  	[sflag:s8] =	ssyncset.s32 @!p0 $0xFFFFF086;
	s6 =	sadd.s32 @!p0 s3, s7;
	s7 =	simm.s32 @!p0 $0x108  }
0x21: {  	s3 =	sadd.s32 s3, s9;
	s6 =	sadd.s32 @!p0 $0x88, s6;
	s7 =	simm.s32 @p2 $0x1082  }
0x22: {  	[simem:s7], [sflag:s8] =	dma.local @!p0 [hbm:s6], $0xF7A  }
0x23: {  	s9 =	sor.u32 $0xD0000000, s2;
	s6 =	simm.s32 $0x108;
	_ =	swait.ge @!p0 [sflag:s8], $0x0  }
0x24: {  	s3 =	sadd.s32 $0x88, s3;
	s6 =	simm.s32 @!p1 $0x1082;
	[sflag:s4] =	ssyncset.s32 $0xFFFFF086  }
0x25: {  	[simem:s6], [sflag:s4] =	dma.local [hbm:s3], $0xF7A  }
0x26: {  	[smem:$0x3F8E] =	sst s1;
	(tag) =	ssettag s2;
	_ =	strace s9  }
0x27: {  	s1 =	sld [smem:$0x3F9E]  }
0x28: {  	s2 =	sld [smem:$0x3F9F]  }
0x29: {  	s4 =	sld [smem:$0x3FA1]  }
0x2a: {  	p0 =	seq.s32 s5, $0x0;
	s5 =	sld [smem:$0x3FA2]  }
0x2b: {  	s6 =	sld [smem:$0x3FA3]  }
0x2c: {  	s7 =	sld [smem:$0x3FA4]  }
0x2d: {  	s3 =	simm.s32 $0x108;
	s8 =	sld [smem:$0x3FA5]  }
0x2e: {  	s3 =	simm.s32 @!p0 $0x1082;
	s9 =	sld [smem:$0x3FA6]  }
0x2f: {  	lr =	sadd.s32 s0, s3;
	s0 =	sld [smem:$0x3F9D]  }
0x30: {  	s3 =	sld [smem:$0x3FA0]  }
0x31: {  	[smem:$0x3FA9] =	sst s10  }
0x32: {  	s10 =	sld [smem:$0x3FA7];
	_ =	sdelay $0x3  }
0x33: {  	p0 =	seq.s32 s10, $0x1;
	s10 =	sld [smem:$0x3FA9];
	_ =	sdelay $0x3  }
0x34: {  	[smem:$0x3FA9] =	sst s10  }
0x35: {  	s10 =	sld [smem:$0x3FA8];
	_ =	sdelay $0x3  }
0x36: {  	p1 =	seq.s32 s10, $0x1;
	s10 =	sld [smem:$0x3FA9];
	_ =	sdelay $0x3  }
0x37: {  	[smem:$0x3FA9] =	sst s10  }
0x38: {  	s10 =	sld [smem:$0x3FAA]  }
0x39: {  	_ = 	snop;
	(pc) =	sbr.ind lr, $3  }
0x3a: {  	_ = 	snop  }
0x3b: {  	_ = 	snop  }
0x3c: {  	p2 =	seq.s32 s10, $0x1;
	s10 =	sld [smem:$0x3FA9]  }
0x3d: {  	_ =	shalt  }
0x3e: {  	_ =	shalt  }
0x3f: {  	_ =	shalt  }
0x40: {  	_ =	shalt  }
0x41: {  	_ =	shalt  }
0x42: {  	_ =	shalt  }
0x43: {  	_ =	shalt  }
0x44: {  	_ =	shalt  }
0x45: {  	_ =	shalt  }
0x46: {  	_ =	shalt  }
0x47: {  	_ =	shalt  }
0x48: {  	_ =	shalt  }
0x49: {  	_ =	shalt  }
0x4a: {  	_ =	shalt  }
0x4b: {  	_ =	shalt  }
0x4c: {  	_ =	shalt  }
0x4d: {  	_ =	shalt  }
0x4e: {  	_ =	shalt  }
0x4f: {  	_ =	shalt  }
0x50: {  	_ =	shalt  }
0x51: {  	_ =	shalt  }
0x52: {  	_ =	shalt  }
0x53: {  	_ =	shalt  }
0x54: {  	_ =	shalt  }
0x55: {  	_ =	shalt  }
0x56: {  	_ =	shalt  }
0x57: {  	_ =	shalt  }
0x58: {  	_ =	shalt  }
0x59: {  	_ =	shalt  }
0x5a: {  	_ =	shalt  }
0x5b: {  	_ =	shalt  }
0x5c: {  	_ =	shalt  }
0x5d: {  	_ =	shalt  }
0x5e: {  	_ =	shalt  }
0x5f: {  	_ =	shalt  }
0x60: {  	_ =	shalt  }
0x61: {  	_ =	shalt  }
0x62: {  	_ =	shalt  }
0x63: {  	_ =	shalt  }
0x64: {  	_ =	shalt  }
0x65: {  	_ =	shalt  }
0x66: {  	_ =	shalt  }
0x67: {  	_ =	shalt  }
0x68: {  	_ =	shalt  }
0x69: {  	_ =	shalt  }
0x6a: {  	_ =	shalt  }
0x6b: {  	_ =	shalt  }
0x6c: {  	_ =	shalt  }
0x6d: {  	_ =	shalt  }
0x6e: {  	_ =	shalt  }
0x6f: {  	_ =	shalt  }
0x70: {  	_ =	shalt  }
0x71: {  	_ =	shalt  }
0x72: {  	_ =	shalt  }
0x73: {  	_ =	shalt  }
0x74: {  	_ =	shalt  }
0x75: {  	_ =	shalt  }
0x76: {  	_ =	shalt  }
0x77: {  	_ =	shalt  }
0x78: {  	_ =	shalt  }
0x79: {  	_ =	shalt  }
0x7a: {  	_ =	shalt  }
0x7b: {  	_ =	shalt  }
0x7c: {  	_ =	shalt  }
0x7d: {  	_ =	shalt  }
0x7e: {  	_ =	shalt  }
0x7f: {  	_ =	shalt  }
0x80: {  	_ =	shalt  }
0x81: {  	_ =	shalt  }
0x82: {  	_ =	shalt  }
0x83: {  	_ =	shalt  }
0x84: {  	_ =	shalt  }
0x85: {  	_ =	shalt  }
0x86: {  	_ =	shalt  }
0x87: {  	_ =	shalt  }
.Lfunc_end0:
.L_simem_size_0:
called_computation.2_lowered:
.L_overlay_start_0:
0x88: {  	s2 =	sld [smem:$0x3FD9]  }
0x89: {  	s3 =	sld [smem:$0x3FFE];
	_ =	sdelay $0x1  }
0x8a: {  	s1 =	srdreg.scid  }
0x8b: {  	s0 =	sand.u32 $0x1, s1  }
0x8c: {  	s16 =	sshll.u32 s0, $0xA;
	s2 =	sadd.s32 s3, s2  }
0x8d: {  	s2 =	sadd.s32 s2, s16  }
0x8e: {  	[smem:$0x3FB5] =	sst s2  }
0x8f: {  	_ = 	snop  }
0x90: {  	(tm) =	ssettm $0x1  }
0x91: {  	s17 =	sld [smem:$0x3FFB];
	_ =	sdelay $0x3  }
0x92: {  	_ =	strace s17  }
0x93: {  	s2 =	sld [smem:$0x3FFC];
	_ =	sdelay $0x3  }
0x94: {  	_ =	strace s2  }
0x95: {  	s2 =	sld [smem:$0x3FFD];
	_ =	sdelay $0x3  }
0x96: {  	_ =	strace s2  }
0x97: {  	_ =	strace $0x8FFFFFFF  }
0x98: {  	s18 =	sld [smem:$0x3FDB];
	_ =	sdelay $0x1  }
0x99: {  	s19 =	simm.s32 $_scs_section_size  }
0x9a: {  	s4 =	simm.s32 $_size__tile_overlayer_lowered;
	s5 =	simm.s32 $_tile_overlayer_lowered  }
0x9b: {  	s22 =	simm.s32 $0x1BFF;
	s21 =	sshll.u32 s5, $0x1;
	s2 =	sadd.s32 s19, s18  }
0x9c: {  	s6 =	simm.s32 $0x0;
	s20 =	sshll.u32 s4, $0x1;
	s4 =	sadd.s32 s21, s2  }
0x9d: {  	[timem:s6], [sflag:s22] =	dma.local [hbm:s4], s20  }
0x9e: {  	_ =	swait.ge [sflag:s22], s20  }
0x9f: {  	s3 =	ssub.s32 $0x0, s20;
	[sflag:s22] =	ssyncset.done $0x0  }
0xa0: {  	[sflag:s22] =	ssyncadd.s32 s3;
	_ =	sdelay $0x1  }
0xa1: {  	s23 =	simm.s32 $0x1B8B  }
0xa2: {  	_ =	swait.ge [sflag:s23], $0x1  }
0xa3: {  	[sflag:s23] =	ssyncset.done $0x0  }
0xa4: {  	s25 =	simm.s32 $0x1B8E;
	s24 =	sld [smem:$0x3FFE];
	[sflag:s23] =	ssyncadd.s32 $0xFFFFFFFF  }
0xa5: {  	s26 =	simm.s32 $execute0_lowered;
	[smem:$0x3FD2] =	sst s25  }
0xa6: {  	s4 =	sshll.u32 s26, $0x1;
	_ =	strace $0x8000004C;
	[dreg:$0x1] =	wrdreg $0xFFFFFFFF  }
0xa7: {  	s28 =	simm.s32 $_size_execute0_lowered;
	s2 =	sadd.s32 s2, s4;
	[dreg:$0x0] =	wrdreg $0x0  }
0xa8: {  	s4 =	sshll.u32 s28, $0x1;
	[dreg:$0x2] =	wrdreg s2  }
0xa9: {  	[dreg:$0x3] =	wrdreg s4  }
0xaa: {  	[dreg:$0x4] =	wrdreg $0xC0  }
0xab: {  	_ =	task [dreg:s6], $0x5FFFF  }
0xac: {  	[dreg:$0x1] =	wrdreg $0xFFFFFFFF  }
0xad: {  	[dreg:$0x0] =	wrdreg $0x60  }
0xae: {  	[dreg:$0x2] =	wrdreg s24  }
0xaf: {  	[dreg:$0x3] =	wrdreg $0x9  }
0xb0: {  	_ =	task.clear_ibuf [dreg:s6], $0x4FFFF;
	_ =	strace $0x9000004C  }
0xb1: {  	s29 =	simm.s32 $0x9;
	_ =	strace $0x8000004E  }
0xb2: {  	_ =	swait.ge [sflag:s29], $0x1  }
0xb3: {  	[sflag:s29] =	ssyncadd.s32 $0xFFFFFFFF  }
0xb4: {  	_ =	strace $0x9000004E  }
0xb5: {  	_ =	sfence  }
0xb6: {  	s30 =	sld [smem:$0x0];
	_ =	sdelay $0x2  }
0xb7: {  	s31 =	sshll.u32 s1, $0xD;
	s1 =	sshrl.u32 s1, $0x2  }
0xb8: {  	s3 =	sand.u32 $0x4000, s31;
	s1 =	sadd.s32 s1, s30  }
0xb9: {  	s0 =	sor.u32 s3, s0;
	s1 =	sshll.u32 s1, $0x11  }
0xba: {  	s0 =	sor.u32 s1, s0  }
0xbb: {  	s0 =	sadd.s32 $0x8F2B, s0  }
0xbc: {  	[sflag:s0] =	ssyncadd.remote.s32 $0x1  }
0xbd: {  	_ =	sfence.sel $0xFFFF  }
0xbe: {  	[dreg:$0x0] =	wrdreg $0xFFFFFFFF;
	(pc) =	sbr.abs _section_cstart, $3  }
0xbf: {  	[dreg:$0x1] =	wrdreg $0xFFFFFFFF  }
0xc0: {  	_ =	task.clear_ibuf [dreg:s6], $0x2FFFF;
	_ =	strace $0x9FFFFFFF  }
0xc1: {  	(tm) =	ssettm $0x7FFFFFFF  }
tec
execute0_lowered:
.L_overlay_start_1:
0x0: {  	(tag) =	ssettag $0x1  }
0x1: {  	s1 =	srdreg.scid;
	s0 =	stileid.u32  }
0x2: {  	s4 =	rddreg [dreg:$0x0];
	s2 =	simm.s32 $0x0;
	s8 =	simm.s32 $0x14000  }
0x3: {  	s9 =	simm.s32 $0xA000;
	s3 =	sand.u32 $0x1, s1;
	s31 =	sshll.u32 s0, $0x1  }
0x4: {  	s10 =	simm.s32 $0x0;
	s1 =	rddreg [dreg:$0x1];
	s5 =	sor.u32 s3, s31  }
0x5: {  	[smem:$0x7FF] =	sst s2;
	s6 =	ssub.s32 $0x2, s3;
	s5 =	smul.u32 $0x1400, s5  }
0x6: {  	v2 =	vlaneseq.u32;
	_ =	strace $0x8000004D;
	s3 =	sadd.s32 $0x19400, s4;
	s7 =	sshrl.u32 s6, $0x1  }
0x7: {  	v0 =	vimm.f32 $0.0e+00;
	v1 =	vshrl.u32 v2, $0x2;
	v2 =	vand.u32 $0x3, v2;
	s6 =	ssub.s32 s6, s7;
	s7 =	simm.s32 $0x1;
	s5 =	sadd.s32 s5, s4  }
0x8: {  	v3 =	vor.u32 $0x4, v1;
	v4 =	vor.u32 $0x8, v1;
	v5 =	vor.u32 $0xC, v1;
	s6 =	smax.u32 s6, $0x1;
	s4 =	sadd.s32 $0x54B200, s5;
	s5 =	sadd.s32 $0x4B200, s5  }
.LBB2_1:
0x9: {  	[tilespmem:s2], [sflag:$0x1] =	stream.linear.gather [hbm4b:s4+s2], $0xA000, $0x38;
	[tilespmem:$0x1BD00] =	vst v63  }
0xa: {  	_ =	swait.ge [sflag:s7], $0xA000  }
0xb: {  	[sflag:s7] =	ssyncset.done $0x0  }
0xc: {  	s11 =	simm.s32 $0x0;
	[sflag:s7] =	ssyncadd.s32 $0xFFFF6000  }
.LBB2_2:
0xd: {  	p0 =	sne.s32 s11, $0x27FC0  }
.Ltmp0:
0xe: {  	_ = 	snop;
	(pc) =	sbr.rel @p0 .LBB2_2-.Ltmp0, $3  }
0xf: {  	_ =	sdelay $0x1  }
0x10: {  	s12 =	sshra.s32 s11, $0x2  }
0x11: {  	s11 =	sadd.s32 $0x40, s11;
	[tilespmem:s12+$0xA000] =	vst v0  }
0x12: {  	s11 =	simm.s32 $0x0  }
.LBB2_4:
0x13: {  	s12 =	smul.u32 $0xFA0, s11;
	_ =	sdelay $0x1  }
0x14: {  	s12 =	sadd.s32 s3, s12  }
0x15: {  	[tilespmem:s8], [sflag:$0x1] =	stream.linear.gather [hbm4b:s12+s2], $0x7D00, $0x38;
	[tilespmem:$0x1BD00] =	vst v63  }
0x16: {  	_ =	swait.ge [sflag:s7], $0x7D00  }
0x17: {  	[sflag:s7] =	ssyncset.done $0x0  }
0x18: {  	s12 =	simm.s32 $0x14040;
	[sflag:s7] =	ssyncadd.s32 $0xFFFF8300  }
0x19: {  	v7 =	vld [tilespmem:s12+$0xFFFFFFF0]  }
0x1a: {  	v8 =	vld [tilespmem:s12+$0x30]  }
0x1b: {  	v6 =	vld [tilespmem:s12+$0xFFFFFFC0]  }
0x1c: {  	v14 =	vld [tilespmem:s12+$0x0]  }
0x1d: {  	v16 =	vld [tilespmem:s12+$0x20]  }
0x1e: {  	v20 =	vld [tilespmem:s12+$0xFFFFFFD0]  }
0x1f: {  	v25 =	vld [tilespmem:s12+$0xFFFFFFE0];
	_ =	sdelay $0x1  }
0x20: {  	v9 =	vshll.u32 v7, $0x2;
	v10 =	vshll.u32 v8, $0x2  }
0x21: {  	v19 =	vld [tilespmem:s12+$0x10];
	v12 =	vshrl.u32 v6, $0xC;
	v6 =	vshll.u32 v6, $0x2;
	v23 =	vshll.u32 v14, $0x2  }
0x22: {  	v8 =	vshrl.u32 v8, $0xC;
	v26 =	vshrl.u32 v16, $0xC;
	v16 =	vshll.u32 v16, $0x2  }
0x23: {  	v7 =	vshrl.u32 v7, $0xC;
	v28 =	vshrl.u32 v25, $0xC;
	v29 =	vshrl.u32 v20, $0xC  }
0x24: {  	v14 =	vshrl.u32 v14, $0xC;
	v20 =	vshll.u32 v20, $0x2;
	v9 =	vand.u32 $0xFFFC, v9  }
0x25: {  	v11 =	vand.u32 $0xFFFC, v10;
	v10 =	vand.u32 $0xFFFC, v12;
	v6 =	vand.u32 $0xFFFC, v6  }
0x26: {  	v27 =	vand.u32 $0xFFFC, v8;
	v8 =	vshrl.u32 v19, $0xC;
	v19 =	vshll.u32 v19, $0x2  }
0x27: {  	v30 =	vand.u32 $0xFFFC, v16;
	v43 =	vand.u32 $0xFFFC, v23;
	v29 =	vand.u32 $0xFFFC, v29  }
0x28: {  	v26 =	vand.u32 $0xFFFC, v26;
	v13 =	vperm.xlane v9, v1;
	v12 =	vperm.xlane v11, v1  }
0x29: {  	v34 =	vand.u32 $0xFFFC, v20;
	v15 =	vperm.xlane v10, v1;
	v17 =	vperm.xlane v10, v3  }
0x2a: {  	v35 =	vand.u32 $0xFFFC, v28;
	v18 =	vperm.xlane v6, v3;
	v21 =	vperm.xlane v10, v4  }
0x2b: {  	v36 =	vand.u32 $0xFFFC, v7;
	v22 =	vperm.xlane v6, v4;
	v24 =	vperm.xlane v10, v5  }
0x2c: {  	v14 =	vand.u32 $0xFFFC, v14;
	v16 =	vperm.xlane v30, v1;
	v31 =	vperm.xlane v27, v3  }
0x2d: {  	v8 =	vand.u32 $0xFFFC, v8;
	v32 =	vperm.xlane v29, v1;
	v20 =	vperm.xlane v27, v1  }
0x2e: {  	v19 =	vand.u32 $0xFFFC, v19;
	v33 =	vperm.xlane v34, v1;
	v7 =	vperm.xlane v35, v1  }
0x2f: {  	v37 =	vperm.xlane v26, v1;
	v59 =	vperm.xlane v14, v1;
	v10 =	vor.u32 v2, v15  }
0x30: {  	v39 =	vperm.xlane v29, v3;
	v40 =	vperm.xlane v36, v1;
	v28 =	vor.u32 v2, v32  }
0x31: {  	v62 =	vperm.xlane v14, v3;
	v45 =	vperm.xlane v36, v3;
	v20 =	vor.u32 v2, v20  }
0x32: {  	v50 =	vperm.xlane v26, v3;
	v23 =	vperm.xlane v8, v1;
	v7 =	vor.u32 v2, v7  }
0x33: {  	v51 =	vperm.xlane v34, v3;
	v15 =	vperm.xlane v6, v1;
	v60 =	vor.u32 v2, v40  }
0x34: {  	v53 =	vperm.xlane v29, v4;
	v55 =	vperm.xlane v30, v3;
	v23 =	vor.u32 v2, v23;
	v58 =	vld.idx.msk [tilespmem:v10+s2+$0x0], $0xffff  }
0x35: {  	v41 =	vperm.xlane v19, v1;
	v47 =	vperm.xlane v8, v4;
	v15 =	vor.u32 v2, v15;
	v44 =	vld.idx.msk [tilespmem:v28+s2+$0x0], $0xffff  }
0x36: {  	v6 =	vperm.xlane v6, v5;
	v18 =	vor.u32 v2, v18;
	v28 =	vor.u32 v2, v37;
	v20 =	vld.idx.msk [tilespmem:v20+s2+$0x0], $0xffff  }
0x37: {  	v12 =	vor.u32 v2, v12;
	v17 =	vor.u32 v2, v17;
	v38 =	vor.u32 v2, v33;
	v49 =	vld.idx.msk [tilespmem:v7+s2+$0x0], $0xffff  }
0x38: {  	v46 =	vor.u32 v2, v16;
	v16 =	vperm.xlane v19, v3;
	v39 =	vor.u32 v2, v39;
	v37 =	vld.idx.msk [tilespmem:v60+s2+$0x0], $0xffff  }
0x39: {  	v33 =	vor.u32 v2, v62;
	v32 =	vperm.xlane v19, v4;
	v10 =	vperm.xlane v8, v3;
	v23 =	vld.idx.msk [tilespmem:v23+s2+$0x0], $0xffff  }
0x3a: {  	v21 =	vor.u32 v2, v21;
	v61 =	vor.u32 v2, v41;
	[tilespmem:v15+s9+$0x0] =	vst.idx.add.f32.msk $0xffff, v58  }
0x3b: {  	v40 =	vperm.xlane v9, v3;
	v62 =	vor.u32 v2, v22;
	v42 =	vor.u32 v2, v10;
	v52 =	vld.idx.msk [tilespmem:v28+s2+$0x0], $0xffff  }
0x3c: {  	v22 =	vperm.xlane v35, v5;
	v28 =	vor.u32 v2, v59;
	[tilespmem:v12+s9+$0x0] =	vst.idx.add.f32.msk $0xffff, v20  }
0x3d: {  	v56 =	vor.u32 v2, v47;
	v63 =	vor.u32 v2, v16;
	[tilespmem:v38+s9+$0x0] =	vst.idx.add.f32.msk $0xffff, v44  }
0x3e: {  	v10 =	vor.u32 v2, v31;
	v31 =	vperm.xlane v43, v1;
	v59 =	vor.u32 v2, v13;
	v17 =	vld.idx.msk [tilespmem:v17+s2+$0x0], $0xffff  }
0x3f: {  	v16 =	vperm.xlane v35, v4;
	v60 =	vor.u32 v2, v45;
	[tilespmem:v61+s9+$0x0] =	vst.idx.add.f32.msk $0xffff, v23  }
0x40: {  	v48 =	vor.u32 v2, v31;
	v31 =	vperm.xlane v8, v5;
	v15 =	vperm.xlane v43, v3;
	v23 =	vld.idx.msk [tilespmem:v42+s2+$0x0], $0xffff  }
0x41: {  	v20 =	vperm.xlane v26, v4;
	v58 =	vor.u32 v2, v50;
	v13 =	vperm.xlane v36, v4;
	v57 =	vld.idx.msk [tilespmem:v28+s2+$0x0], $0xffff  }
0x42: {  	v38 =	vperm.xlane v11, v3;
	v44 =	vperm.xlane v11, v4;
	[tilespmem:v46+s9+$0x0] =	vst.idx.add.f32.msk $0xffff, v52  }
0x43: {  	v7 =	vor.u32 v2, v15;
	v15 =	vshll.u32 v25, $0x2;
	v25 =	vperm.xlane v35, v3;
	[tilespmem:v59+s9+$0x0] =	vst.idx.add.f32.msk $0xffff, v37  }
0x44: {  	v35 =	vperm.xlane v43, v4;
	v54 =	vand.u32 $0xFFFC, v15;
	v15 =	vperm.xlane v29, v5;
	v46 =	vld.idx.msk [tilespmem:v39+s2+$0x0], $0xffff  }
0x45: {  	v12 =	vperm.xlane v54, v3;
	v29 =	vperm.xlane v54, v1;
	[tilespmem:v18+s9+$0x0] =	vst.idx.add.f32.msk $0xffff, v17  }
0x46: {  	v8 =	vperm.xlane v54, v4;
	v28 =	vperm.xlane v27, v4;
	[tilespmem:v63+s9+$0x0] =	vst.idx.add.f32.msk $0xffff, v23  }
0x47: {  	v45 =	vld.idx.msk [tilespmem:v58+s2+$0x0], $0xffff;
	v23 =	vperm.xlane v19, v5;
	v19 =	vperm.xlane v26, v5;
	v26 =	vor.u32 v2, v29  }
0x48: {  	v37 =	vperm.xlane v27, v5;
	v27 =	vperm.xlane v30, v5;
	v61 =	vld.idx.msk [tilespmem:v21+s2+$0x0], $0xffff  }
0x49: {  	v18 =	vperm.xlane v34, v4;
	v17 =	vperm.xlane v14, v4;
	v42 =	vld.idx.msk [tilespmem:v60+s2+$0x0], $0xffff;
	v63 =	vor.u32 v2, v24  }
0x4a: {  	v39 =	vor.u32 v2, v53;
	v14 =	vperm.xlane v14, v5;
	v34 =	vperm.xlane v34, v5;
	v41 =	vld.idx.msk [tilespmem:v56+s2+$0x0], $0xffff  }
0x4b: {  	v29 =	vperm.xlane v30, v4;
	[tilespmem:v48+s9+$0x0] =	vst.idx.add.f32.msk $0xffff, v57;
	v48 =	vor.u32 v2, v55  }
0x4c: {  	v21 =	vperm.xlane v36, v5;
	v24 =	vperm.xlane v54, v5;
	[tilespmem:v26+s9+$0x0] =	vst.idx.add.f32.msk $0xffff, v49  }
0x4d: {  	v30 =	vperm.xlane v9, v4;
	v26 =	vperm.xlane v43, v5;
	[tilespmem:v62+s9+$0x0] =	vst.idx.add.f32.msk $0xffff, v61  }
0x4e: {  	s13 =	simm.s32 $0x0;
	v36 =	vor.u32 v2, v51;
	v43 =	vperm.xlane v9, v5;
	v9 =	vperm.xlane v11, v5;
	v47 =	vld.idx.msk [tilespmem:v63+s2+$0x0], $0xffff  }
.LBB2_5:
0x4f: {  	s13 =	sadd.s32 $0x8, s13;
	v49 =	vld.idx.msk [tilespmem:v33+s2+$0x0], $0xffff;
	s12 =	sadd.s32 $0x80, s12  }
0x50: {  	v6 =	vor.u32 v2, v6;
	p0 =	slt.u32 s13, $0x7C8;
	[tilespmem:v48+s9+$0x0] =	vst.idx.add.f32.msk $0xffff, v45  }
0x51: {  	v45 =	vld [tilespmem:s12+$0x10]  }
0x52: {  	v11 =	vor.u32 v2, v32;
	v33 =	vld [tilespmem:s12+$0x0]  }
0x53: {  	v31 =	vor.u32 v2, v31;
	[tilespmem:v36+s9+$0x0] =	vst.idx.add.f32.msk $0xffff, v46  }
0x54: {  	v46 =	vld.idx.msk [tilespmem:v10+s2+$0x0], $0xffff  }
0x55: {  	[tilespmem:v6+s9+$0x0] =	vst.idx.add.f32.msk $0xffff, v47;
	v6 =	vor.u32 v2, v25  }
0x56: {  	v36 =	vld [tilespmem:s12+$0xFFFFFFD0]  }
0x57: {  	[tilespmem:v11+s9+$0x0] =	vst.idx.add.f32.msk $0xffff, v41  }
0x58: {  	v41 =	vld.idx.msk [tilespmem:v31+s2+$0x0], $0xffff  }
0x59: {  	v31 =	vld [tilespmem:s12+$0xFFFFFFE0]  }
0x5a: {  	v11 =	vor.u32 v2, v40;
	v6 =	vld.idx.msk [tilespmem:v6+s2+$0x0], $0xffff  }
0x5b: {  	v10 =	vor.u32 v2, v9;
	v25 =	vor.u32 v2, v43;
	v40 =	vld [tilespmem:s12+$0x20]  }
0x5c: {  	v9 =	vor.u32 v2, v38;
	v47 =	vor.u32 v2, v30;
	v30 =	vor.u32 v2, v44;
	v43 =	vld [tilespmem:s12+$0xFFFFFFF0]  }
0x5d: {  	v32 =	vor.u32 v2, v26;
	v26 =	vor.u32 v2, v28;
	v44 =	vor.u32 v2, v27;
	v38 =	vld [tilespmem:s12+$0x30]  }
0x5e: {  	v28 =	vor.u32 v2, v34;
	v34 =	vor.u32 v2, v20;
	v37 =	vor.u32 v2, v37;
	v27 =	vld.idx.msk [tilespmem:v39+s2+$0x0], $0xffff  }
0x5f: {  	v20 =	vor.u32 v2, v24;
	v35 =	vor.u32 v2, v35;
	[tilespmem:v11+s9+$0x0] =	vst.idx.add.f32.msk $0xffff, v42  }
0x60: {  	v18 =	vor.u32 v2, v18;
	v39 =	vor.u32 v2, v22;
	v42 =	vor.u32 v2, v21;
	v24 =	vld [tilespmem:s12+$0xFFFFFFC0]  }
0x61: {  	v17 =	vor.u32 v2, v17;
	v29 =	vor.u32 v2, v29;
	v11 =	vshll.u32 v43, $0x2;
	[tilespmem:v9+s9+$0x0] =	vst.idx.add.f32.msk $0xffff, v46  }
0x62: {  	v12 =	vor.u32 v2, v12;
	v9 =	vand.u32 $0xFFFC, v11;
	v11 =	vshll.u32 v38, $0x2;
	v26 =	vld.idx.msk [tilespmem:v26+s2+$0x0], $0xffff  }
0x63: {  	v16 =	vor.u32 v2, v16;
	v21 =	vperm.xlane v9, v1;
	v11 =	vand.u32 $0xFFFC, v11;
	v34 =	vld.idx.msk [tilespmem:v34+s2+$0x0], $0xffff  }
0x64: {  	v46 =	vperm.xlane v11, v1;
	[tilespmem:v7+s9+$0x0] =	vst.idx.add.f32.msk $0xffff, v49;
	v7 =	vor.u32 v2, v23  }
0x65: {  	v22 =	vshrl.u32 v24, $0xC;
	v23 =	vshll.u32 v24, $0x2;
	[tilespmem:v18+s9+$0x0] =	vst.idx.add.f32.msk $0xffff, v27;
	v18 =	vor.u32 v2, v15  }
0x66: {  	v19 =	vor.u32 v2, v19;
	v22 =	vand.u32 $0xFFFC, v22;
	v23 =	vand.u32 $0xFFFC, v23;
	v17 =	vld.idx.msk [tilespmem:v17+s2+$0x0], $0xffff  }
0x67: {  	v27 =	vperm.xlane v22, v1;
	v48 =	vperm.xlane v22, v3;
	[tilespmem:v12+s9+$0x0] =	vst.idx.add.f32.msk $0xffff, v6  }
0x68: {  	v13 =	vor.u32 v2, v13;
	v12 =	vperm.xlane v23, v3;
	v15 =	vperm.xlane v22, v4;
	v16 =	vld.idx.msk [tilespmem:v16+s2+$0x0], $0xffff  }
0x69: {  	v24 =	vperm.xlane v23, v4;
	v22 =	vperm.xlane v22, v5;
	[tilespmem:v7+s9+$0x0] =	vst.idx.add.f32.msk $0xffff, v41  }
0x6a: {  	v8 =	vor.u32 v2, v8;
	v6 =	vperm.xlane v23, v5;
	v7 =	vor.u32 v2, v27;
	v18 =	vld.idx.msk [tilespmem:v18+s2+$0x0], $0xffff  }
0x6b: {  	v23 =	vperm.xlane v23, v1;
	v41 =	vor.u32 v2, v14;
	[tilespmem:v29+s9+$0x0] =	vst.idx.add.f32.msk $0xffff, v34  }
0x6c: {  	v46 =	vor.u32 v2, v46;
	v29 =	vor.u32 v2, v12;
	v12 =	vshll.u32 v33, $0x2;
	[tilespmem:v30+s9+$0x0] =	vst.idx.add.f32.msk $0xffff, v26  }
0x6d: {  	v23 =	vor.u32 v2, v23;
	v48 =	vor.u32 v2, v48;
	v14 =	vshrl.u32 v38, $0xC;
	v13 =	vld.idx.msk [tilespmem:v13+s2+$0x0], $0xffff  }
0x6e: {  	v27 =	vshll.u32 v40, $0x2;
	v34 =	vshrl.u32 v40, $0xC;
	v26 =	vand.u32 $0xFFFC, v14;
	v19 =	vld.idx.msk [tilespmem:v19+s2+$0x0], $0xffff  }
0x6f: {  	v27 =	vand.u32 $0xFFFC, v27;
	v14 =	vshrl.u32 v45, $0xC;
	v30 =	vshll.u32 v45, $0x2;
	[tilespmem:v8+s9+$0x0] =	vst.idx.add.f32.msk $0xffff, v16  }
0x70: {  	v8 =	vand.u32 $0xFFFC, v14;
	v14 =	vand.u32 $0xFFFC, v30;
	v16 =	vperm.xlane v27, v1;
	v37 =	vld.idx.msk [tilespmem:v37+s2+$0x0], $0xffff  }
0x71: {  	v38 =	vshrl.u32 v43, $0xC;
	v30 =	vand.u32 $0xFFFC, v12;
	v12 =	vperm.xlane v8, v1;
	[tilespmem:v35+s9+$0x0] =	vst.idx.add.f32.msk $0xffff, v17  }
0x72: {  	v33 =	vshrl.u32 v33, $0xC;
	v17 =	vshrl.u32 v31, $0xC;
	v35 =	vperm.xlane v26, v3;
	v40 =	vld.idx.msk [tilespmem:v41+s2+$0x0], $0xffff  }
0x73: {  	v43 =	vand.u32 $0xFFFC, v34;
	v41 =	vshll.u32 v36, $0x2;
	v12 =	vor.u32 v2, v12;
	[tilespmem:v47+s9+$0x0] =	vst.idx.add.f32.msk $0xffff, v13  }
0x74: {  	v13 =	vshrl.u32 v36, $0xC;
	v34 =	vand.u32 $0xFFFC, v41;
	v36 =	vperm.xlane v26, v1;
	v41 =	vld.idx.msk [tilespmem:v42+s2+$0x0], $0xffff  }
0x75: {  	v45 =	vand.u32 $0xFFFC, v38;
	v13 =	vand.u32 $0xFFFC, v13;
	v42 =	vperm.xlane v34, v1;
	[tilespmem:v44+s9+$0x0] =	vst.idx.add.f32.msk $0xffff, v19  }
0x76: {  	v38 =	vand.u32 $0xFFFC, v33;
	v19 =	vperm.xlane v13, v1;
	v44 =	vand.u32 $0xFFFC, v17;
	v17 =	vld.idx.msk [tilespmem:v39+s2+$0x0], $0xffff  }
0x77: {  	v39 =	vor.u32 v2, v42;
	v33 =	vperm.xlane v44, v1;
	v42 =	vperm.xlane v43, v1;
	v7 =	vld.idx.msk [tilespmem:v7+s2+$0x0], $0xffff  }
0x78: {  	v31 =	vshll.u32 v31, $0x2;
	v47 =	vperm.xlane v8, v3;
	v19 =	vor.u32 v2, v19;
	[tilespmem:v32+s9+$0x0] =	vst.idx.add.f32.msk $0xffff, v40  }
0x79: {  	v32 =	vor.u32 v2, v33;
	v40 =	vperm.xlane v38, v1;
	[tilespmem:v28+s9+$0x0] =	vst.idx.add.f32.msk $0xffff, v18  }
0x7a: {  	v49 =	vand.u32 $0xFFFC, v31;
	v18 =	vperm.xlane v13, v3;
	v28 =	vor.u32 v2, v36;
	[tilespmem:v25+s9+$0x0] =	vst.idx.add.f32.msk $0xffff, v41  }
0x7b: {  	v31 =	vperm.xlane v14, v1;
	v25 =	vperm.xlane v45, v1;
	[tilespmem:v10+s9+$0x0] =	vst.idx.add.f32.msk $0xffff, v37  }
0x7c: {  	v36 =	vor.u32 v2, v47;
	v10 =	vor.u32 v2, v35;
	[tilespmem:v20+s9+$0x0] =	vst.idx.add.f32.msk $0xffff, v17  }
0x7d: {  	v35 =	vor.u32 v2, v25;
	v17 =	vperm.xlane v30, v1;
	v20 =	vperm.xlane v38, v3;
	v12 =	vld.idx.msk [tilespmem:v12+s2+$0x0], $0xffff  }
0x7e: {  	v41 =	vor.u32 v2, v42;
	v42 =	vor.u32 v2, v16;
	v37 =	vperm.xlane v45, v3;
	v19 =	vld.idx.msk [tilespmem:v19+s2+$0x0], $0xffff  }
0x7f: {  	v31 =	vor.u32 v2, v31;
	v47 =	vperm.xlane v14, v3;
	v16 =	vperm.xlane v30, v3;
	v28 =	vld.idx.msk [tilespmem:v28+s2+$0x0], $0xffff  }
0x80: {  	v50 =	vor.u32 v2, v18;
	[tilespmem:v23+s9+$0x0] =	vst.idx.add.f32.msk $0xffff, v7;
	v23 =	vperm.xlane v8, v4  }
0x81: {  	v52 =	vperm.xlane v43, v3;
	v51 =	vor.u32 v2, v17;
	v7 =	vor.u32 v2, v16;
	v48 =	vld.idx.msk [tilespmem:v48+s2+$0x0], $0xffff  }
0x82: {  	v53 =	vperm.xlane v34, v3;
	v54 =	vperm.xlane v13, v4;
	v33 =	vor.u32 v2, v20;
	v55 =	vld.idx.msk [tilespmem:v32+s2+$0x0], $0xffff  }
0x83: {  	v56 =	vperm.xlane v27, v3;
	v40 =	vor.u32 v2, v40;
	v25 =	vperm.xlane v44, v3;
	v41 =	vld.idx.msk [tilespmem:v41+s2+$0x0], $0xffff  }
0x84: {  	v32 =	vperm.xlane v14, v4;
	[tilespmem:v31+s9+$0x0] =	vst.idx.add.f32.msk $0xffff, v12;
	v31 =	vperm.xlane v8, v5  }
0x85: {  	v20 =	vperm.xlane v43, v4;
	v12 =	vperm.xlane v49, v3;
	[tilespmem:v46+s9+$0x0] =	vst.idx.add.f32.msk $0xffff, v28  }
0x86: {  	v18 =	vperm.xlane v34, v4;
	v17 =	vperm.xlane v38, v4;
	v46 =	vld.idx.msk [tilespmem:v36+s2+$0x0], $0xffff  }
0x87: {  	v37 =	vor.u32 v2, v37;
	[tilespmem:v29+s9+$0x0] =	vst.idx.add.f32.msk $0xffff, v48;
	v29 =	vor.u32 v2, v47  }
0x88: {  	v16 =	vperm.xlane v44, v4;
	v47 =	vor.u32 v2, v15;
	v48 =	vor.u32 v2, v23;
	v35 =	vld.idx.msk [tilespmem:v35+s2+$0x0], $0xffff  }
0x89: {  	v28 =	vperm.xlane v26, v4;
	v15 =	vperm.xlane v13, v5;
	v57 =	vld.idx.msk [tilespmem:v40+s2+$0x0], $0xffff  }
0x8a: {  	v8 =	vperm.xlane v49, v4;
	v13 =	vperm.xlane v45, v4;
	[tilespmem:v42+s9+$0x0] =	vst.idx.add.f32.msk $0xffff, v41  }
0x8b: {  	v52 =	vor.u32 v2, v52;
	v42 =	vor.u32 v2, v21;
	[tilespmem:v39+s9+$0x0] =	vst.idx.add.f32.msk $0xffff, v19  }
0x8c: {  	v36 =	vor.u32 v2, v53;
	v21 =	vperm.xlane v49, v1;
	[tilespmem:v29+s9+$0x0] =	vst.idx.add.f32.msk $0xffff, v46  }
0x8d: {  	v23 =	vperm.xlane v14, v5;
	v19 =	vperm.xlane v43, v5;
	v47 =	vld.idx.msk [tilespmem:v47+s2+$0x0], $0xffff  }
0x8e: {  	v14 =	vperm.xlane v38, v5;
	v43 =	vor.u32 v2, v21;
	v29 =	vperm.xlane v27, v4;
	v41 =	vld.idx.msk [tilespmem:v48+s2+$0x0], $0xffff  }
0x8f: {  	v38 =	vperm.xlane v11, v3;
	v40 =	vperm.xlane v9, v3;
	[tilespmem:v51+s9+$0x0] =	vst.idx.add.f32.msk $0xffff, v57  }
0x90: {  	v39 =	vor.u32 v2, v54;
	v21 =	vperm.xlane v45, v5;
	v51 =	vor.u32 v2, v24;
	v45 =	vld.idx.msk [tilespmem:v52+s2+$0x0], $0xffff  }
0x91: {  	v52 =	vor.u32 v2, v22;
	v22 =	vperm.xlane v44, v5;
	[tilespmem:v42+s9+$0x0] =	vst.idx.add.f32.msk $0xffff, v35  }
.Ltmp1:
0x92: {  	v24 =	vperm.xlane v49, v5;
	v35 =	vperm.xlane v30, v4;
	v46 =	vld.idx.msk [tilespmem:v50+s2+$0x0], $0xffff;
	(pc) =	sbr.rel @p0 .LBB2_5-.Ltmp1, $4  }
0x93: {  	v34 =	vperm.xlane v34, v5;
	v48 =	vor.u32 v2, v56;
	v42 =	vld.idx.msk [tilespmem:v37+s2+$0x0], $0xffff;
	v37 =	vperm.xlane v26, v5  }
0x94: {  	v27 =	vperm.xlane v27, v5;
	v26 =	vperm.xlane v30, v5;
	[tilespmem:v43+s9+$0x0] =	vst.idx.add.f32.msk $0xffff, v55  }
0x95: {  	v44 =	vperm.xlane v11, v4;
	v30 =	vperm.xlane v9, v4;
	[tilespmem:v51+s9+$0x0] =	vst.idx.add.f32.msk $0xffff, v47  }
0x96: {  	v43 =	vperm.xlane v9, v5;
	v9 =	vperm.xlane v11, v5;
	v47 =	vld.idx.msk [tilespmem:v52+s2+$0x0], $0xffff  }
0x97: {  	_ =	sdelay $0x2  }
0x98: {  	v6 =	vor.u32 v2, v6  }
0x99: {  	v11 =	vld.idx.msk [tilespmem:v33+s2+$0x0], $0xffff;
	v32 =	vor.u32 v2, v32  }
0x9a: {  	[tilespmem:v48+s9+$0x0] =	vst.idx.add.f32.msk $0xffff, v45;
	v25 =	vor.u32 v2, v25  }
0x9b: {  	[tilespmem:v36+s9+$0x0] =	vst.idx.add.f32.msk $0xffff, v46  }
0x9c: {  	v10 =	vld.idx.msk [tilespmem:v10+s2+$0x0], $0xffff;
	v46 =	vor.u32 v2, v38  }
0x9d: {  	v20 =	vor.u32 v2, v20;
	[tilespmem:v6+s9+$0x0] =	vst.idx.add.f32.msk $0xffff, v47  }
0x9e: {  	[tilespmem:v32+s9+$0x0] =	vst.idx.add.f32.msk $0xffff, v41  }
0x9f: {  	v31 =	vor.u32 v2, v31;
	v25 =	vld.idx.msk [tilespmem:v25+s2+$0x0], $0xffff  }
0xa0: {  	v28 =	vor.u32 v2, v28;
	v47 =	vld.idx.msk [tilespmem:v39+s2+$0x0], $0xffff  }
0xa1: {  	v17 =	vor.u32 v2, v17;
	[tilespmem:v46+s9+$0x0] =	vst.idx.add.f32.msk $0xffff, v10  }
0xa2: {  	v6 =	vor.u32 v2, v40;
	v50 =	vld.idx.msk [tilespmem:v20+s2+$0x0], $0xffff  }
0xa3: {  	v48 =	vor.u32 v2, v12;
	[tilespmem:v7+s9+$0x0] =	vst.idx.add.f32.msk $0xffff, v11  }
0xa4: {  	v51 =	vor.u32 v2, v29;
	v31 =	vld.idx.msk [tilespmem:v31+s2+$0x0], $0xffff  }
0xa5: {  	v16 =	vor.u32 v2, v16;
	v49 =	vld.idx.msk [tilespmem:v28+s2+$0x0], $0xffff  }
0xa6: {  	v7 =	vor.u32 v2, v23;
	v52 =	vld.idx.msk [tilespmem:v17+s2+$0x0], $0xffff  }
0xa7: {  	v53 =	vor.u32 v2, v44;
	[tilespmem:v6+s9+$0x0] =	vst.idx.add.f32.msk $0xffff, v42  }
0xa8: {  	v13 =	vor.u32 v2, v13;
	[tilespmem:v48+s9+$0x0] =	vst.idx.add.f32.msk $0xffff, v25  }
0xa9: {  	v54 =	vor.u32 v2, v19;
	[tilespmem:v51+s9+$0x0] =	vst.idx.add.f32.msk $0xffff, v50  }
0xaa: {  	v56 =	vor.u32 v2, v35;
	v10 =	vld.idx.msk [tilespmem:v16+s2+$0x0], $0xffff  }
0xab: {  	v55 =	vor.u32 v2, v37;
	[tilespmem:v7+s9+$0x0] =	vst.idx.add.f32.msk $0xffff, v31  }
0xac: {  	v57 =	vor.u32 v2, v14;
	[tilespmem:v53+s9+$0x0] =	vst.idx.add.f32.msk $0xffff, v49  }
0xad: {  	v6 =	vor.u32 v2, v18;
	v13 =	vld.idx.msk [tilespmem:v13+s2+$0x0], $0xffff  }
0xae: {  	v7 =	vor.u32 v2, v8;
	v16 =	vld.idx.msk [tilespmem:v54+s2+$0x0], $0xffff  }
0xaf: {  	v58 =	vor.u32 v2, v30;
	[tilespmem:v56+s9+$0x0] =	vst.idx.add.f32.msk $0xffff, v52  }
0xb0: {  	v59 =	vor.u32 v2, v21;
	v8 =	vld.idx.msk [tilespmem:v55+s2+$0x0], $0xffff  }
0xb1: {  	v60 =	vor.u32 v2, v22;
	v12 =	vld.idx.msk [tilespmem:v57+s2+$0x0], $0xffff  }
0xb2: {  	[tilespmem:v6+s9+$0x0] =	vst.idx.add.f32.msk $0xffff, v47;
	v6 =	vor.u32 v2, v15  }
0xb3: {  	[tilespmem:v7+s9+$0x0] =	vst.idx.add.f32.msk $0xffff, v10;
	v7 =	vor.u32 v2, v27  }
0xb4: {  	v61 =	vor.u32 v2, v26;
	[tilespmem:v58+s9+$0x0] =	vst.idx.add.f32.msk $0xffff, v13  }
0xb5: {  	v9 =	vor.u32 v2, v9;
	v14 =	vld.idx.msk [tilespmem:v59+s2+$0x0], $0xffff  }
0xb6: {  	v63 =	vor.u32 v2, v43;
	v10 =	vld.idx.msk [tilespmem:v60+s2+$0x0], $0xffff  }
0xb7: {  	v62 =	vor.u32 v2, v34;
	s11 =	sadd.s32 $0x1, s11;
	v6 =	vld.idx.msk [tilespmem:v6+s2+$0x0], $0xffff  }
0xb8: {  	p0 =	sne.s32 s11, $0xA;
	[tilespmem:v7+s9+$0x0] =	vst.idx.add.f32.msk $0xffff, v16;
	v7 =	vor.u32 v2, v24  }
.Ltmp2:
0xb9: {  	[tilespmem:v61+s9+$0x0] =	vst.idx.add.f32.msk $0xffff, v12;
	(pc) =	sbr.rel @p0 .LBB2_4-.Ltmp2, $4  }
0xba: {  	[tilespmem:v9+s9+$0x0] =	vst.idx.add.f32.msk $0xffff, v8  }
0xbb: {  	[tilespmem:v63+s9+$0x0] =	vst.idx.add.f32.msk $0xffff, v14  }
0xbc: {  	[tilespmem:v62+s9+$0x0] =	vst.idx.add.f32.msk $0xffff, v6  }
0xbd: {  	[tilespmem:v7+s9+$0x0] =	vst.idx.add.f32.msk $0xffff, v10  }
0xbe: {  	s10 =	sadd.s32 $0x1, s10  }
0xbf: {  	p0 =	sne.s32 s10, s6  }
.Ltmp3:
0xc0: {  	_ = 	snop;
	(pc) =	sbr.rel @p0 .LBB2_1-.Ltmp3, $4  }
0xc1: {  	[hbm4b:s5+s2] =	stream.linear.scatter [tilespmem:s9], [sflag:$0x1], $0xA000, $0x38;
	[tilespmem:$0x1BD00] =	vst v63  }
0xc2: {  	_ =	swait.ge [sflag:s7], $0xA000  }
0xc3: {  	[sflag:s7] =	ssyncset.done $0x0  }
0xc4: {  	[sflag:s7] =	ssyncadd.s32 $0xFFFF6000  }
0xc5: {  	_ =	sfence.sel $0x180000  }
0xc6: {  	[bflag:$0x0] =	sbarrier.arrive $0xFFFF  }
0xc7: {  	p0 =	sne.s32 s0, $0x0;
	_ =	strace $0x9000004D  }
0xc8: {  	s0 =	sadd.s32 @!p0 $0x100000, s1;
	[bflag:$0x2] =	sbarrier.arrive $0xFFFF  }
0xc9: {  	[sflag:s0] =	ssyncadd.tile.s32 @!p0 $0x1;
	_ =	shalt  }
.Lfunc_end2:
_tile_overlayer_lowered:
.L_overlay_start_2:
0xca: {  	(tag) =	ssettag $0x2  }
0xcb: {  	s0 =	rddreg [dreg:$0x0];
	s2 =	stileid.u32  }
0xcc: {  	s1 =	rddreg [dreg:$0x1];
	p0 =	sne.s32 s2, $0x0  }
0xcd: {  	s3 =	rddreg [dreg:$0x2];
	[bflag:$0x3] =	sbarrier.arrive $0xFFFF;
	s2 =	simm.s32 @!p0 $0x1C01  }
0xce: {  	[timem:s3], [sflag:s2] =	dma.local @!p0 [hbm:s0], s1  }
0xcf: {  	s0 =	simm.s32 @!p0 $0x1  }
0xd0: {  	_ =	swait.ge @!p0 [sflag:s0], s1  }
0xd1: {  	s1 =	ssub.s32 @!p0 $0x0, s1;
	[sflag:s0] =	ssyncset.done @!p0 $0x0  }
0xd2: {  	[sflag:s0] =	ssyncadd.s32 @!p0 s1  }
0xd3: {  	[bflag:$0x3] =	sbarrier.arrive $0xFFFF  }
0xd4: {  	_ =	shalt  }

// kernel: kernel.19.cloned.1.call-start
scs
__scs_entry_jumppad:
0x0: {  	(pc) =	sbr.rel $0x88, $3  }
0x1: {  	(tag) =	ssettag $0x0;
	lr =	simm.s32 $0x1  }
0x2: {  	[smem:$0x3F8E] =	sst lr;
	_ =	strace $0xD0000000  }
0x3: {  	_ = 	snop  }
0x4: {  	_ = 	snop  }
0x5: {  	_ = 	snop  }
0x6: {  	_ = 	snop  }
0x7: {  	_ = 	snop  }
__scs_overlays_trampoline_lowered:
0x8: {  	[smem:$0x3F9D] =	sst s0  }
0x9: {  	[smem:$0x3F9E] =	sst s1  }
0xa: {  	[smem:$0x3F9F] =	sst s2  }
0xb: {  	[smem:$0x3FA0] =	sst s3  }
0xc: {  	[smem:$0x3FA1] =	sst s4  }
0xd: {  	[smem:$0x3FA2] =	sst s5  }
0xe: {  	[smem:$0x3FA3] =	sst s6  }
0xf: {  	[smem:$0x3FA4] =	sst s7  }
0x10: {  	[smem:$0x3FA5] =	sst s8  }
0x11: {  	[smem:$0x3FA6] =	sst s9;
	s0 =	simm.s32 @!p0 $0x0  }
0x12: {  	s1 =	sld [smem:$0x3F8C];
	s0 =	simm.s32 @p0 $0x1  }
0x13: {  	[smem:$0x3FA7] =	sst s0;
	s0 =	simm.s32 @!p1 $0x0  }
0x14: {  	s2 =	sld [smem:$0x3F8B];
	s0 =	simm.s32 @p1 $0x1  }
0x15: {  	[smem:$0x3FA8] =	sst s0;
	s0 =	simm.s32 @!p2 $0x0  }
0x16: {  	s3 =	sld [smem:$0x3FDB];
	s0 =	simm.s32 @p2 $0x1  }
0x17: {  	s4 =	simm.s32 $0x1BF5;
	[smem:$0x3FAA] =	sst s0  }
0x18: {  	s0 =	sld [smem:$0x3F8D];
	_ =	swait.ge [sflag:s4], $0x0  }
0x19: {  	s7 =	sld [smem:$0x3F8E]  }
0x1a: {  	s8 =	sadd.s32 $0xFFFFE003, lr  }
0x1b: {  	s9 =	sadd.s32 $0xFFFFFEF7, lr;
	s5 =	simm.s32 $0xFFFFFFFF;
	p2 =	slt.u32 s8, $0xFFFFF086  }
0x1c: {  	p1 =	slt.u32 s9, $0xF7A;
	s5 =	simm.s32 @!p2 $0x0  }
0x1d: {  	s5 =	simm.s32 @p1 $0x1;
	p0 =	seq.s32 s7, s2  }
0x1e: {  	s7 =	smul.u32 @!p0 $0xF7A, s2;
	p2 =	seq.s32 @!p0 s5, $0x0  }
0x1f: {  	s9 =	smul.u32 $0xF7A, s1;
	s8 =	simm.s32 @!p0 $0x1BF5;
	p2 =	por !p2, p0  }
0x20: {  	[sflag:s8] =	ssyncset.s32 @!p0 $0xFFFFF086;
	s6 =	sadd.s32 @!p0 s3, s7;
	s7 =	simm.s32 @!p0 $0x108  }
0x21: {  	s3 =	sadd.s32 s3, s9;
	s6 =	sadd.s32 @!p0 $0x88, s6;
	s7 =	simm.s32 @p2 $0x1082  }
0x22: {  	[simem:s7], [sflag:s8] =	dma.local @!p0 [hbm:s6], $0xF7A  }
0x23: {  	s9 =	sor.u32 $0xD0000000, s2;
	s6 =	simm.s32 $0x108;
	_ =	swait.ge @!p0 [sflag:s8], $0x0  }
0x24: {  	s3 =	sadd.s32 $0x88, s3;
	s6 =	simm.s32 @!p1 $0x1082;
	[sflag:s4] =	ssyncset.s32 $0xFFFFF086  }
0x25: {  	[simem:s6], [sflag:s4] =	dma.local [hbm:s3], $0xF7A  }
0x26: {  	[smem:$0x3F8E] =	sst s1;
	(tag) =	ssettag s2;
	_ =	strace s9  }
0x27: {  	s1 =	sld [smem:$0x3F9E]  }
0x28: {  	s2 =	sld [smem:$0x3F9F]  }
0x29: {  	s4 =	sld [smem:$0x3FA1]  }
0x2a: {  	p0 =	seq.s32 s5, $0x0;
	s5 =	sld [smem:$0x3FA2]  }
0x2b: {  	s6 =	sld [smem:$0x3FA3]  }
0x2c: {  	s7 =	sld [smem:$0x3FA4]  }
0x2d: {  	s3 =	simm.s32 $0x108;
	s8 =	sld [smem:$0x3FA5]  }
0x2e: {  	s3 =	simm.s32 @!p0 $0x1082;
	s9 =	sld [smem:$0x3FA6]  }
0x2f: {  	lr =	sadd.s32 s0, s3;
	s0 =	sld [smem:$0x3F9D]  }
0x30: {  	s3 =	sld [smem:$0x3FA0]  }
0x31: {  	[smem:$0x3FA9] =	sst s10  }
0x32: {  	s10 =	sld [smem:$0x3FA7];
	_ =	sdelay $0x3  }
0x33: {  	p0 =	seq.s32 s10, $0x1;
	s10 =	sld [smem:$0x3FA9];
	_ =	sdelay $0x3  }
0x34: {  	[smem:$0x3FA9] =	sst s10  }
0x35: {  	s10 =	sld [smem:$0x3FA8];
	_ =	sdelay $0x3  }
0x36: {  	p1 =	seq.s32 s10, $0x1;
	s10 =	sld [smem:$0x3FA9];
	_ =	sdelay $0x3  }
0x37: {  	[smem:$0x3FA9] =	sst s10  }
0x38: {  	s10 =	sld [smem:$0x3FAA]  }
0x39: {  	_ = 	snop;
	(pc) =	sbr.ind lr, $3  }
0x3a: {  	_ = 	snop  }
0x3b: {  	_ = 	snop  }
0x3c: {  	p2 =	seq.s32 s10, $0x1;
	s10 =	sld [smem:$0x3FA9]  }
0x3d: {  	_ =	shalt  }
0x3e: {  	_ =	shalt  }
0x3f: {  	_ =	shalt  }
0x40: {  	_ =	shalt  }
0x41: {  	_ =	shalt  }
0x42: {  	_ =	shalt  }
0x43: {  	_ =	shalt  }
0x44: {  	_ =	shalt  }
0x45: {  	_ =	shalt  }
0x46: {  	_ =	shalt  }
0x47: {  	_ =	shalt  }
0x48: {  	_ =	shalt  }
0x49: {  	_ =	shalt  }
0x4a: {  	_ =	shalt  }
0x4b: {  	_ =	shalt  }
0x4c: {  	_ =	shalt  }
0x4d: {  	_ =	shalt  }
0x4e: {  	_ =	shalt  }
0x4f: {  	_ =	shalt  }
0x50: {  	_ =	shalt  }
0x51: {  	_ =	shalt  }
0x52: {  	_ =	shalt  }
0x53: {  	_ =	shalt  }
0x54: {  	_ =	shalt  }
0x55: {  	_ =	shalt  }
0x56: {  	_ =	shalt  }
0x57: {  	_ =	shalt  }
0x58: {  	_ =	shalt  }
0x59: {  	_ =	shalt  }
0x5a: {  	_ =	shalt  }
0x5b: {  	_ =	shalt  }
0x5c: {  	_ =	shalt  }
0x5d: {  	_ =	shalt  }
0x5e: {  	_ =	shalt  }
0x5f: {  	_ =	shalt  }
0x60: {  	_ =	shalt  }
0x61: {  	_ =	shalt  }
0x62: {  	_ =	shalt  }
0x63: {  	_ =	shalt  }
0x64: {  	_ =	shalt  }
0x65: {  	_ =	shalt  }
0x66: {  	_ =	shalt  }
0x67: {  	_ =	shalt  }
0x68: {  	_ =	shalt  }
0x69: {  	_ =	shalt  }
0x6a: {  	_ =	shalt  }
0x6b: {  	_ =	shalt  }
0x6c: {  	_ =	shalt  }
0x6d: {  	_ =	shalt  }
0x6e: {  	_ =	shalt  }
0x6f: {  	_ =	shalt  }
0x70: {  	_ =	shalt  }
0x71: {  	_ =	shalt  }
0x72: {  	_ =	shalt  }
0x73: {  	_ =	shalt  }
0x74: {  	_ =	shalt  }
0x75: {  	_ =	shalt  }
0x76: {  	_ =	shalt  }
0x77: {  	_ =	shalt  }
0x78: {  	_ =	shalt  }
0x79: {  	_ =	shalt  }
0x7a: {  	_ =	shalt  }
0x7b: {  	_ =	shalt  }
0x7c: {  	_ =	shalt  }
0x7d: {  	_ =	shalt  }
0x7e: {  	_ =	shalt  }
0x7f: {  	_ =	shalt  }
0x80: {  	_ =	shalt  }
0x81: {  	_ =	shalt  }
0x82: {  	_ =	shalt  }
0x83: {  	_ =	shalt  }
0x84: {  	_ =	shalt  }
0x85: {  	_ =	shalt  }
0x86: {  	_ =	shalt  }
0x87: {  	_ =	shalt  }
.Lfunc_end0:
.L_simem_size_0:
called_computation.3_lowered:
.L_overlay_start_0:
0x88: {  	s2 =	sld [smem:$0x3FD9]  }
0x89: {  	s3 =	sld [smem:$0x3FFE];
	_ =	sdelay $0x1  }
0x8a: {  	s1 =	srdreg.scid  }
0x8b: {  	s0 =	sand.u32 $0x1, s1  }
0x8c: {  	s16 =	sshll.u32 s0, $0xA;
	s2 =	sadd.s32 s3, s2  }
0x8d: {  	s2 =	sadd.s32 s2, s16  }
0x8e: {  	[smem:$0x3FB5] =	sst s2  }
0x8f: {  	_ = 	snop  }
0x90: {  	(tm) =	ssettm $0x1  }
0x91: {  	s17 =	sld [smem:$0x3FFB];
	_ =	sdelay $0x3  }
0x92: {  	_ =	strace s17  }
0x93: {  	s2 =	sld [smem:$0x3FFC];
	_ =	sdelay $0x3  }
0x94: {  	_ =	strace s2  }
0x95: {  	s2 =	sld [smem:$0x3FFD];
	_ =	sdelay $0x3  }
0x96: {  	_ =	strace s2  }
0x97: {  	_ =	strace $0x8FFFFFFF  }
0x98: {  	s18 =	sld [smem:$0x3FDB];
	_ =	sdelay $0x1  }
0x99: {  	s19 =	simm.s32 $_scs_section_size  }
0x9a: {  	s4 =	simm.s32 $_size__tile_overlayer_lowered;
	s5 =	simm.s32 $_tile_overlayer_lowered  }
0x9b: {  	s22 =	simm.s32 $0x1BFF;
	s21 =	sshll.u32 s5, $0x1;
	s2 =	sadd.s32 s19, s18  }
0x9c: {  	s6 =	simm.s32 $0x0;
	s20 =	sshll.u32 s4, $0x1;
	s4 =	sadd.s32 s21, s2  }
0x9d: {  	[timem:s6], [sflag:s22] =	dma.local [hbm:s4], s20  }
0x9e: {  	_ =	swait.ge [sflag:s22], s20  }
0x9f: {  	s3 =	ssub.s32 $0x0, s20;
	[sflag:s22] =	ssyncset.done $0x0  }
0xa0: {  	[sflag:s22] =	ssyncadd.s32 s3;
	_ =	sdelay $0x1  }
0xa1: {  	s23 =	simm.s32 $0x1B8B  }
0xa2: {  	_ =	swait.ge [sflag:s23], $0x1  }
0xa3: {  	[sflag:s23] =	ssyncset.done $0x0  }
0xa4: {  	s25 =	simm.s32 $0x1B8E;
	s24 =	sld [smem:$0x3FFE];
	[sflag:s23] =	ssyncadd.s32 $0xFFFFFFFF  }
0xa5: {  	s26 =	simm.s32 $execute0_lowered;
	[smem:$0x3FD2] =	sst s25  }
0xa6: {  	s4 =	sshll.u32 s26, $0x1;
	_ =	strace $0x8000004F;
	[dreg:$0x1] =	wrdreg $0xFFFFFFFF  }
0xa7: {  	s28 =	simm.s32 $_size_execute0_lowered;
	s2 =	sadd.s32 s2, s4;
	[dreg:$0x0] =	wrdreg $0x0  }
0xa8: {  	s4 =	sshll.u32 s28, $0x1;
	[dreg:$0x2] =	wrdreg s2  }
0xa9: {  	[dreg:$0x3] =	wrdreg s4  }
0xaa: {  	[dreg:$0x4] =	wrdreg $0xC0  }
0xab: {  	_ =	task [dreg:s6], $0x5FFFF  }
0xac: {  	[dreg:$0x1] =	wrdreg $0xFFFFFFFF  }
0xad: {  	[dreg:$0x0] =	wrdreg $0x60  }
0xae: {  	[dreg:$0x2] =	wrdreg s24  }
0xaf: {  	[dreg:$0x3] =	wrdreg $0x9  }
0xb0: {  	_ =	task.clear_ibuf [dreg:s6], $0x4FFFF;
	_ =	strace $0x9000004F  }
0xb1: {  	s29 =	simm.s32 $0x9;
	_ =	strace $0x80000051  }
0xb2: {  	_ =	swait.ge [sflag:s29], $0x1  }
0xb3: {  	[sflag:s29] =	ssyncadd.s32 $0xFFFFFFFF  }
0xb4: {  	_ =	strace $0x90000051  }
0xb5: {  	_ =	sfence  }
0xb6: {  	s30 =	sld [smem:$0x0];
	_ =	sdelay $0x2  }
0xb7: {  	s31 =	sshll.u32 s1, $0xD;
	s1 =	sshrl.u32 s1, $0x2  }
0xb8: {  	s3 =	sand.u32 $0x4000, s31;
	s1 =	sadd.s32 s1, s30  }
0xb9: {  	s0 =	sor.u32 s3, s0;
	s1 =	sshll.u32 s1, $0x11  }
0xba: {  	s0 =	sor.u32 s1, s0  }
0xbb: {  	s0 =	sadd.s32 $0x8F2B, s0  }
0xbc: {  	[sflag:s0] =	ssyncadd.remote.s32 $0x1  }
0xbd: {  	_ =	sfence.sel $0xFFFF  }
0xbe: {  	[dreg:$0x0] =	wrdreg $0xFFFFFFFF;
	(pc) =	sbr.abs _section_cstart, $3  }
0xbf: {  	[dreg:$0x1] =	wrdreg $0xFFFFFFFF  }
0xc0: {  	_ =	task.clear_ibuf [dreg:s6], $0x2FFFF;
	_ =	strace $0x9FFFFFFF  }
0xc1: {  	(tm) =	ssettm $0x7FFFFFFF  }
tec
execute0_lowered:
.L_overlay_start_1:
0x0: {  	(tag) =	ssettag $0x1  }
0x1: {  	s1 =	srdreg.scid;
	s0 =	stileid.u32  }
0x2: {  	s4 =	rddreg [dreg:$0x0];
	s2 =	simm.s32 $0x0;
	s8 =	simm.s32 $0x14000  }
0x3: {  	s9 =	simm.s32 $0xA000;
	s3 =	sand.u32 $0x1, s1;
	s31 =	sshll.u32 s0, $0x1  }
0x4: {  	s10 =	simm.s32 $0x0;
	s1 =	rddreg [dreg:$0x1];
	s5 =	sor.u32 s3, s31  }
0x5: {  	[smem:$0x7FF] =	sst s2;
	s6 =	ssub.s32 $0x2, s3;
	s5 =	smul.u32 $0x1400, s5  }
0x6: {  	v2 =	vlaneseq.u32;
	_ =	strace $0x80000050;
	s3 =	sadd.s32 $0x19400, s4;
	s7 =	sshrl.u32 s6, $0x1  }
0x7: {  	v0 =	vimm.f32 $0.0e+00;
	v1 =	vshrl.u32 v2, $0x2;
	v2 =	vand.u32 $0x3, v2;
	s6 =	ssub.s32 s6, s7;
	s7 =	simm.s32 $0x1;
	s5 =	sadd.s32 s5, s4  }
0x8: {  	v3 =	vor.u32 $0x4, v1;
	v4 =	vor.u32 $0x8, v1;
	v5 =	vor.u32 $0xC, v1;
	s6 =	smax.u32 s6, $0x1;
	s4 =	sadd.s32 $0x54B200, s5;
	s5 =	sadd.s32 $0x4B200, s5  }
.LBB2_1:
0x9: {  	[tilespmem:s2], [sflag:$0x1] =	stream.linear.gather [hbm4b:s4+s2], $0xA000, $0x38;
	[tilespmem:$0x1BD00] =	vst v63  }
0xa: {  	_ =	swait.ge [sflag:s7], $0xA000  }
0xb: {  	[sflag:s7] =	ssyncset.done $0x0  }
0xc: {  	s11 =	simm.s32 $0x0;
	[sflag:s7] =	ssyncadd.s32 $0xFFFF6000  }
.LBB2_2:
0xd: {  	p0 =	sne.s32 s11, $0x27FC0  }
.Ltmp0:
0xe: {  	_ = 	snop;
	(pc) =	sbr.rel @p0 .LBB2_2-.Ltmp0, $3  }
0xf: {  	_ =	sdelay $0x1  }
0x10: {  	s12 =	sshra.s32 s11, $0x2  }
0x11: {  	s11 =	sadd.s32 $0x40, s11;
	[tilespmem:s12+$0xA000] =	vst v0  }
0x12: {  	s11 =	simm.s32 $0x0  }
.LBB2_4:
0x13: {  	s12 =	smul.u32 $0xFA0, s11;
	_ =	sdelay $0x1  }
0x14: {  	s12 =	sadd.s32 s3, s12  }
0x15: {  	[tilespmem:s8], [sflag:$0x1] =	stream.linear.gather [hbm4b:s12+s2], $0x7D00, $0x38;
	[tilespmem:$0x1BD00] =	vst v63  }
0x16: {  	_ =	swait.ge [sflag:s7], $0x7D00  }
0x17: {  	[sflag:s7] =	ssyncset.done $0x0  }
0x18: {  	s12 =	simm.s32 $0x14040;
	[sflag:s7] =	ssyncadd.s32 $0xFFFF8300  }
0x19: {  	v7 =	vld [tilespmem:s12+$0xFFFFFFF0]  }
0x1a: {  	v8 =	vld [tilespmem:s12+$0x30]  }
0x1b: {  	v6 =	vld [tilespmem:s12+$0xFFFFFFC0]  }
0x1c: {  	v14 =	vld [tilespmem:s12+$0x0]  }
0x1d: {  	v16 =	vld [tilespmem:s12+$0x20]  }
0x1e: {  	v20 =	vld [tilespmem:s12+$0xFFFFFFD0]  }
0x1f: {  	v25 =	vld [tilespmem:s12+$0xFFFFFFE0];
	_ =	sdelay $0x1  }
0x20: {  	v9 =	vshll.u32 v7, $0x2;
	v10 =	vshll.u32 v8, $0x2  }
0x21: {  	v19 =	vld [tilespmem:s12+$0x10];
	v12 =	vshrl.u32 v6, $0xC;
	v6 =	vshll.u32 v6, $0x2;
	v23 =	vshll.u32 v14, $0x2  }
0x22: {  	v8 =	vshrl.u32 v8, $0xC;
	v26 =	vshrl.u32 v16, $0xC;
	v16 =	vshll.u32 v16, $0x2  }
0x23: {  	v7 =	vshrl.u32 v7, $0xC;
	v28 =	vshrl.u32 v25, $0xC;
	v29 =	vshrl.u32 v20, $0xC  }
0x24: {  	v14 =	vshrl.u32 v14, $0xC;
	v20 =	vshll.u32 v20, $0x2;
	v9 =	vand.u32 $0xFFFC, v9  }
0x25: {  	v11 =	vand.u32 $0xFFFC, v10;
	v10 =	vand.u32 $0xFFFC, v12;
	v6 =	vand.u32 $0xFFFC, v6  }
0x26: {  	v27 =	vand.u32 $0xFFFC, v8;
	v8 =	vshrl.u32 v19, $0xC;
	v19 =	vshll.u32 v19, $0x2  }
0x27: {  	v30 =	vand.u32 $0xFFFC, v16;
	v43 =	vand.u32 $0xFFFC, v23;
	v29 =	vand.u32 $0xFFFC, v29  }
0x28: {  	v26 =	vand.u32 $0xFFFC, v26;
	v13 =	vperm.xlane v9, v1;
	v12 =	vperm.xlane v11, v1  }
0x29: {  	v34 =	vand.u32 $0xFFFC, v20;
	v15 =	vperm.xlane v10, v1;
	v17 =	vperm.xlane v10, v3  }
0x2a: {  	v35 =	vand.u32 $0xFFFC, v28;
	v18 =	vperm.xlane v6, v3;
	v21 =	vperm.xlane v10, v4  }
0x2b: {  	v36 =	vand.u32 $0xFFFC, v7;
	v22 =	vperm.xlane v6, v4;
	v24 =	vperm.xlane v10, v5  }
0x2c: {  	v14 =	vand.u32 $0xFFFC, v14;
	v16 =	vperm.xlane v30, v1;
	v31 =	vperm.xlane v27, v3  }
0x2d: {  	v8 =	vand.u32 $0xFFFC, v8;
	v32 =	vperm.xlane v29, v1;
	v20 =	vperm.xlane v27, v1  }
0x2e: {  	v19 =	vand.u32 $0xFFFC, v19;
	v33 =	vperm.xlane v34, v1;
	v7 =	vperm.xlane v35, v1  }
0x2f: {  	v37 =	vperm.xlane v26, v1;
	v59 =	vperm.xlane v14, v1;
	v10 =	vor.u32 v2, v15  }
0x30: {  	v39 =	vperm.xlane v29, v3;
	v40 =	vperm.xlane v36, v1;
	v28 =	vor.u32 v2, v32  }
0x31: {  	v62 =	vperm.xlane v14, v3;
	v45 =	vperm.xlane v36, v3;
	v20 =	vor.u32 v2, v20  }
0x32: {  	v50 =	vperm.xlane v26, v3;
	v23 =	vperm.xlane v8, v1;
	v7 =	vor.u32 v2, v7  }
0x33: {  	v51 =	vperm.xlane v34, v3;
	v15 =	vperm.xlane v6, v1;
	v60 =	vor.u32 v2, v40  }
0x34: {  	v53 =	vperm.xlane v29, v4;
	v55 =	vperm.xlane v30, v3;
	v23 =	vor.u32 v2, v23;
	v58 =	vld.idx.msk [tilespmem:v10+s2+$0x0], $0xffff  }
0x35: {  	v41 =	vperm.xlane v19, v1;
	v47 =	vperm.xlane v8, v4;
	v15 =	vor.u32 v2, v15;
	v44 =	vld.idx.msk [tilespmem:v28+s2+$0x0], $0xffff  }
0x36: {  	v6 =	vperm.xlane v6, v5;
	v18 =	vor.u32 v2, v18;
	v28 =	vor.u32 v2, v37;
	v20 =	vld.idx.msk [tilespmem:v20+s2+$0x0], $0xffff  }
0x37: {  	v12 =	vor.u32 v2, v12;
	v17 =	vor.u32 v2, v17;
	v38 =	vor.u32 v2, v33;
	v49 =	vld.idx.msk [tilespmem:v7+s2+$0x0], $0xffff  }
0x38: {  	v46 =	vor.u32 v2, v16;
	v16 =	vperm.xlane v19, v3;
	v39 =	vor.u32 v2, v39;
	v37 =	vld.idx.msk [tilespmem:v60+s2+$0x0], $0xffff  }
0x39: {  	v33 =	vor.u32 v2, v62;
	v32 =	vperm.xlane v19, v4;
	v10 =	vperm.xlane v8, v3;
	v23 =	vld.idx.msk [tilespmem:v23+s2+$0x0], $0xffff  }
0x3a: {  	v21 =	vor.u32 v2, v21;
	v61 =	vor.u32 v2, v41;
	[tilespmem:v15+s9+$0x0] =	vst.idx.add.f32.msk $0xffff, v58  }
0x3b: {  	v40 =	vperm.xlane v9, v3;
	v62 =	vor.u32 v2, v22;
	v42 =	vor.u32 v2, v10;
	v52 =	vld.idx.msk [tilespmem:v28+s2+$0x0], $0xffff  }
0x3c: {  	v22 =	vperm.xlane v35, v5;
	v28 =	vor.u32 v2, v59;
	[tilespmem:v12+s9+$0x0] =	vst.idx.add.f32.msk $0xffff, v20  }
0x3d: {  	v56 =	vor.u32 v2, v47;
	v63 =	vor.u32 v2, v16;
	[tilespmem:v38+s9+$0x0] =	vst.idx.add.f32.msk $0xffff, v44  }
0x3e: {  	v10 =	vor.u32 v2, v31;
	v31 =	vperm.xlane v43, v1;
	v59 =	vor.u32 v2, v13;
	v17 =	vld.idx.msk [tilespmem:v17+s2+$0x0], $0xffff  }
0x3f: {  	v16 =	vperm.xlane v35, v4;
	v60 =	vor.u32 v2, v45;
	[tilespmem:v61+s9+$0x0] =	vst.idx.add.f32.msk $0xffff, v23  }
0x40: {  	v48 =	vor.u32 v2, v31;
	v31 =	vperm.xlane v8, v5;
	v15 =	vperm.xlane v43, v3;
	v23 =	vld.idx.msk [tilespmem:v42+s2+$0x0], $0xffff  }
0x41: {  	v20 =	vperm.xlane v26, v4;
	v58 =	vor.u32 v2, v50;
	v13 =	vperm.xlane v36, v4;
	v57 =	vld.idx.msk [tilespmem:v28+s2+$0x0], $0xffff  }
0x42: {  	v38 =	vperm.xlane v11, v3;
	v44 =	vperm.xlane v11, v4;
	[tilespmem:v46+s9+$0x0] =	vst.idx.add.f32.msk $0xffff, v52  }
0x43: {  	v7 =	vor.u32 v2, v15;
	v15 =	vshll.u32 v25, $0x2;
	v25 =	vperm.xlane v35, v3;
	[tilespmem:v59+s9+$0x0] =	vst.idx.add.f32.msk $0xffff, v37  }
0x44: {  	v35 =	vperm.xlane v43, v4;
	v54 =	vand.u32 $0xFFFC, v15;
	v15 =	vperm.xlane v29, v5;
	v46 =	vld.idx.msk [tilespmem:v39+s2+$0x0], $0xffff  }
0x45: {  	v12 =	vperm.xlane v54, v3;
	v29 =	vperm.xlane v54, v1;
	[tilespmem:v18+s9+$0x0] =	vst.idx.add.f32.msk $0xffff, v17  }
0x46: {  	v8 =	vperm.xlane v54, v4;
	v28 =	vperm.xlane v27, v4;
	[tilespmem:v63+s9+$0x0] =	vst.idx.add.f32.msk $0xffff, v23  }
0x47: {  	v45 =	vld.idx.msk [tilespmem:v58+s2+$0x0], $0xffff;
	v23 =	vperm.xlane v19, v5;
	v19 =	vperm.xlane v26, v5;
	v26 =	vor.u32 v2, v29  }
0x48: {  	v37 =	vperm.xlane v27, v5;
	v27 =	vperm.xlane v30, v5;
	v61 =	vld.idx.msk [tilespmem:v21+s2+$0x0], $0xffff  }
0x49: {  	v18 =	vperm.xlane v34, v4;
	v17 =	vperm.xlane v14, v4;
	v42 =	vld.idx.msk [tilespmem:v60+s2+$0x0], $0xffff;
	v63 =	vor.u32 v2, v24  }
0x4a: {  	v39 =	vor.u32 v2, v53;
	v14 =	vperm.xlane v14, v5;
	v34 =	vperm.xlane v34, v5;
	v41 =	vld.idx.msk [tilespmem:v56+s2+$0x0], $0xffff  }
0x4b: {  	v29 =	vperm.xlane v30, v4;
	[tilespmem:v48+s9+$0x0] =	vst.idx.add.f32.msk $0xffff, v57;
	v48 =	vor.u32 v2, v55  }
0x4c: {  	v21 =	vperm.xlane v36, v5;
	v24 =	vperm.xlane v54, v5;
	[tilespmem:v26+s9+$0x0] =	vst.idx.add.f32.msk $0xffff, v49  }
0x4d: {  	v30 =	vperm.xlane v9, v4;
	v26 =	vperm.xlane v43, v5;
	[tilespmem:v62+s9+$0x0] =	vst.idx.add.f32.msk $0xffff, v61  }
0x4e: {  	s13 =	simm.s32 $0x0;
	v36 =	vor.u32 v2, v51;
	v43 =	vperm.xlane v9, v5;
	v9 =	vperm.xlane v11, v5;
	v47 =	vld.idx.msk [tilespmem:v63+s2+$0x0], $0xffff  }
.LBB2_5:
0x4f: {  	s13 =	sadd.s32 $0x8, s13;
	v49 =	vld.idx.msk [tilespmem:v33+s2+$0x0], $0xffff;
	s12 =	sadd.s32 $0x80, s12  }
0x50: {  	v6 =	vor.u32 v2, v6;
	p0 =	slt.u32 s13, $0x7C8;
	[tilespmem:v48+s9+$0x0] =	vst.idx.add.f32.msk $0xffff, v45  }
0x51: {  	v45 =	vld [tilespmem:s12+$0x10]  }
0x52: {  	v11 =	vor.u32 v2, v32;
	v33 =	vld [tilespmem:s12+$0x0]  }
0x53: {  	v31 =	vor.u32 v2, v31;
	[tilespmem:v36+s9+$0x0] =	vst.idx.add.f32.msk $0xffff, v46  }
0x54: {  	v46 =	vld.idx.msk [tilespmem:v10+s2+$0x0], $0xffff  }
0x55: {  	[tilespmem:v6+s9+$0x0] =	vst.idx.add.f32.msk $0xffff, v47;
	v6 =	vor.u32 v2, v25  }
0x56: {  	v36 =	vld [tilespmem:s12+$0xFFFFFFD0]  }
0x57: {  	[tilespmem:v11+s9+$0x0] =	vst.idx.add.f32.msk $0xffff, v41  }
0x58: {  	v41 =	vld.idx.msk [tilespmem:v31+s2+$0x0], $0xffff  }
0x59: {  	v31 =	vld [tilespmem:s12+$0xFFFFFFE0]  }
0x5a: {  	v11 =	vor.u32 v2, v40;
	v6 =	vld.idx.msk [tilespmem:v6+s2+$0x0], $0xffff  }
0x5b: {  	v10 =	vor.u32 v2, v9;
	v25 =	vor.u32 v2, v43;
	v40 =	vld [tilespmem:s12+$0x20]  }
0x5c: {  	v9 =	vor.u32 v2, v38;
	v47 =	vor.u32 v2, v30;
	v30 =	vor.u32 v2, v44;
	v43 =	vld [tilespmem:s12+$0xFFFFFFF0]  }
0x5d: {  	v32 =	vor.u32 v2, v26;
	v26 =	vor.u32 v2, v28;
	v44 =	vor.u32 v2, v27;
	v38 =	vld [tilespmem:s12+$0x30]  }
0x5e: {  	v28 =	vor.u32 v2, v34;
	v34 =	vor.u32 v2, v20;
	v37 =	vor.u32 v2, v37;
	v27 =	vld.idx.msk [tilespmem:v39+s2+$0x0], $0xffff  }
0x5f: {  	v20 =	vor.u32 v2, v24;
	v35 =	vor.u32 v2, v35;
	[tilespmem:v11+s9+$0x0] =	vst.idx.add.f32.msk $0xffff, v42  }
0x60: {  	v18 =	vor.u32 v2, v18;
	v39 =	vor.u32 v2, v22;
	v42 =	vor.u32 v2, v21;
	v24 =	vld [tilespmem:s12+$0xFFFFFFC0]  }
0x61: {  	v17 =	vor.u32 v2, v17;
	v29 =	vor.u32 v2, v29;
	v11 =	vshll.u32 v43, $0x2;
	[tilespmem:v9+s9+$0x0] =	vst.idx.add.f32.msk $0xffff, v46  }
0x62: {  	v12 =	vor.u32 v2, v12;
	v9 =	vand.u32 $0xFFFC, v11;
	v11 =	vshll.u32 v38, $0x2;
	v26 =	vld.idx.msk [tilespmem:v26+s2+$0x0], $0xffff  }
0x63: {  	v16 =	vor.u32 v2, v16;
	v21 =	vperm.xlane v9, v1;
	v11 =	vand.u32 $0xFFFC, v11;
	v34 =	vld.idx.msk [tilespmem:v34+s2+$0x0], $0xffff  }
0x64: {  	v46 =	vperm.xlane v11, v1;
	[tilespmem:v7+s9+$0x0] =	vst.idx.add.f32.msk $0xffff, v49;
	v7 =	vor.u32 v2, v23  }
0x65: {  	v22 =	vshrl.u32 v24, $0xC;
	v23 =	vshll.u32 v24, $0x2;
	[tilespmem:v18+s9+$0x0] =	vst.idx.add.f32.msk $0xffff, v27;
	v18 =	vor.u32 v2, v15  }
0x66: {  	v19 =	vor.u32 v2, v19;
	v22 =	vand.u32 $0xFFFC, v22;
	v23 =	vand.u32 $0xFFFC, v23;
	v17 =	vld.idx.msk [tilespmem:v17+s2+$0x0], $0xffff  }
0x67: {  	v27 =	vperm.xlane v22, v1;
	v48 =	vperm.xlane v22, v3;
	[tilespmem:v12+s9+$0x0] =	vst.idx.add.f32.msk $0xffff, v6  }
0x68: {  	v13 =	vor.u32 v2, v13;
	v12 =	vperm.xlane v23, v3;
	v15 =	vperm.xlane v22, v4;
	v16 =	vld.idx.msk [tilespmem:v16+s2+$0x0], $0xffff  }
0x69: {  	v24 =	vperm.xlane v23, v4;
	v22 =	vperm.xlane v22, v5;
	[tilespmem:v7+s9+$0x0] =	vst.idx.add.f32.msk $0xffff, v41  }
0x6a: {  	v8 =	vor.u32 v2, v8;
	v6 =	vperm.xlane v23, v5;
	v7 =	vor.u32 v2, v27;
	v18 =	vld.idx.msk [tilespmem:v18+s2+$0x0], $0xffff  }
0x6b: {  	v23 =	vperm.xlane v23, v1;
	v41 =	vor.u32 v2, v14;
	[tilespmem:v29+s9+$0x0] =	vst.idx.add.f32.msk $0xffff, v34  }
0x6c: {  	v46 =	vor.u32 v2, v46;
	v29 =	vor.u32 v2, v12;
	v12 =	vshll.u32 v33, $0x2;
	[tilespmem:v30+s9+$0x0] =	vst.idx.add.f32.msk $0xffff, v26  }
0x6d: {  	v23 =	vor.u32 v2, v23;
	v48 =	vor.u32 v2, v48;
	v14 =	vshrl.u32 v38, $0xC;
	v13 =	vld.idx.msk [tilespmem:v13+s2+$0x0], $0xffff  }
0x6e: {  	v27 =	vshll.u32 v40, $0x2;
	v34 =	vshrl.u32 v40, $0xC;
	v26 =	vand.u32 $0xFFFC, v14;
	v19 =	vld.idx.msk [tilespmem:v19+s2+$0x0], $0xffff  }
0x6f: {  	v27 =	vand.u32 $0xFFFC, v27;
	v14 =	vshrl.u32 v45, $0xC;
	v30 =	vshll.u32 v45, $0x2;
	[tilespmem:v8+s9+$0x0] =	vst.idx.add.f32.msk $0xffff, v16  }
0x70: {  	v8 =	vand.u32 $0xFFFC, v14;
	v14 =	vand.u32 $0xFFFC, v30;
	v16 =	vperm.xlane v27, v1;
	v37 =	vld.idx.msk [tilespmem:v37+s2+$0x0], $0xffff  }
0x71: {  	v38 =	vshrl.u32 v43, $0xC;
	v30 =	vand.u32 $0xFFFC, v12;
	v12 =	vperm.xlane v8, v1;
	[tilespmem:v35+s9+$0x0] =	vst.idx.add.f32.msk $0xffff, v17  }
0x72: {  	v33 =	vshrl.u32 v33, $0xC;
	v17 =	vshrl.u32 v31, $0xC;
	v35 =	vperm.xlane v26, v3;
	v40 =	vld.idx.msk [tilespmem:v41+s2+$0x0], $0xffff  }
0x73: {  	v43 =	vand.u32 $0xFFFC, v34;
	v41 =	vshll.u32 v36, $0x2;
	v12 =	vor.u32 v2, v12;
	[tilespmem:v47+s9+$0x0] =	vst.idx.add.f32.msk $0xffff, v13  }
0x74: {  	v13 =	vshrl.u32 v36, $0xC;
	v34 =	vand.u32 $0xFFFC, v41;
	v36 =	vperm.xlane v26, v1;
	v41 =	vld.idx.msk [tilespmem:v42+s2+$0x0], $0xffff  }
0x75: {  	v45 =	vand.u32 $0xFFFC, v38;
	v13 =	vand.u32 $0xFFFC, v13;
	v42 =	vperm.xlane v34, v1;
	[tilespmem:v44+s9+$0x0] =	vst.idx.add.f32.msk $0xffff, v19  }
0x76: {  	v38 =	vand.u32 $0xFFFC, v33;
	v19 =	vperm.xlane v13, v1;
	v44 =	vand.u32 $0xFFFC, v17;
	v17 =	vld.idx.msk [tilespmem:v39+s2+$0x0], $0xffff  }
0x77: {  	v39 =	vor.u32 v2, v42;
	v33 =	vperm.xlane v44, v1;
	v42 =	vperm.xlane v43, v1;
	v7 =	vld.idx.msk [tilespmem:v7+s2+$0x0], $0xffff  }
0x78: {  	v31 =	vshll.u32 v31, $0x2;
	v47 =	vperm.xlane v8, v3;
	v19 =	vor.u32 v2, v19;
	[tilespmem:v32+s9+$0x0] =	vst.idx.add.f32.msk $0xffff, v40  }
0x79: {  	v32 =	vor.u32 v2, v33;
	v40 =	vperm.xlane v38, v1;
	[tilespmem:v28+s9+$0x0] =	vst.idx.add.f32.msk $0xffff, v18  }
0x7a: {  	v49 =	vand.u32 $0xFFFC, v31;
	v18 =	vperm.xlane v13, v3;
	v28 =	vor.u32 v2, v36;
	[tilespmem:v25+s9+$0x0] =	vst.idx.add.f32.msk $0xffff, v41  }
0x7b: {  	v31 =	vperm.xlane v14, v1;
	v25 =	vperm.xlane v45, v1;
	[tilespmem:v10+s9+$0x0] =	vst.idx.add.f32.msk $0xffff, v37  }
0x7c: {  	v36 =	vor.u32 v2, v47;
	v10 =	vor.u32 v2, v35;
	[tilespmem:v20+s9+$0x0] =	vst.idx.add.f32.msk $0xffff, v17  }
0x7d: {  	v35 =	vor.u32 v2, v25;
	v17 =	vperm.xlane v30, v1;
	v20 =	vperm.xlane v38, v3;
	v12 =	vld.idx.msk [tilespmem:v12+s2+$0x0], $0xffff  }
0x7e: {  	v41 =	vor.u32 v2, v42;
	v42 =	vor.u32 v2, v16;
	v37 =	vperm.xlane v45, v3;
	v19 =	vld.idx.msk [tilespmem:v19+s2+$0x0], $0xffff  }
0x7f: {  	v31 =	vor.u32 v2, v31;
	v47 =	vperm.xlane v14, v3;
	v16 =	vperm.xlane v30, v3;
	v28 =	vld.idx.msk [tilespmem:v28+s2+$0x0], $0xffff  }
0x80: {  	v50 =	vor.u32 v2, v18;
	[tilespmem:v23+s9+$0x0] =	vst.idx.add.f32.msk $0xffff, v7;
	v23 =	vperm.xlane v8, v4  }
0x81: {  	v52 =	vperm.xlane v43, v3;
	v51 =	vor.u32 v2, v17;
	v7 =	vor.u32 v2, v16;
	v48 =	vld.idx.msk [tilespmem:v48+s2+$0x0], $0xffff  }
0x82: {  	v53 =	vperm.xlane v34, v3;
	v54 =	vperm.xlane v13, v4;
	v33 =	vor.u32 v2, v20;
	v55 =	vld.idx.msk [tilespmem:v32+s2+$0x0], $0xffff  }
0x83: {  	v56 =	vperm.xlane v27, v3;
	v40 =	vor.u32 v2, v40;
	v25 =	vperm.xlane v44, v3;
	v41 =	vld.idx.msk [tilespmem:v41+s2+$0x0], $0xffff  }
0x84: {  	v32 =	vperm.xlane v14, v4;
	[tilespmem:v31+s9+$0x0] =	vst.idx.add.f32.msk $0xffff, v12;
	v31 =	vperm.xlane v8, v5  }
0x85: {  	v20 =	vperm.xlane v43, v4;
	v12 =	vperm.xlane v49, v3;
	[tilespmem:v46+s9+$0x0] =	vst.idx.add.f32.msk $0xffff, v28  }
0x86: {  	v18 =	vperm.xlane v34, v4;
	v17 =	vperm.xlane v38, v4;
	v46 =	vld.idx.msk [tilespmem:v36+s2+$0x0], $0xffff  }
0x87: {  	v37 =	vor.u32 v2, v37;
	[tilespmem:v29+s9+$0x0] =	vst.idx.add.f32.msk $0xffff, v48;
	v29 =	vor.u32 v2, v47  }
0x88: {  	v16 =	vperm.xlane v44, v4;
	v47 =	vor.u32 v2, v15;
	v48 =	vor.u32 v2, v23;
	v35 =	vld.idx.msk [tilespmem:v35+s2+$0x0], $0xffff  }
0x89: {  	v28 =	vperm.xlane v26, v4;
	v15 =	vperm.xlane v13, v5;
	v57 =	vld.idx.msk [tilespmem:v40+s2+$0x0], $0xffff  }
0x8a: {  	v8 =	vperm.xlane v49, v4;
	v13 =	vperm.xlane v45, v4;
	[tilespmem:v42+s9+$0x0] =	vst.idx.add.f32.msk $0xffff, v41  }
0x8b: {  	v52 =	vor.u32 v2, v52;
	v42 =	vor.u32 v2, v21;
	[tilespmem:v39+s9+$0x0] =	vst.idx.add.f32.msk $0xffff, v19  }
0x8c: {  	v36 =	vor.u32 v2, v53;
	v21 =	vperm.xlane v49, v1;
	[tilespmem:v29+s9+$0x0] =	vst.idx.add.f32.msk $0xffff, v46  }
0x8d: {  	v23 =	vperm.xlane v14, v5;
	v19 =	vperm.xlane v43, v5;
	v47 =	vld.idx.msk [tilespmem:v47+s2+$0x0], $0xffff  }
0x8e: {  	v14 =	vperm.xlane v38, v5;
	v43 =	vor.u32 v2, v21;
	v29 =	vperm.xlane v27, v4;
	v41 =	vld.idx.msk [tilespmem:v48+s2+$0x0], $0xffff  }
0x8f: {  	v38 =	vperm.xlane v11, v3;
	v40 =	vperm.xlane v9, v3;
	[tilespmem:v51+s9+$0x0] =	vst.idx.add.f32.msk $0xffff, v57  }
0x90: {  	v39 =	vor.u32 v2, v54;
	v21 =	vperm.xlane v45, v5;
	v51 =	vor.u32 v2, v24;
	v45 =	vld.idx.msk [tilespmem:v52+s2+$0x0], $0xffff  }
0x91: {  	v52 =	vor.u32 v2, v22;
	v22 =	vperm.xlane v44, v5;
	[tilespmem:v42+s9+$0x0] =	vst.idx.add.f32.msk $0xffff, v35  }
.Ltmp1:
0x92: {  	v24 =	vperm.xlane v49, v5;
	v35 =	vperm.xlane v30, v4;
	v46 =	vld.idx.msk [tilespmem:v50+s2+$0x0], $0xffff;
	(pc) =	sbr.rel @p0 .LBB2_5-.Ltmp1, $4  }
0x93: {  	v34 =	vperm.xlane v34, v5;
	v48 =	vor.u32 v2, v56;
	v42 =	vld.idx.msk [tilespmem:v37+s2+$0x0], $0xffff;
	v37 =	vperm.xlane v26, v5  }
0x94: {  	v27 =	vperm.xlane v27, v5;
	v26 =	vperm.xlane v30, v5;
	[tilespmem:v43+s9+$0x0] =	vst.idx.add.f32.msk $0xffff, v55  }
0x95: {  	v44 =	vperm.xlane v11, v4;
	v30 =	vperm.xlane v9, v4;
	[tilespmem:v51+s9+$0x0] =	vst.idx.add.f32.msk $0xffff, v47  }
0x96: {  	v43 =	vperm.xlane v9, v5;
	v9 =	vperm.xlane v11, v5;
	v47 =	vld.idx.msk [tilespmem:v52+s2+$0x0], $0xffff  }
0x97: {  	_ =	sdelay $0x2  }
0x98: {  	v6 =	vor.u32 v2, v6  }
0x99: {  	v11 =	vld.idx.msk [tilespmem:v33+s2+$0x0], $0xffff;
	v32 =	vor.u32 v2, v32  }
0x9a: {  	[tilespmem:v48+s9+$0x0] =	vst.idx.add.f32.msk $0xffff, v45;
	v25 =	vor.u32 v2, v25  }
0x9b: {  	[tilespmem:v36+s9+$0x0] =	vst.idx.add.f32.msk $0xffff, v46  }
0x9c: {  	v10 =	vld.idx.msk [tilespmem:v10+s2+$0x0], $0xffff;
	v46 =	vor.u32 v2, v38  }
0x9d: {  	v20 =	vor.u32 v2, v20;
	[tilespmem:v6+s9+$0x0] =	vst.idx.add.f32.msk $0xffff, v47  }
0x9e: {  	[tilespmem:v32+s9+$0x0] =	vst.idx.add.f32.msk $0xffff, v41  }
0x9f: {  	v31 =	vor.u32 v2, v31;
	v25 =	vld.idx.msk [tilespmem:v25+s2+$0x0], $0xffff  }
0xa0: {  	v28 =	vor.u32 v2, v28;
	v47 =	vld.idx.msk [tilespmem:v39+s2+$0x0], $0xffff  }
0xa1: {  	v17 =	vor.u32 v2, v17;
	[tilespmem:v46+s9+$0x0] =	vst.idx.add.f32.msk $0xffff, v10  }
0xa2: {  	v6 =	vor.u32 v2, v40;
	v50 =	vld.idx.msk [tilespmem:v20+s2+$0x0], $0xffff  }
0xa3: {  	v48 =	vor.u32 v2, v12;
	[tilespmem:v7+s9+$0x0] =	vst.idx.add.f32.msk $0xffff, v11  }
0xa4: {  	v51 =	vor.u32 v2, v29;
	v31 =	vld.idx.msk [tilespmem:v31+s2+$0x0], $0xffff  }
0xa5: {  	v16 =	vor.u32 v2, v16;
	v49 =	vld.idx.msk [tilespmem:v28+s2+$0x0], $0xffff  }
0xa6: {  	v7 =	vor.u32 v2, v23;
	v52 =	vld.idx.msk [tilespmem:v17+s2+$0x0], $0xffff  }
0xa7: {  	v53 =	vor.u32 v2, v44;
	[tilespmem:v6+s9+$0x0] =	vst.idx.add.f32.msk $0xffff, v42  }
0xa8: {  	v13 =	vor.u32 v2, v13;
	[tilespmem:v48+s9+$0x0] =	vst.idx.add.f32.msk $0xffff, v25  }
0xa9: {  	v54 =	vor.u32 v2, v19;
	[tilespmem:v51+s9+$0x0] =	vst.idx.add.f32.msk $0xffff, v50  }
0xaa: {  	v56 =	vor.u32 v2, v35;
	v10 =	vld.idx.msk [tilespmem:v16+s2+$0x0], $0xffff  }
0xab: {  	v55 =	vor.u32 v2, v37;
	[tilespmem:v7+s9+$0x0] =	vst.idx.add.f32.msk $0xffff, v31  }
0xac: {  	v57 =	vor.u32 v2, v14;
	[tilespmem:v53+s9+$0x0] =	vst.idx.add.f32.msk $0xffff, v49  }
0xad: {  	v6 =	vor.u32 v2, v18;
	v13 =	vld.idx.msk [tilespmem:v13+s2+$0x0], $0xffff  }
0xae: {  	v7 =	vor.u32 v2, v8;
	v16 =	vld.idx.msk [tilespmem:v54+s2+$0x0], $0xffff  }
0xaf: {  	v58 =	vor.u32 v2, v30;
	[tilespmem:v56+s9+$0x0] =	vst.idx.add.f32.msk $0xffff, v52  }
0xb0: {  	v59 =	vor.u32 v2, v21;
	v8 =	vld.idx.msk [tilespmem:v55+s2+$0x0], $0xffff  }
0xb1: {  	v60 =	vor.u32 v2, v22;
	v12 =	vld.idx.msk [tilespmem:v57+s2+$0x0], $0xffff  }
0xb2: {  	[tilespmem:v6+s9+$0x0] =	vst.idx.add.f32.msk $0xffff, v47;
	v6 =	vor.u32 v2, v15  }
0xb3: {  	[tilespmem:v7+s9+$0x0] =	vst.idx.add.f32.msk $0xffff, v10;
	v7 =	vor.u32 v2, v27  }
0xb4: {  	v61 =	vor.u32 v2, v26;
	[tilespmem:v58+s9+$0x0] =	vst.idx.add.f32.msk $0xffff, v13  }
0xb5: {  	v9 =	vor.u32 v2, v9;
	v14 =	vld.idx.msk [tilespmem:v59+s2+$0x0], $0xffff  }
0xb6: {  	v63 =	vor.u32 v2, v43;
	v10 =	vld.idx.msk [tilespmem:v60+s2+$0x0], $0xffff  }
0xb7: {  	v62 =	vor.u32 v2, v34;
	s11 =	sadd.s32 $0x1, s11;
	v6 =	vld.idx.msk [tilespmem:v6+s2+$0x0], $0xffff  }
0xb8: {  	p0 =	sne.s32 s11, $0xA;
	[tilespmem:v7+s9+$0x0] =	vst.idx.add.f32.msk $0xffff, v16;
	v7 =	vor.u32 v2, v24  }
.Ltmp2:
0xb9: {  	[tilespmem:v61+s9+$0x0] =	vst.idx.add.f32.msk $0xffff, v12;
	(pc) =	sbr.rel @p0 .LBB2_4-.Ltmp2, $4  }
0xba: {  	[tilespmem:v9+s9+$0x0] =	vst.idx.add.f32.msk $0xffff, v8  }
0xbb: {  	[tilespmem:v63+s9+$0x0] =	vst.idx.add.f32.msk $0xffff, v14  }
0xbc: {  	[tilespmem:v62+s9+$0x0] =	vst.idx.add.f32.msk $0xffff, v6  }
0xbd: {  	[tilespmem:v7+s9+$0x0] =	vst.idx.add.f32.msk $0xffff, v10  }
0xbe: {  	s10 =	sadd.s32 $0x1, s10  }
0xbf: {  	p0 =	sne.s32 s10, s6  }
.Ltmp3:
0xc0: {  	_ = 	snop;
	(pc) =	sbr.rel @p0 .LBB2_1-.Ltmp3, $4  }
0xc1: {  	[hbm4b:s5+s2] =	stream.linear.scatter [tilespmem:s9], [sflag:$0x1], $0xA000, $0x38;
	[tilespmem:$0x1BD00] =	vst v63  }
0xc2: {  	_ =	swait.ge [sflag:s7], $0xA000  }
0xc3: {  	[sflag:s7] =	ssyncset.done $0x0  }
0xc4: {  	[sflag:s7] =	ssyncadd.s32 $0xFFFF6000  }
0xc5: {  	_ =	sfence.sel $0x180000  }
0xc6: {  	[bflag:$0x0] =	sbarrier.arrive $0xFFFF  }
0xc7: {  	p0 =	sne.s32 s0, $0x0;
	_ =	strace $0x90000050  }
0xc8: {  	s0 =	sadd.s32 @!p0 $0x100000, s1;
	[bflag:$0x2] =	sbarrier.arrive $0xFFFF  }
0xc9: {  	[sflag:s0] =	ssyncadd.tile.s32 @!p0 $0x1;
	_ =	shalt  }
.Lfunc_end2:
_tile_overlayer_lowered:
.L_overlay_start_2:
0xca: {  	(tag) =	ssettag $0x2  }
0xcb: {  	s0 =	rddreg [dreg:$0x0];
	s2 =	stileid.u32  }
0xcc: {  	s1 =	rddreg [dreg:$0x1];
	p0 =	sne.s32 s2, $0x0  }
0xcd: {  	s3 =	rddreg [dreg:$0x2];
	[bflag:$0x3] =	sbarrier.arrive $0xFFFF;
	s2 =	simm.s32 @!p0 $0x1C01  }
0xce: {  	[timem:s3], [sflag:s2] =	dma.local @!p0 [hbm:s0], s1  }
0xcf: {  	s0 =	simm.s32 @!p0 $0x1  }
0xd0: {  	_ =	swait.ge @!p0 [sflag:s0], s1  }
0xd1: {  	s1 =	ssub.s32 @!p0 $0x0, s1;
	[sflag:s0] =	ssyncset.done @!p0 $0x0  }
0xd2: {  	[sflag:s0] =	ssyncadd.s32 @!p0 s1  }
0xd3: {  	[bflag:$0x3] =	sbarrier.arrive $0xFFFF  }
0xd4: {  	_ =	shalt  }

</sc_bundles>
